<compile_context>
chip_gen: v7x
topology: tpu7x:2x2x1
jax: 0.10.2.dev20260603
libtpu: 0.0.44.dev20260713+nightly
codegen_flags: <defaults>
</compile_context>

<pallas_src>
import functools

import jax
import jax.numpy as jnp
from jax import lax
from jax.experimental import pallas as pl
from jax.experimental.pallas import tpu as pltpu
from jax.experimental.pallas import tpu_sc as plsc

NUM_MODES = 6
HID = 32


_CHUNK = 128
_K = 16
_RING = 4


def _sc_emb_body(nc, groups, table_hbm, mode2d_hbm, out_hbm,
                 tbl_s, idx_b, rows, gsem, osem):
    cid = lax.axis_index("c")
    sid = lax.axis_index("s")
    wid = sid * nc + cid

    @pl.when(sid == 0)
    def _():
        pltpu.sync_copy(table_hbm, tbl_s)

    plsc.subcore_barrier()

    row0 = wid * groups * _K

    def drain_one(slot):
        pltpu.make_async_copy(
            out_hbm.at[pl.ds(pl.multiple_of(row0 * _CHUNK, _CHUNK), _CHUNK)],
            rows.at[slot], osem,
        ).wait()

    def group(g, carry):
        crow = pl.multiple_of(row0 + g * _K, _K)
        pltpu.sync_copy(mode2d_hbm.at[pl.ds(crow, _K)], idx_b)
        for j in range(_K):
            s = j % _RING
            if j < _RING:
                @pl.when(g > 0)
                def _():
                    drain_one(s)
            else:
                drain_one(s)
            pltpu.async_copy(tbl_s.at[idx_b.at[j]], rows.at[s], gsem).wait()
            off = pl.multiple_of((crow + j) * _CHUNK, _CHUNK)
            pltpu.async_copy(rows.at[s], out_hbm.at[pl.ds(off, _CHUNK)], osem)
        return carry

    lax.fori_loop(0, groups, group, 0)
    for s in range(_RING):
        drain_one(s)


def _sc_emb(mode2d, table):
    rows_total, chunk = mode2d.shape
    assert chunk == _CHUNK
    n = rows_total * _CHUNK
    d = table.shape[1]
    info = plsc.get_sparse_core_info()
    nw = info.num_cores * info.num_subcores
    assert rows_total % (nw * _K) == 0
    groups = rows_total // (nw * _K)

    mesh = plsc.VectorSubcoreMesh(core_axis_name="c", subcore_axis_name="s")
    kern = functools.partial(
        pl.kernel,
        mesh=mesh,
        out_type=jax.ShapeDtypeStruct((n, d), jnp.float32),
        scratch_types=[
            pltpu.VMEM_SHARED((NUM_MODES, d), jnp.float32),
            pltpu.VMEM((_K, _CHUNK), jnp.int32),
            pltpu.VMEM((_RING, _CHUNK, d), jnp.float32),
            pltpu.SemaphoreType.DMA,
            pltpu.SemaphoreType.DMA,
        ],
    )(functools.partial(_sc_emb_body, info.num_cores, groups))
    return kern(table, mode2d)



_BB = 512

_INV_SQRT2 = 2.0 ** -0.5


def _tc_rates_body(mode_ref, sp_ref, hr_ref, cg_ref,
                   eb_ref, enb_ref, w1_ref, b1_ref, w2_ref, b2_ref,
                   em_ref, en_ref):
    m = mode_ref[...]
    sp = sp_ref[...]
    hr = hr_ref[...] * (_INV_SQRT2 / 24.0)
    cg = cg_ref[...]

    acc_e = jnp.full_like(sp, b2_ref[0])
    acc_n = jnp.full_like(sp, b2_ref[1])
    for j in range(HID):
        y = (sp * (w1_ref[0, j] * _INV_SQRT2) + hr * w1_ref[1, j]
             + cg * (w1_ref[2, j] * _INV_SQRT2) + b1_ref[j] * _INV_SQRT2)
        t = y * (1.0 + lax.erf(y))
        acc_e = acc_e + t * (w2_ref[j, 0] * _INV_SQRT2)
        acc_n = acc_n + t * (w2_ref[j, 1] * _INV_SQRT2)

    base_e = jnp.zeros_like(sp)
    base_n = jnp.zeros_like(sp)
    for k in range(NUM_MODES):
        mk = m == k
        base_e = jnp.where(mk, eb_ref[k], base_e)
        base_n = jnp.where(mk, enb_ref[k], base_n)

    em_ref[...] = jnp.maximum(base_e + acc_e, 0.0)
    en_ref[...] = jnp.maximum(base_n + acc_n, 0.0)


def _tc_rates(mode, speed, hour, congestion,
              emission_base, energy_base, W1, b1, W2, b2):
    b, l = mode.shape
    assert b % _BB == 0
    grid = (b // _BB,)
    big = pl.BlockSpec((_BB, l), lambda i: (i, 0))
    smem = pl.BlockSpec(memory_space=pltpu.SMEM)
    out_shape = jax.ShapeDtypeStruct((b, l), jnp.float32)
    return pl.pallas_call(
        _tc_rates_body,
        grid=grid,
        in_specs=[big, big, big, big, smem, smem, smem, smem, smem, smem],
        out_specs=[big, big],
        out_shape=[out_shape, out_shape],
    )(mode, speed, hour, congestion,
      emission_base, energy_base, W1, b1, W2, b2)




def kernel(mode, speed, hour, congestion, mode_embed, emission_base, energy_base, W1, b1, W2, b2):
    b, l = mode.shape
    d = mode_embed.shape[1]
    n = b * l

    emb = _sc_emb(mode.reshape(n // _CHUNK, _CHUNK), mode_embed)
    em, en = _tc_rates(mode, speed, hour, congestion,
                       emission_base, energy_base, W1, b1, W2, b2)
    return emb.reshape(b, l, d), em, en

# --- scband reference (transcript-rebuilt; emitter-appended) ---
"""Pipeline reference for scband-transport-mode-encoder-919123001536 (READ-ONLY COPY).

The authoritative reference and input builder live on the scoring server;
editing this copy changes nothing except your own understanding.
"""

import jax, jax.numpy as jnp
import numpy as np

B, L, D = 16384, 200, 128
NUM_MODES = 6

def setup_inputs(seed: int = 0) -> dict:
    key = jax.random.key(seed)
    ks = jax.random.split(key, 8)
    mode = jax.random.randint(ks[0], (B, L), 0, NUM_MODES)
    speed = jax.random.uniform(ks[1], (B, L), dtype=jnp.float32)
    hour = jax.random.uniform(ks[2], (B, L), dtype=jnp.float32) * 24.0
    congestion = jax.random.uniform(ks[3], (B, L), dtype=jnp.float32)
    mode_embed = jax.random.normal(ks[4], (NUM_MODES, D), dtype=jnp.float32)
    emission_base = jnp.array([0.0, 0.0, 89.0, 192.0, 41.0, 100.0], dtype=jnp.float32)
    energy_base = jnp.array([250.0, 100.0, 800.0, 2500.0, 400.0, 1000.0], dtype=jnp.float32)
    W1 = jax.random.normal(ks[5], (3, 32), dtype=jnp.float32) * (1.0 / np.sqrt(3.0))
    b1 = jnp.zeros((32,), dtype=jnp.float32)
    W2 = jax.random.normal(ks[6], (32, 2), dtype=jnp.float32) * (1.0 / np.sqrt(32.0))
    b2 = jnp.zeros((2,), dtype=jnp.float32)
    return {"mode": mode, "speed": speed, "hour": hour, "congestion": congestion,
            "mode_embed": mode_embed, "emission_base": emission_base, "energy_base": energy_base,
            "W1": W1, "b1": b1, "W2": W2, "b2": b2}

def reference(mode, speed, hour, congestion, mode_embed, emission_base, energy_base, W1, b1, W2, b2):
    emb = jnp.take(mode_embed, mode, axis=0)
    base_emission = jnp.take(emission_base, mode, axis=0)
    base_energy = jnp.take(energy_base, mode, axis=0)
    context = jnp.stack([speed, hour / 24.0, congestion], axis=-1)
    h = jax.nn.gelu(context @ W1 + b1, approximate=False)
    adj = h @ W2 + b2
    adj_emission = adj[..., 0]
    adj_energy = adj[..., 1]
    emission_rate = jnp.clip(base_emission + adj_emission, 0.0, None)
    energy_rate = jnp.clip(base_energy + adj_energy, 0.0, None)
    return (emb, emission_rate, energy_rate)

if __name__ == "__main__":
    import jax
    _d = setup_inputs()
    print(jax.jit(kernel)(*tuple(_d.values())))

</pallas_src>

<mosaic_0001>
#map = affine_map<(d0, d1) -> (0, 0)>
module attributes {stable_mosaic.version = 14 : i64} {
  func.func @_sc_emb_body(%arg0: i32, %arg1: i32, %arg2: memref<6x128xf32, #tpu.memory_space<hbm>>, %arg3: memref<25600x128xi32, #tpu.memory_space<hbm>>, %arg4: memref<3276800x128xf32, #tpu.memory_space<hbm>>, %arg5: memref<6x128xf32, #tpu.memory_space<vmem_shared>>, %arg6: memref<16x128xi32, #tpu.memory_space<vmem>>, %arg7: memref<4x128x128xf32, #tpu.memory_space<vmem>>, %arg8: memref<!tpu.dma_semaphore, #tpu.memory_space<semaphore_mem>>, %arg9: memref<!tpu.dma_semaphore, #tpu.memory_space<semaphore_mem>>) attributes {dimension_semantics = [#tpu.dimension_semantics<core_parallel>, #tpu.dimension_semantics<subcore_parallel>], iteration_bounds = array<i64: 2, 16>, scalar_prefetch = 0 : i64, scratch_operands = 5 : i64, tpu.core_type = #tpu.core_type<sc_vector_subcore>, window_params = [{transform_indices = #map}, {transform_indices = #map}, {transform_indices = #map}]} {
    %mul3A = arith.constant 2 : i32
    %mul3A_0 = arith.muli %arg1, %mul3A : i32
    %add3A = arith.addi %mul3A_0, %arg0 : i32
    %eq3A = arith.constant 0 : i32
    %eq3A_1 = arith.cmpi eq, %arg1, %eq3A : i32
    %convert_element_type3A = arith.extui %eq3A_1 : i1 to i32
    %cond3A = arith.constant 0 : i32
    %cond3A_2 = arith.cmpi ne, %convert_element_type3A, %cond3A : i32
    scf.if %cond3A_2 {
      "tpu.region"() ({
        %run_scoped3A = tpu.sem_alloc : memref<!tpu.dma_semaphore, #tpu.memory_space<semaphore_mem>>
        tpu.enqueue_dma source(%arg2 : memref<6x128xf32, #tpu.memory_space<hbm>>) target(%arg5 : memref<6x128xf32, #tpu.memory_space<vmem_shared>>) target_semaphore(%run_scoped3A : memref<!tpu.dma_semaphore, #tpu.memory_space<semaphore_mem>>)
        tpu.wait_dma2 semaphore(%run_scoped3A : memref<!tpu.dma_semaphore, #tpu.memory_space<semaphore_mem>>) src(%arg2 : memref<6x128xf32, #tpu.memory_space<hbm>>) dst(%arg5 : memref<6x128xf32, #tpu.memory_space<vmem_shared>>)
        tpu.yield
      }) : () -> ()
    } else {
    }
    %barrier3A = arith.constant 0 : index
    tpu.barrier barrier_id(%barrier3A)
    %mul3A_3 = arith.constant 50 : i32
    %mul3A_4 = arith.muli %add3A, %mul3A_3 : i32
    %mul3A_5 = arith.constant 16 : i32
    %mul3A_6 = arith.muli %mul3A_4, %mul3A_5 : i32
    %scan3A = arith.constant 0 : i32
    %scan3A_7 = arith.constant 0 : i32
    %scan3A_8 = arith.constant 50 : i32
    %scan3A_9 = arith.addi %scan3A_7, %scan3A_8 : i32
    %scan3A_10 = arith.constant 1 : i32
    scf.for %scan3A_74 = %scan3A_7 to %scan3A_9 step %scan3A_10  : i32 {
      %mul3A_75 = arith.constant 16 : i32
      %mul3A_76 = arith.muli %scan3A_74, %mul3A_75 : i32
      %add3A_77 = arith.addi %mul3A_6, %mul3A_76 : i32
      %multiple_of3A_78 = tpu.assume_multiple %add3A_77, 16 : i32
      "tpu.region"() ({
        %run_scoped3A = tpu.sem_alloc : memref<!tpu.dma_semaphore, #tpu.memory_space<semaphore_mem>>
        %dma_start3A_961 = arith.constant 0 : i32
        %dma_start3A_962 = tpu.memref_slice %arg3[%multiple_of3A_78, %dma_start3A_961] : memref<25600x128xi32, #tpu.memory_space<hbm>> -> memref<16x128xi32, #tpu.memory_space<hbm>>
        %dma_start3A_963 = arith.constant 0 : i32
        %dma_start3A_964 = tpu.memref_slice %arg3[%multiple_of3A_78, %dma_start3A_963] : memref<25600x128xi32, #tpu.memory_space<hbm>> -> memref<16x128xi32, #tpu.memory_space<hbm>>
        tpu.enqueue_dma source(%dma_start3A_964 : memref<16x128xi32, #tpu.memory_space<hbm>>) target(%arg6 : memref<16x128xi32, #tpu.memory_space<vmem>>) target_semaphore(%run_scoped3A : memref<!tpu.dma_semaphore, #tpu.memory_space<semaphore_mem>>)
        %dma_wait3A_965 = arith.constant 0 : i32
        %dma_wait3A_966 = tpu.memref_slice %arg3[%multiple_of3A_78, %dma_wait3A_965] : memref<25600x128xi32, #tpu.memory_space<hbm>> -> memref<16x128xi32, #tpu.memory_space<hbm>>
        %dma_wait3A_967 = arith.constant 0 : i32
        %dma_wait3A_968 = tpu.memref_slice %arg3[%multiple_of3A_78, %dma_wait3A_967] : memref<25600x128xi32, #tpu.memory_space<hbm>> -> memref<16x128xi32, #tpu.memory_space<hbm>>
        tpu.wait_dma2 semaphore(%run_scoped3A : memref<!tpu.dma_semaphore, #tpu.memory_space<semaphore_mem>>) src(%dma_wait3A_968 : memref<16x128xi32, #tpu.memory_space<hbm>>) dst(%arg6 : memref<16x128xi32, #tpu.memory_space<vmem>>)
        tpu.yield
      }) : () -> ()
      %gt3A = arith.constant 0 : i32
      %gt3A_79 = arith.cmpi sgt, %scan3A_74, %gt3A : i32
      %convert_element_type3A_80 = arith.extui %gt3A_79 : i1 to i32
      %cond3A_81 = arith.constant 0 : i32
      %cond3A_82 = arith.cmpi ne, %convert_element_type3A_80, %cond3A_81 : i32
      scf.if %cond3A_82 {
        %mul3A_961 = arith.constant 128 : i32
        %mul3A_962 = arith.muli %mul3A_6, %mul3A_961 : i32
        %multiple_of3A_963 = tpu.assume_multiple %mul3A_962, 128 : i32
        %dma_wait3A_964 = arith.constant 0 : i32
        %dma_wait3A_965 = arith.constant 0 : i32
        %dma_wait3A_966 = arith.constant 0 : i32
        %dma_wait3A_967 = tpu.memref_slice %arg7[%dma_wait3A_964, %dma_wait3A_965, %dma_wait3A_966] : memref<4x128x128xf32, #tpu.memory_space<vmem>> -> memref<1x128x128xf32, #tpu.memory_space<vmem>>
        %dma_wait3A_968 = tpu.memref_squeeze %dma_wait3A_967 : memref<1x128x128xf32, #tpu.memory_space<vmem>> -> memref<128x128xf32, #tpu.memory_space<vmem>>
        %dma_wait3A_969 = arith.constant 0 : i32
        %dma_wait3A_970 = tpu.memref_slice %arg4[%multiple_of3A_963, %dma_wait3A_969] : memref<3276800x128xf32, #tpu.memory_space<hbm>> -> memref<128x128xf32, #tpu.memory_space<hbm>>
        %dma_wait3A_971 = arith.constant 0 : i32
        %dma_wait3A_972 = arith.constant 0 : i32
        %dma_wait3A_973 = tpu.memref_slice %arg7[%dma_wait3A_964, %dma_wait3A_971, %dma_wait3A_972] : memref<4x128x128xf32, #tpu.memory_space<vmem>> -> memref<1x128x128xf32, #tpu.memory_space<vmem>>
        %dma_wait3A_974 = tpu.memref_squeeze %dma_wait3A_973 : memref<1x128x128xf32, #tpu.memory_space<vmem>> -> memref<128x128xf32, #tpu.memory_space<vmem>>
        %dma_wait3A_975 = arith.constant 0 : i32
        %dma_wait3A_976 = tpu.memref_slice %arg4[%multiple_of3A_963, %dma_wait3A_975] : memref<3276800x128xf32, #tpu.memory_space<hbm>> -> memref<128x128xf32, #tpu.memory_space<hbm>>
        tpu.wait_dma2 semaphore(%arg9 : memref<!tpu.dma_semaphore, #tpu.memory_space<semaphore_mem>>) src(%dma_wait3A_976 : memref<128x128xf32, #tpu.memory_space<hbm>>) dst(%dma_wait3A_974 : memref<128x128xf32, #tpu.memory_space<vmem>>)
      } else {
      }
      %dma_start3A = arith.constant 0 : i32
      %dma_start3A_83 = arith.constant 0 : i32
      %dma_start3A_84 = arith.constant 0 : i32
      %dma_start3A_85 = arith.constant 0 : i32
      %dma_start3A_86 = tpu.memref_slice %arg7[%dma_start3A_83, %dma_start3A_84, %dma_start3A_85] : memref<4x128x128xf32, #tpu.memory_space<vmem>> -> memref<1x128x128xf32, #tpu.memory_space<vmem>>
      %dma_start3A_87 = tpu.memref_squeeze %dma_start3A_86 : memref<1x128x128xf32, #tpu.memory_space<vmem>> -> memref<128x128xf32, #tpu.memory_space<vmem>>
      %dma_start3A_88 = arith.constant 0 : i32
      %dma_start3A_89 = tpu.memref_slice %arg6[%dma_start3A, %dma_start3A_88] : memref<16x128xi32, #tpu.memory_space<vmem>> -> memref<1x128xi32, #tpu.memory_space<vmem>>
      %dma_start3A_90 = tpu.memref_squeeze %dma_start3A_89 : memref<1x128xi32, #tpu.memory_space<vmem>> -> memref<128xi32, #tpu.memory_space<vmem>>
      %dma_start3A_91 = arith.constant 0 : i32
      %dma_start3A_92 = arith.constant 0 : i32
      %dma_start3A_93 = tpu.memref_slice %arg5[%dma_start3A_91, %dma_start3A_92] : memref<6x128xf32, #tpu.memory_space<vmem_shared>> -> memref<6x128xf32, #tpu.memory_space<vmem_shared>>
      tpu.enqueue_indirect_dma source(%dma_start3A_93 : memref<6x128xf32, #tpu.memory_space<vmem_shared>>) target(%dma_start3A_87 : memref<128x128xf32, #tpu.memory_space<vmem>>) offsets(%dma_start3A_90 : memref<128xi32, #tpu.memory_space<vmem>>) semaphore(%arg8 : memref<!tpu.dma_semaphore, #tpu.memory_space<semaphore_mem>>)
      %dma_wait3A_94 = arith.constant 0 : i32
      %dma_wait3A_95 = arith.constant 0 : i32
      %dma_wait3A_96 = arith.constant 0 : i32
      %dma_wait3A_97 = arith.constant 0 : i32
      %dma_wait3A_98 = tpu.memref_slice %arg7[%dma_wait3A_95, %dma_wait3A_96, %dma_wait3A_97] : memref<4x128x128xf32, #tpu.memory_space<vmem>> -> memref<1x128x128xf32, #tpu.memory_space<vmem>>
      %dma_wait3A_99 = tpu.memref_squeeze %dma_wait3A_98 : memref<1x128x128xf32, #tpu.memory_space<vmem>> -> memref<128x128xf32, #tpu.memory_space<vmem>>
      %dma_wait3A_100 = arith.constant 0 : i32
      %dma_wait3A_101 = tpu.memref_slice %arg6[%dma_wait3A_94, %dma_wait3A_100] : memref<16x128xi32, #tpu.memory_space<vmem>> -> memref<1x128xi32, #tpu.memory_space<vmem>>
      %dma_wait3A_102 = tpu.memref_squeeze %dma_wait3A_101 : memref<1x128xi32, #tpu.memory_space<vmem>> -> memref<128xi32, #tpu.memory_space<vmem>>
      %dma_wait3A_103 = arith.constant 0 : i32
      %dma_wait3A_104 = arith.constant 0 : i32
      %dma_wait3A_105 = tpu.memref_slice %arg5[%dma_wait3A_103, %dma_wait3A_104] : memref<6x128xf32, #tpu.memory_space<vmem_shared>> -> memref<6x128xf32, #tpu.memory_space<vmem_shared>>
      tpu.wait_indirect_dma semaphore(%arg8 : memref<!tpu.dma_semaphore, #tpu.memory_space<semaphore_mem>>) src(%dma_wait3A_105 : memref<6x128xf32, #tpu.memory_space<vmem_shared>>) dst(%dma_wait3A_99 : memref<128x128xf32, #tpu.memory_space<vmem>>)
      %add3A_106 = arith.constant 0 : i32
      %add3A_107 = arith.addi %multiple_of3A_78, %add3A_106 : i32
      %mul3A_108 = arith.constant 128 : i32
      %mul3A_109 = arith.muli %add3A_107, %mul3A_108 : i32
      %multiple_of3A_110 = tpu.assume_multiple %mul3A_109, 128 : i32
      %dma_start3A_111 = arith.constant 0 : i32
      %dma_start3A_112 = arith.constant 0 : i32
      %dma_start3A_113 = arith.constant 0 : i32
      %dma_start3A_114 = tpu.memref_slice %arg7[%dma_start3A_111, %dma_start3A_112, %dma_start3A_113] : memref<4x128x128xf32, #tpu.memory_space<vmem>> -> memref<1x128x128xf32, #tpu.memory_space<vmem>>
      %dma_start3A_115 = tpu.memref_squeeze %dma_start3A_114 : memref<1x128x128xf32, #tpu.memory_space<vmem>> -> memref<128x128xf32, #tpu.memory_space<vmem>>
      %dma_start3A_116 = arith.constant 0 : i32
      %dma_start3A_117 = tpu.memref_slice %arg4[%multiple_of3A_110, %dma_start3A_116] : memref<3276800x128xf32, #tpu.memory_space<hbm>> -> memref<128x128xf32, #tpu.memory_space<hbm>>
      %dma_start3A_118 = arith.constant 0 : i32
      %dma_start3A_119 = tpu.memref_slice %arg4[%multiple_of3A_110, %dma_start3A_118] : memref<3276800x128xf32, #tpu.memory_space<hbm>> -> memref<128x128xf32, #tpu.memory_space<hbm>>
      %dma_start3A_120 = arith.constant 0 : i32
      %dma_start3A_121 = arith.constant 0 : i32
      %dma_start3A_122 = tpu.memref_slice %arg7[%dma_start3A_111, %dma_start3A_120, %dma_start3A_121] : memref<4x128x128xf32, #tpu.memory_space<vmem>> -> memref<1x128x128xf32, #tpu.memory_space<vmem>>
      %dma_start3A_123 = tpu.memref_squeeze %dma_start3A_122 : memref<1x128x128xf32, #tpu.memory_space<vmem>> -> memref<128x128xf32, #tpu.memory_space<vmem>>
      tpu.enqueue_dma source(%dma_start3A_123 : memref<128x128xf32, #tpu.memory_space<vmem>>) target(%dma_start3A_119 : memref<128x128xf32, #tpu.memory_space<hbm>>) target_semaphore(%arg9 : memref<!tpu.dma_semaphore, #tpu.memory_space<semaphore_mem>>)
      %gt3A_124 = arith.constant 0 : i32
      %gt3A_125 = arith.cmpi sgt, %scan3A_74, %gt3A_124 : i32
      %convert_element_type3A_126 = arith.extui %gt3A_125 : i1 to i32
      %cond3A_127 = arith.constant 0 : i32
      %cond3A_128 = arith.cmpi ne, %convert_element_type3A_126, %cond3A_127 : i32
      scf.if %cond3A_128 {
        %mul3A_961 = arith.constant 128 : i32
        %mul3A_962 = arith.muli %mul3A_6, %mul3A_961 : i32
        %multiple_of3A_963 = tpu.assume_multiple %mul3A_962, 128 : i32
        %dma_wait3A_964 = arith.constant 1 : i32
        %dma_wait3A_965 = arith.constant 0 : i32
        %dma_wait3A_966 = arith.constant 0 : i32
        %dma_wait3A_967 = tpu.memref_slice %arg7[%dma_wait3A_964, %dma_wait3A_965, %dma_wait3A_966] : memref<4x128x128xf32, #tpu.memory_space<vmem>> -> memref<1x128x128xf32, #tpu.memory_space<vmem>>
        %dma_wait3A_968 = tpu.memref_squeeze %dma_wait3A_967 : memref<1x128x128xf32, #tpu.memory_space<vmem>> -> memref<128x128xf32, #tpu.memory_space<vmem>>
        %dma_wait3A_969 = arith.constant 0 : i32
        %dma_wait3A_970 = tpu.memref_slice %arg4[%multiple_of3A_963, %dma_wait3A_969] : memref<3276800x128xf32, #tpu.memory_space<hbm>> -> memref<128x128xf32, #tpu.memory_space<hbm>>
        %dma_wait3A_971 = arith.constant 0 : i32
        %dma_wait3A_972 = arith.constant 0 : i32
        %dma_wait3A_973 = tpu.memref_slice %arg7[%dma_wait3A_964, %dma_wait3A_971, %dma_wait3A_972] : memref<4x128x128xf32, #tpu.memory_space<vmem>> -> memref<1x128x128xf32, #tpu.memory_space<vmem>>
        %dma_wait3A_974 = tpu.memref_squeeze %dma_wait3A_973 : memref<1x128x128xf32, #tpu.memory_space<vmem>> -> memref<128x128xf32, #tpu.memory_space<vmem>>
        %dma_wait3A_975 = arith.constant 0 : i32
        %dma_wait3A_976 = tpu.memref_slice %arg4[%multiple_of3A_963, %dma_wait3A_975] : memref<3276800x128xf32, #tpu.memory_space<hbm>> -> memref<128x128xf32, #tpu.memory_space<hbm>>
        tpu.wait_dma2 semaphore(%arg9 : memref<!tpu.dma_semaphore, #tpu.memory_space<semaphore_mem>>) src(%dma_wait3A_976 : memref<128x128xf32, #tpu.memory_space<hbm>>) dst(%dma_wait3A_974 : memref<128x128xf32, #tpu.memory_space<vmem>>)
      } else {
      }
      %dma_start3A_129 = arith.constant 1 : i32
      %dma_start3A_130 = arith.constant 1 : i32
      %dma_start3A_131 = arith.constant 0 : i32
      %dma_start3A_132 = arith.constant 0 : i32
      %dma_start3A_133 = tpu.memref_slice %arg7[%dma_start3A_130, %dma_start3A_131, %dma_start3A_132] : memref<4x128x128xf32, #tpu.memory_space<vmem>> -> memref<1x128x128xf32, #tpu.memory_space<vmem>>
      %dma_start3A_134 = tpu.memref_squeeze %dma_start3A_133 : memref<1x128x128xf32, #tpu.memory_space<vmem>> -> memref<128x128xf32, #tpu.memory_space<vmem>>
      %dma_start3A_135 = arith.constant 0 : i32
      %dma_start3A_136 = tpu.memref_slice %arg6[%dma_start3A_129, %dma_start3A_135] : memref<16x128xi32, #tpu.memory_space<vmem>> -> memref<1x128xi32, #tpu.memory_space<vmem>>
      %dma_start3A_137 = tpu.memref_squeeze %dma_start3A_136 : memref<1x128xi32, #tpu.memory_space<vmem>> -> memref<128xi32, #tpu.memory_space<vmem>>
      %dma_start3A_138 = arith.constant 0 : i32
      %dma_start3A_139 = arith.constant 0 : i32
      %dma_start3A_140 = tpu.memref_slice %arg5[%dma_start3A_138, %dma_start3A_139] : memref<6x128xf32, #tpu.memory_space<vmem_shared>> -> memref<6x128xf32, #tpu.memory_space<vmem_shared>>
      tpu.enqueue_indirect_dma source(%dma_start3A_140 : memref<6x128xf32, #tpu.memory_space<vmem_shared>>) target(%dma_start3A_134 : memref<128x128xf32, #tpu.memory_space<vmem>>) offsets(%dma_start3A_137 : memref<128xi32, #tpu.memory_space<vmem>>) semaphore(%arg8 : memref<!tpu.dma_semaphore, #tpu.memory_space<semaphore_mem>>)
      %dma_wait3A_141 = arith.constant 1 : i32
      %dma_wait3A_142 = arith.constant 1 : i32
      %dma_wait3A_143 = arith.constant 0 : i32
      %dma_wait3A_144 = arith.constant 0 : i32
      %dma_wait3A_145 = tpu.memref_slice %arg7[%dma_wait3A_142, %dma_wait3A_143, %dma_wait3A_144] : memref<4x128x128xf32, #tpu.memory_space<vmem>> -> memref<1x128x128xf32, #tpu.memory_space<vmem>>
      %dma_wait3A_146 = tpu.memref_squeeze %dma_wait3A_145 : memref<1x128x128xf32, #tpu.memory_space<vmem>> -> memref<128x128xf32, #tpu.memory_space<vmem>>
      %dma_wait3A_147 = arith.constant 0 : i32
      %dma_wait3A_148 = tpu.memref_slice %arg6[%dma_wait3A_141, %dma_wait3A_147] : memref<16x128xi32, #tpu.memory_space<vmem>> -> memref<1x128xi32, #tpu.memory_space<vmem>>
      %dma_wait3A_149 = tpu.memref_squeeze %dma_wait3A_148 : memref<1x128xi32, #tpu.memory_space<vmem>> -> memref<128xi32, #tpu.memory_space<vmem>>
      %dma_wait3A_150 = arith.constant 0 : i32
      %dma_wait3A_151 = arith.constant 0 : i32
      %dma_wait3A_152 = tpu.memref_slice %arg5[%dma_wait3A_150, %dma_wait3A_151] : memref<6x128xf32, #tpu.memory_space<vmem_shared>> -> memref<6x128xf32, #tpu.memory_space<vmem_shared>>
      tpu.wait_indirect_dma semaphore(%arg8 : memref<!tpu.dma_semaphore, #tpu.memory_space<semaphore_mem>>) src(%dma_wait3A_152 : memref<6x128xf32, #tpu.memory_space<vmem_shared>>) dst(%dma_wait3A_146 : memref<128x128xf32, #tpu.memory_space<vmem>>)
      %add3A_153 = arith.constant 1 : i32
      %add3A_154 = arith.addi %multiple_of3A_78, %add3A_153 : i32
      %mul3A_155 = arith.constant 128 : i32
      %mul3A_156 = arith.muli %add3A_154, %mul3A_155 : i32
      %multiple_of3A_157 = tpu.assume_multiple %mul3A_156, 128 : i32
      %dma_start3A_158 = arith.constant 1 : i32
      %dma_start3A_159 = arith.constant 0 : i32
      %dma_start3A_160 = arith.constant 0 : i32
      %dma_start3A_161 = tpu.memref_slice %arg7[%dma_start3A_158, %dma_start3A_159, %dma_start3A_160] : memref<4x128x128xf32, #tpu.memory_space<vmem>> -> memref<1x128x128xf32, #tpu.memory_space<vmem>>
      %dma_start3A_162 = tpu.memref_squeeze %dma_start3A_161 : memref<1x128x128xf32, #tpu.memory_space<vmem>> -> memref<128x128xf32, #tpu.memory_space<vmem>>
      %dma_start3A_163 = arith.constant 0 : i32
      %dma_start3A_164 = tpu.memref_slice %arg4[%multiple_of3A_157, %dma_start3A_163] : memref<3276800x128xf32, #tpu.memory_space<hbm>> -> memref<128x128xf32, #tpu.memory_space<hbm>>
      %dma_start3A_165 = arith.constant 0 : i32
      %dma_start3A_166 = tpu.memref_slice %arg4[%multiple_of3A_157, %dma_start3A_165] : memref<3276800x128xf32, #tpu.memory_space<hbm>> -> memref<128x128xf32, #tpu.memory_space<hbm>>
      %dma_start3A_167 = arith.constant 0 : i32
      %dma_start3A_168 = arith.constant 0 : i32
      %dma_start3A_169 = tpu.memref_slice %arg7[%dma_start3A_158, %dma_start3A_167, %dma_start3A_168] : memref<4x128x128xf32, #tpu.memory_space<vmem>> -> memref<1x128x128xf32, #tpu.memory_space<vmem>>
      %dma_start3A_170 = tpu.memref_squeeze %dma_start3A_169 : memref<1x128x128xf32, #tpu.memory_space<vmem>> -> memref<128x128xf32, #tpu.memory_space<vmem>>
      tpu.enqueue_dma source(%dma_start3A_170 : memref<128x128xf32, #tpu.memory_space<vmem>>) target(%dma_start3A_166 : memref<128x128xf32, #tpu.memory_space<hbm>>) target_semaphore(%arg9 : memref<!tpu.dma_semaphore, #tpu.memory_space<semaphore_mem>>)
      %gt3A_171 = arith.constant 0 : i32
      %gt3A_172 = arith.cmpi sgt, %scan3A_74, %gt3A_171 : i32
      %convert_element_type3A_173 = arith.extui %gt3A_172 : i1 to i32
      %cond3A_174 = arith.constant 0 : i32
      %cond3A_175 = arith.cmpi ne, %convert_element_type3A_173, %cond3A_174 : i32
      scf.if %cond3A_175 {
        %mul3A_961 = arith.constant 128 : i32
        %mul3A_962 = arith.muli %mul3A_6, %mul3A_961 : i32
        %multiple_of3A_963 = tpu.assume_multiple %mul3A_962, 128 : i32
        %dma_wait3A_964 = arith.constant 2 : i32
        %dma_wait3A_965 = arith.constant 0 : i32
        %dma_wait3A_966 = arith.constant 0 : i32
        %dma_wait3A_967 = tpu.memref_slice %arg7[%dma_wait3A_964, %dma_wait3A_965, %dma_wait3A_966] : memref<4x128x128xf32, #tpu.memory_space<vmem>> -> memref<1x128x128xf32, #tpu.memory_space<vmem>>
        %dma_wait3A_968 = tpu.memref_squeeze %dma_wait3A_967 : memref<1x128x128xf32, #tpu.memory_space<vmem>> -> memref<128x128xf32, #tpu.memory_space<vmem>>
        %dma_wait3A_969 = arith.constant 0 : i32
        %dma_wait3A_970 = tpu.memref_slice %arg4[%multiple_of3A_963, %dma_wait3A_969] : memref<3276800x128xf32, #tpu.memory_space<hbm>> -> memref<128x128xf32, #tpu.memory_space<hbm>>
        %dma_wait3A_971 = arith.constant 0 : i32
        %dma_wait3A_972 = arith.constant 0 : i32
        %dma_wait3A_973 = tpu.memref_slice %arg7[%dma_wait3A_964, %dma_wait3A_971, %dma_wait3A_972] : memref<4x128x128xf32, #tpu.memory_space<vmem>> -> memref<1x128x128xf32, #tpu.memory_space<vmem>>
        %dma_wait3A_974 = tpu.memref_squeeze %dma_wait3A_973 : memref<1x128x128xf32, #tpu.memory_space<vmem>> -> memref<128x128xf32, #tpu.memory_space<vmem>>
        %dma_wait3A_975 = arith.constant 0 : i32
        %dma_wait3A_976 = tpu.memref_slice %arg4[%multiple_of3A_963, %dma_wait3A_975] : memref<3276800x128xf32, #tpu.memory_space<hbm>> -> memref<128x128xf32, #tpu.memory_space<hbm>>
        tpu.wait_dma2 semaphore(%arg9 : memref<!tpu.dma_semaphore, #tpu.memory_space<semaphore_mem>>) src(%dma_wait3A_976 : memref<128x128xf32, #tpu.memory_space<hbm>>) dst(%dma_wait3A_974 : memref<128x128xf32, #tpu.memory_space<vmem>>)
      } else {
      }
      %dma_start3A_176 = arith.constant 2 : i32
      %dma_start3A_177 = arith.constant 2 : i32
      %dma_start3A_178 = arith.constant 0 : i32
      %dma_start3A_179 = arith.constant 0 : i32
      %dma_start3A_180 = tpu.memref_slice %arg7[%dma_start3A_177, %dma_start3A_178, %dma_start3A_179] : memref<4x128x128xf32, #tpu.memory_space<vmem>> -> memref<1x128x128xf32, #tpu.memory_space<vmem>>
      %dma_start3A_181 = tpu.memref_squeeze %dma_start3A_180 : memref<1x128x128xf32, #tpu.memory_space<vmem>> -> memref<128x128xf32, #tpu.memory_space<vmem>>
      %dma_start3A_182 = arith.constant 0 : i32
      %dma_start3A_183 = tpu.memref_slice %arg6[%dma_start3A_176, %dma_start3A_182] : memref<16x128xi32, #tpu.memory_space<vmem>> -> memref<1x128xi32, #tpu.memory_space<vmem>>
      %dma_start3A_184 = tpu.memref_squeeze %dma_start3A_183 : memref<1x128xi32, #tpu.memory_space<vmem>> -> memref<128xi32, #tpu.memory_space<vmem>>
      %dma_start3A_185 = arith.constant 0 : i32
      %dma_start3A_186 = arith.constant 0 : i32
      %dma_start3A_187 = tpu.memref_slice %arg5[%dma_start3A_185, %dma_start3A_186] : memref<6x128xf32, #tpu.memory_space<vmem_shared>> -> memref<6x128xf32, #tpu.memory_space<vmem_shared>>
      tpu.enqueue_indirect_dma source(%dma_start3A_187 : memref<6x128xf32, #tpu.memory_space<vmem_shared>>) target(%dma_start3A_181 : memref<128x128xf32, #tpu.memory_space<vmem>>) offsets(%dma_start3A_184 : memref<128xi32, #tpu.memory_space<vmem>>) semaphore(%arg8 : memref<!tpu.dma_semaphore, #tpu.memory_space<semaphore_mem>>)
      %dma_wait3A_188 = arith.constant 2 : i32
      %dma_wait3A_189 = arith.constant 2 : i32
      %dma_wait3A_190 = arith.constant 0 : i32
      %dma_wait3A_191 = arith.constant 0 : i32
      %dma_wait3A_192 = tpu.memref_slice %arg7[%dma_wait3A_189, %dma_wait3A_190, %dma_wait3A_191] : memref<4x128x128xf32, #tpu.memory_space<vmem>> -> memref<1x128x128xf32, #tpu.memory_space<vmem>>
      %dma_wait3A_193 = tpu.memref_squeeze %dma_wait3A_192 : memref<1x128x128xf32, #tpu.memory_space<vmem>> -> memref<128x128xf32, #tpu.memory_space<vmem>>
      %dma_wait3A_194 = arith.constant 0 : i32
      %dma_wait3A_195 = tpu.memref_slice %arg6[%dma_wait3A_188, %dma_wait3A_194] : memref<16x128xi32, #tpu.memory_space<vmem>> -> memref<1x128xi32, #tpu.memory_space<vmem>>
      %dma_wait3A_196 = tpu.memref_squeeze %dma_wait3A_195 : memref<1x128xi32, #tpu.memory_space<vmem>> -> memref<128xi32, #tpu.memory_space<vmem>>
      %dma_wait3A_197 = arith.constant 0 : i32
      %dma_wait3A_198 = arith.constant 0 : i32
      %dma_wait3A_199 = tpu.memref_slice %arg5[%dma_wait3A_197, %dma_wait3A_198] : memref<6x128xf32, #tpu.memory_space<vmem_shared>> -> memref<6x128xf32, #tpu.memory_space<vmem_shared>>
      tpu.wait_indirect_dma semaphore(%arg8 : memref<!tpu.dma_semaphore, #tpu.memory_space<semaphore_mem>>) src(%dma_wait3A_199 : memref<6x128xf32, #tpu.memory_space<vmem_shared>>) dst(%dma_wait3A_193 : memref<128x128xf32, #tpu.memory_space<vmem>>)
      %add3A_200 = arith.constant 2 : i32
      %add3A_201 = arith.addi %multiple_of3A_78, %add3A_200 : i32
      %mul3A_202 = arith.constant 128 : i32
      %mul3A_203 = arith.muli %add3A_201, %mul3A_202 : i32
      %multiple_of3A_204 = tpu.assume_multiple %mul3A_203, 128 : i32
      %dma_start3A_205 = arith.constant 2 : i32
      %dma_start3A_206 = arith.constant 0 : i32
      %dma_start3A_207 = arith.constant 0 : i32
      %dma_start3A_208 = tpu.memref_slice %arg7[%dma_start3A_205, %dma_start3A_206, %dma_start3A_207] : memref<4x128x128xf32, #tpu.memory_space<vmem>> -> memref<1x128x128xf32, #tpu.memory_space<vmem>>
      %dma_start3A_209 = tpu.memref_squeeze %dma_start3A_208 : memref<1x128x128xf32, #tpu.memory_space<vmem>> -> memref<128x128xf32, #tpu.memory_space<vmem>>
      %dma_start3A_210 = arith.constant 0 : i32
      %dma_start3A_211 = tpu.memref_slice %arg4[%multiple_of3A_204, %dma_start3A_210] : memref<3276800x128xf32, #tpu.memory_space<hbm>> -> memref<128x128xf32, #tpu.memory_space<hbm>>
      %dma_start3A_212 = arith.constant 0 : i32
      %dma_start3A_213 = tpu.memref_slice %arg4[%multiple_of3A_204, %dma_start3A_212] : memref<3276800x128xf32, #tpu.memory_space<hbm>> -> memref<128x128xf32, #tpu.memory_space<hbm>>
      %dma_start3A_214 = arith.constant 0 : i32
      %dma_start3A_215 = arith.constant 0 : i32
      %dma_start3A_216 = tpu.memref_slice %arg7[%dma_start3A_205, %dma_start3A_214, %dma_start3A_215] : memref<4x128x128xf32, #tpu.memory_space<vmem>> -> memref<1x128x128xf32, #tpu.memory_space<vmem>>
      %dma_start3A_217 = tpu.memref_squeeze %dma_start3A_216 : memref<1x128x128xf32, #tpu.memory_space<vmem>> -> memref<128x128xf32, #tpu.memory_space<vmem>>
      tpu.enqueue_dma source(%dma_start3A_217 : memref<128x128xf32, #tpu.memory_space<vmem>>) target(%dma_start3A_213 : memref<128x128xf32, #tpu.memory_space<hbm>>) target_semaphore(%arg9 : memref<!tpu.dma_semaphore, #tpu.memory_space<semaphore_mem>>)
      %gt3A_218 = arith.constant 0 : i32
      %gt3A_219 = arith.cmpi sgt, %scan3A_74, %gt3A_218 : i32
      %convert_element_type3A_220 = arith.extui %gt3A_219 : i1 to i32
      %cond3A_221 = arith.constant 0 : i32
      %cond3A_222 = arith.cmpi ne, %convert_element_type3A_220, %cond3A_221 : i32
      scf.if %cond3A_222 {
        %mul3A_961 = arith.constant 128 : i32
        %mul3A_962 = arith.muli %mul3A_6, %mul3A_961 : i32
        %multiple_of3A_963 = tpu.assume_multiple %mul3A_962, 128 : i32
        %dma_wait3A_964 = arith.constant 3 : i32
        %dma_wait3A_965 = arith.constant 0 : i32
        %dma_wait3A_966 = arith.constant 0 : i32
        %dma_wait3A_967 = tpu.memref_slice %arg7[%dma_wait3A_964, %dma_wait3A_965, %dma_wait3A_966] : memref<4x128x128xf32, #tpu.memory_space<vmem>> -> memref<1x128x128xf32, #tpu.memory_space<vmem>>
        %dma_wait3A_968 = tpu.memref_squeeze %dma_wait3A_967 : memref<1x128x128xf32, #tpu.memory_space<vmem>> -> memref<128x128xf32, #tpu.memory_space<vmem>>
        %dma_wait3A_969 = arith.constant 0 : i32
        %dma_wait3A_970 = tpu.memref_slice %arg4[%multiple_of3A_963, %dma_wait3A_969] : memref<3276800x128xf32, #tpu.memory_space<hbm>> -> memref<128x128xf32, #tpu.memory_space<hbm>>
        %dma_wait3A_971 = arith.constant 0 : i32
        %dma_wait3A_972 = arith.constant 0 : i32
        %dma_wait3A_973 = tpu.memref_slice %arg7[%dma_wait3A_964, %dma_wait3A_971, %dma_wait3A_972] : memref<4x128x128xf32, #tpu.memory_space<vmem>> -> memref<1x128x128xf32, #tpu.memory_space<vmem>>
        %dma_wait3A_974 = tpu.memref_squeeze %dma_wait3A_973 : memref<1x128x128xf32, #tpu.memory_space<vmem>> -> memref<128x128xf32, #tpu.memory_space<vmem>>
        %dma_wait3A_975 = arith.constant 0 : i32
        %dma_wait3A_976 = tpu.memref_slice %arg4[%multiple_of3A_963, %dma_wait3A_975] : memref<3276800x128xf32, #tpu.memory_space<hbm>> -> memref<128x128xf32, #tpu.memory_space<hbm>>
        tpu.wait_dma2 semaphore(%arg9 : memref<!tpu.dma_semaphore, #tpu.memory_space<semaphore_mem>>) src(%dma_wait3A_976 : memref<128x128xf32, #tpu.memory_space<hbm>>) dst(%dma_wait3A_974 : memref<128x128xf32, #tpu.memory_space<vmem>>)
      } else {
      }
      %dma_start3A_223 = arith.constant 3 : i32
      %dma_start3A_224 = arith.constant 3 : i32
      %dma_start3A_225 = arith.constant 0 : i32
      %dma_start3A_226 = arith.constant 0 : i32
      %dma_start3A_227 = tpu.memref_slice %arg7[%dma_start3A_224, %dma_start3A_225, %dma_start3A_226] : memref<4x128x128xf32, #tpu.memory_space<vmem>> -> memref<1x128x128xf32, #tpu.memory_space<vmem>>
      %dma_start3A_228 = tpu.memref_squeeze %dma_start3A_227 : memref<1x128x128xf32, #tpu.memory_space<vmem>> -> memref<128x128xf32, #tpu.memory_space<vmem>>
      %dma_start3A_229 = arith.constant 0 : i32
      %dma_start3A_230 = tpu.memref_slice %arg6[%dma_start3A_223, %dma_start3A_229] : memref<16x128xi32, #tpu.memory_space<vmem>> -> memref<1x128xi32, #tpu.memory_space<vmem>>
      %dma_start3A_231 = tpu.memref_squeeze %dma_start3A_230 : memref<1x128xi32, #tpu.memory_space<vmem>> -> memref<128xi32, #tpu.memory_space<vmem>>
      %dma_start3A_232 = arith.constant 0 : i32
      %dma_start3A_233 = arith.constant 0 : i32
      %dma_start3A_234 = tpu.memref_slice %arg5[%dma_start3A_232, %dma_start3A_233] : memref<6x128xf32, #tpu.memory_space<vmem_shared>> -> memref<6x128xf32, #tpu.memory_space<vmem_shared>>
      tpu.enqueue_indirect_dma source(%dma_start3A_234 : memref<6x128xf32, #tpu.memory_space<vmem_shared>>) target(%dma_start3A_228 : memref<128x128xf32, #tpu.memory_space<vmem>>) offsets(%dma_start3A_231 : memref<128xi32, #tpu.memory_space<vmem>>) semaphore(%arg8 : memref<!tpu.dma_semaphore, #tpu.memory_space<semaphore_mem>>)
      %dma_wait3A_235 = arith.constant 3 : i32
      %dma_wait3A_236 = arith.constant 3 : i32
      %dma_wait3A_237 = arith.constant 0 : i32
      %dma_wait3A_238 = arith.constant 0 : i32
      %dma_wait3A_239 = tpu.memref_slice %arg7[%dma_wait3A_236, %dma_wait3A_237, %dma_wait3A_238] : memref<4x128x128xf32, #tpu.memory_space<vmem>> -> memref<1x128x128xf32, #tpu.memory_space<vmem>>
      %dma_wait3A_240 = tpu.memref_squeeze %dma_wait3A_239 : memref<1x128x128xf32, #tpu.memory_space<vmem>> -> memref<128x128xf32, #tpu.memory_space<vmem>>
      %dma_wait3A_241 = arith.constant 0 : i32
      %dma_wait3A_242 = tpu.memref_slice %arg6[%dma_wait3A_235, %dma_wait3A_241] : memref<16x128xi32, #tpu.memory_space<vmem>> -> memref<1x128xi32, #tpu.memory_space<vmem>>
      %dma_wait3A_243 = tpu.memref_squeeze %dma_wait3A_242 : memref<1x128xi32, #tpu.memory_space<vmem>> -> memref<128xi32, #tpu.memory_space<vmem>>
      %dma_wait3A_244 = arith.constant 0 : i32
      %dma_wait3A_245 = arith.constant 0 : i32
      %dma_wait3A_246 = tpu.memref_slice %arg5[%dma_wait3A_244, %dma_wait3A_245] : memref<6x128xf32, #tpu.memory_space<vmem_shared>> -> memref<6x128xf32, #tpu.memory_space<vmem_shared>>
      tpu.wait_indirect_dma semaphore(%arg8 : memref<!tpu.dma_semaphore, #tpu.memory_space<semaphore_mem>>) src(%dma_wait3A_246 : memref<6x128xf32, #tpu.memory_space<vmem_shared>>) dst(%dma_wait3A_240 : memref<128x128xf32, #tpu.memory_space<vmem>>)
      %add3A_247 = arith.constant 3 : i32
      %add3A_248 = arith.addi %multiple_of3A_78, %add3A_247 : i32
      %mul3A_249 = arith.constant 128 : i32
      %mul3A_250 = arith.muli %add3A_248, %mul3A_249 : i32
      %multiple_of3A_251 = tpu.assume_multiple %mul3A_250, 128 : i32
      %dma_start3A_252 = arith.constant 3 : i32
      %dma_start3A_253 = arith.constant 0 : i32
      %dma_start3A_254 = arith.constant 0 : i32
      %dma_start3A_255 = tpu.memref_slice %arg7[%dma_start3A_252, %dma_start3A_253, %dma_start3A_254] : memref<4x128x128xf32, #tpu.memory_space<vmem>> -> memref<1x128x128xf32, #tpu.memory_space<vmem>>
      %dma_start3A_256 = tpu.memref_squeeze %dma_start3A_255 : memref<1x128x128xf32, #tpu.memory_space<vmem>> -> memref<128x128xf32, #tpu.memory_space<vmem>>
      %dma_start3A_257 = arith.constant 0 : i32
      %dma_start3A_258 = tpu.memref_slice %arg4[%multiple_of3A_251, %dma_start3A_257] : memref<3276800x128xf32, #tpu.memory_space<hbm>> -> memref<128x128xf32, #tpu.memory_space<hbm>>
      %dma_start3A_259 = arith.constant 0 : i32
      %dma_start3A_260 = tpu.memref_slice %arg4[%multiple_of3A_251, %dma_start3A_259] : memref<3276800x128xf32, #tpu.memory_space<hbm>> -> memref<128x128xf32, #tpu.memory_space<hbm>>
      %dma_start3A_261 = arith.constant 0 : i32
      %dma_start3A_262 = arith.constant 0 : i32
      %dma_start3A_263 = tpu.memref_slice %arg7[%dma_start3A_252, %dma_start3A_261, %dma_start3A_262] : memref<4x128x128xf32, #tpu.memory_space<vmem>> -> memref<1x128x128xf32, #tpu.memory_space<vmem>>
      %dma_start3A_264 = tpu.memref_squeeze %dma_start3A_263 : memref<1x128x128xf32, #tpu.memory_space<vmem>> -> memref<128x128xf32, #tpu.memory_space<vmem>>
      tpu.enqueue_dma source(%dma_start3A_264 : memref<128x128xf32, #tpu.memory_space<vmem>>) target(%dma_start3A_260 : memref<128x128xf32, #tpu.memory_space<hbm>>) target_semaphore(%arg9 : memref<!tpu.dma_semaphore, #tpu.memory_space<semaphore_mem>>)
      %mul3A_265 = arith.constant 128 : i32
      %mul3A_266 = arith.muli %mul3A_6, %mul3A_265 : i32
      %multiple_of3A_267 = tpu.assume_multiple %mul3A_266, 128 : i32
      %dma_wait3A_268 = arith.constant 0 : i32
      %dma_wait3A_269 = arith.constant 0 : i32
      %dma_wait3A_270 = arith.constant 0 : i32
      %dma_wait3A_271 = tpu.memref_slice %arg7[%dma_wait3A_268, %dma_wait3A_269, %dma_wait3A_270] : memref<4x128x128xf32, #tpu.memory_space<vmem>> -> memref<1x128x128xf32, #tpu.memory_space<vmem>>
      %dma_wait3A_272 = tpu.memref_squeeze %dma_wait3A_271 : memref<1x128x128xf32, #tpu.memory_space<vmem>> -> memref<128x128xf32, #tpu.memory_space<vmem>>
      %dma_wait3A_273 = arith.constant 0 : i32
      %dma_wait3A_274 = tpu.memref_slice %arg4[%multiple_of3A_267, %dma_wait3A_273] : memref<3276800x128xf32, #tpu.memory_space<hbm>> -> memref<128x128xf32, #tpu.memory_space<hbm>>
      %dma_wait3A_275 = arith.constant 0 : i32
      %dma_wait3A_276 = arith.constant 0 : i32
      %dma_wait3A_277 = tpu.memref_slice %arg7[%dma_wait3A_268, %dma_wait3A_275, %dma_wait3A_276] : memref<4x128x128xf32, #tpu.memory_space<vmem>> -> memref<1x128x128xf32, #tpu.memory_space<vmem>>
      %dma_wait3A_278 = tpu.memref_squeeze %dma_wait3A_277 : memref<1x128x128xf32, #tpu.memory_space<vmem>> -> memref<128x128xf32, #tpu.memory_space<vmem>>
      %dma_wait3A_279 = arith.constant 0 : i32
      %dma_wait3A_280 = tpu.memref_slice %arg4[%multiple_of3A_267, %dma_wait3A_279] : memref<3276800x128xf32, #tpu.memory_space<hbm>> -> memref<128x128xf32, #tpu.memory_space<hbm>>
      tpu.wait_dma2 semaphore(%arg9 : memref<!tpu.dma_semaphore, #tpu.memory_space<semaphore_mem>>) src(%dma_wait3A_280 : memref<128x128xf32, #tpu.memory_space<hbm>>) dst(%dma_wait3A_278 : memref<128x128xf32, #tpu.memory_space<vmem>>)
      %dma_start3A_281 = arith.constant 4 : i32
      %dma_start3A_282 = arith.constant 0 : i32
      %dma_start3A_283 = arith.constant 0 : i32
      %dma_start3A_284 = arith.constant 0 : i32
      %dma_start3A_285 = tpu.memref_slice %arg7[%dma_start3A_282, %dma_start3A_283, %dma_start3A_284] : memref<4x128x128xf32, #tpu.memory_space<vmem>> -> memref<1x128x128xf32, #tpu.memory_space<vmem>>
      %dma_start3A_286 = tpu.memref_squeeze %dma_start3A_285 : memref<1x128x128xf32, #tpu.memory_space<vmem>> -> memref<128x128xf32, #tpu.memory_space<vmem>>
      %dma_start3A_287 = arith.constant 0 : i32
      %dma_start3A_288 = tpu.memref_slice %arg6[%dma_start3A_281, %dma_start3A_287] : memref<16x128xi32, #tpu.memory_space<vmem>> -> memref<1x128xi32, #tpu.memory_space<vmem>>
      %dma_start3A_289 = tpu.memref_squeeze %dma_start3A_288 : memref<1x128xi32, #tpu.memory_space<vmem>> -> memref<128xi32, #tpu.memory_space<vmem>>
      %dma_start3A_290 = arith.constant 0 : i32
      %dma_start3A_291 = arith.constant 0 : i32
      %dma_start3A_292 = tpu.memref_slice %arg5[%dma_start3A_290, %dma_start3A_291] : memref<6x128xf32, #tpu.memory_space<vmem_shared>> -> memref<6x128xf32, #tpu.memory_space<vmem_shared>>
      tpu.enqueue_indirect_dma source(%dma_start3A_292 : memref<6x128xf32, #tpu.memory_space<vmem_shared>>) target(%dma_start3A_286 : memref<128x128xf32, #tpu.memory_space<vmem>>) offsets(%dma_start3A_289 : memref<128xi32, #tpu.memory_space<vmem>>) semaphore(%arg8 : memref<!tpu.dma_semaphore, #tpu.memory_space<semaphore_mem>>)
      %dma_wait3A_293 = arith.constant 4 : i32
      %dma_wait3A_294 = arith.constant 0 : i32
      %dma_wait3A_295 = arith.constant 0 : i32
      %dma_wait3A_296 = arith.constant 0 : i32
      %dma_wait3A_297 = tpu.memref_slice %arg7[%dma_wait3A_294, %dma_wait3A_295, %dma_wait3A_296] : memref<4x128x128xf32, #tpu.memory_space<vmem>> -> memref<1x128x128xf32, #tpu.memory_space<vmem>>
      %dma_wait3A_298 = tpu.memref_squeeze %dma_wait3A_297 : memref<1x128x128xf32, #tpu.memory_space<vmem>> -> memref<128x128xf32, #tpu.memory_space<vmem>>
      %dma_wait3A_299 = arith.constant 0 : i32
      %dma_wait3A_300 = tpu.memref_slice %arg6[%dma_wait3A_293, %dma_wait3A_299] : memref<16x128xi32, #tpu.memory_space<vmem>> -> memref<1x128xi32, #tpu.memory_space<vmem>>
      %dma_wait3A_301 = tpu.memref_squeeze %dma_wait3A_300 : memref<1x128xi32, #tpu.memory_space<vmem>> -> memref<128xi32, #tpu.memory_space<vmem>>
      %dma_wait3A_302 = arith.constant 0 : i32
      %dma_wait3A_303 = arith.constant 0 : i32
      %dma_wait3A_304 = tpu.memref_slice %arg5[%dma_wait3A_302, %dma_wait3A_303] : memref<6x128xf32, #tpu.memory_space<vmem_shared>> -> memref<6x128xf32, #tpu.memory_space<vmem_shared>>
      tpu.wait_indirect_dma semaphore(%arg8 : memref<!tpu.dma_semaphore, #tpu.memory_space<semaphore_mem>>) src(%dma_wait3A_304 : memref<6x128xf32, #tpu.memory_space<vmem_shared>>) dst(%dma_wait3A_298 : memref<128x128xf32, #tpu.memory_space<vmem>>)
      %add3A_305 = arith.constant 4 : i32
      %add3A_306 = arith.addi %multiple_of3A_78, %add3A_305 : i32
      %mul3A_307 = arith.constant 128 : i32
      %mul3A_308 = arith.muli %add3A_306, %mul3A_307 : i32
      %multiple_of3A_309 = tpu.assume_multiple %mul3A_308, 128 : i32
      %dma_start3A_310 = arith.constant 0 : i32
      %dma_start3A_311 = arith.constant 0 : i32
      %dma_start3A_312 = arith.constant 0 : i32
      %dma_start3A_313 = tpu.memref_slice %arg7[%dma_start3A_310, %dma_start3A_311, %dma_start3A_312] : memref<4x128x128xf32, #tpu.memory_space<vmem>> -> memref<1x128x128xf32, #tpu.memory_space<vmem>>
      %dma_start3A_314 = tpu.memref_squeeze %dma_start3A_313 : memref<1x128x128xf32, #tpu.memory_space<vmem>> -> memref<128x128xf32, #tpu.memory_space<vmem>>
      %dma_start3A_315 = arith.constant 0 : i32
      %dma_start3A_316 = tpu.memref_slice %arg4[%multiple_of3A_309, %dma_start3A_315] : memref<3276800x128xf32, #tpu.memory_space<hbm>> -> memref<128x128xf32, #tpu.memory_space<hbm>>
      %dma_start3A_317 = arith.constant 0 : i32
      %dma_start3A_318 = tpu.memref_slice %arg4[%multiple_of3A_309, %dma_start3A_317] : memref<3276800x128xf32, #tpu.memory_space<hbm>> -> memref<128x128xf32, #tpu.memory_space<hbm>>
      %dma_start3A_319 = arith.constant 0 : i32
      %dma_start3A_320 = arith.constant 0 : i32
      %dma_start3A_321 = tpu.memref_slice %arg7[%dma_start3A_310, %dma_start3A_319, %dma_start3A_320] : memref<4x128x128xf32, #tpu.memory_space<vmem>> -> memref<1x128x128xf32, #tpu.memory_space<vmem>>
      %dma_start3A_322 = tpu.memref_squeeze %dma_start3A_321 : memref<1x128x128xf32, #tpu.memory_space<vmem>> -> memref<128x128xf32, #tpu.memory_space<vmem>>
      tpu.enqueue_dma source(%dma_start3A_322 : memref<128x128xf32, #tpu.memory_space<vmem>>) target(%dma_start3A_318 : memref<128x128xf32, #tpu.memory_space<hbm>>) target_semaphore(%arg9 : memref<!tpu.dma_semaphore, #tpu.memory_space<semaphore_mem>>)
      %mul3A_323 = arith.constant 128 : i32
      %mul3A_324 = arith.muli %mul3A_6, %mul3A_323 : i32
      %multiple_of3A_325 = tpu.assume_multiple %mul3A_324, 128 : i32
      %dma_wait3A_326 = arith.constant 1 : i32
      %dma_wait3A_327 = arith.constant 0 : i32
      %dma_wait3A_328 = arith.constant 0 : i32
      %dma_wait3A_329 = tpu.memref_slice %arg7[%dma_wait3A_326, %dma_wait3A_327, %dma_wait3A_328] : memref<4x128x128xf32, #tpu.memory_space<vmem>> -> memref<1x128x128xf32, #tpu.memory_space<vmem>>
      %dma_wait3A_330 = tpu.memref_squeeze %dma_wait3A_329 : memref<1x128x128xf32, #tpu.memory_space<vmem>> -> memref<128x128xf32, #tpu.memory_space<vmem>>
      %dma_wait3A_331 = arith.constant 0 : i32
      %dma_wait3A_332 = tpu.memref_slice %arg4[%multiple_of3A_325, %dma_wait3A_331] : memref<3276800x128xf32, #tpu.memory_space<hbm>> -> memref<128x128xf32, #tpu.memory_space<hbm>>
      %dma_wait3A_333 = arith.constant 0 : i32
      %dma_wait3A_334 = arith.constant 0 : i32
      %dma_wait3A_335 = tpu.memref_slice %arg7[%dma_wait3A_326, %dma_wait3A_333, %dma_wait3A_334] : memref<4x128x128xf32, #tpu.memory_space<vmem>> -> memref<1x128x128xf32, #tpu.memory_space<vmem>>
      %dma_wait3A_336 = tpu.memref_squeeze %dma_wait3A_335 : memref<1x128x128xf32, #tpu.memory_space<vmem>> -> memref<128x128xf32, #tpu.memory_space<vmem>>
      %dma_wait3A_337 = arith.constant 0 : i32
      %dma_wait3A_338 = tpu.memref_slice %arg4[%multiple_of3A_325, %dma_wait3A_337] : memref<3276800x128xf32, #tpu.memory_space<hbm>> -> memref<128x128xf32, #tpu.memory_space<hbm>>
      tpu.wait_dma2 semaphore(%arg9 : memref<!tpu.dma_semaphore, #tpu.memory_space<semaphore_mem>>) src(%dma_wait3A_338 : memref<128x128xf32, #tpu.memory_space<hbm>>) dst(%dma_wait3A_336 : memref<128x128xf32, #tpu.memory_space<vmem>>)
      %dma_start3A_339 = arith.constant 5 : i32
      %dma_start3A_340 = arith.constant 1 : i32
      %dma_start3A_341 = arith.constant 0 : i32
      %dma_start3A_342 = arith.constant 0 : i32
      %dma_start3A_343 = tpu.memref_slice %arg7[%dma_start3A_340, %dma_start3A_341, %dma_start3A_342] : memref<4x128x128xf32, #tpu.memory_space<vmem>> -> memref<1x128x128xf32, #tpu.memory_space<vmem>>
      %dma_start3A_344 = tpu.memref_squeeze %dma_start3A_343 : memref<1x128x128xf32, #tpu.memory_space<vmem>> -> memref<128x128xf32, #tpu.memory_space<vmem>>
      %dma_start3A_345 = arith.constant 0 : i32
      %dma_start3A_346 = tpu.memref_slice %arg6[%dma_start3A_339, %dma_start3A_345] : memref<16x128xi32, #tpu.memory_space<vmem>> -> memref<1x128xi32, #tpu.memory_space<vmem>>
      %dma_start3A_347 = tpu.memref_squeeze %dma_start3A_346 : memref<1x128xi32, #tpu.memory_space<vmem>> -> memref<128xi32, #tpu.memory_space<vmem>>
      %dma_start3A_348 = arith.constant 0 : i32
      %dma_start3A_349 = arith.constant 0 : i32
      %dma_start3A_350 = tpu.memref_slice %arg5[%dma_start3A_348, %dma_start3A_349] : memref<6x128xf32, #tpu.memory_space<vmem_shared>> -> memref<6x128xf32, #tpu.memory_space<vmem_shared>>
      tpu.enqueue_indirect_dma source(%dma_start3A_350 : memref<6x128xf32, #tpu.memory_space<vmem_shared>>) target(%dma_start3A_344 : memref<128x128xf32, #tpu.memory_space<vmem>>) offsets(%dma_start3A_347 : memref<128xi32, #tpu.memory_space<vmem>>) semaphore(%arg8 : memref<!tpu.dma_semaphore, #tpu.memory_space<semaphore_mem>>)
      %dma_wait3A_351 = arith.constant 5 : i32
      %dma_wait3A_352 = arith.constant 1 : i32
      %dma_wait3A_353 = arith.constant 0 : i32
      %dma_wait3A_354 = arith.constant 0 : i32
      %dma_wait3A_355 = tpu.memref_slice %arg7[%dma_wait3A_352, %dma_wait3A_353, %dma_wait3A_354] : memref<4x128x128xf32, #tpu.memory_space<vmem>> -> memref<1x128x128xf32, #tpu.memory_space<vmem>>
      %dma_wait3A_356 = tpu.memref_squeeze %dma_wait3A_355 : memref<1x128x128xf32, #tpu.memory_space<vmem>> -> memref<128x128xf32, #tpu.memory_space<vmem>>
      %dma_wait3A_357 = arith.constant 0 : i32
      %dma_wait3A_358 = tpu.memref_slice %arg6[%dma_wait3A_351, %dma_wait3A_357] : memref<16x128xi32, #tpu.memory_space<vmem>> -> memref<1x128xi32, #tpu.memory_space<vmem>>
      %dma_wait3A_359 = tpu.memref_squeeze %dma_wait3A_358 : memref<1x128xi32, #tpu.memory_space<vmem>> -> memref<128xi32, #tpu.memory_space<vmem>>
      %dma_wait3A_360 = arith.constant 0 : i32
      %dma_wait3A_361 = arith.constant 0 : i32
      %dma_wait3A_362 = tpu.memref_slice %arg5[%dma_wait3A_360, %dma_wait3A_361] : memref<6x128xf32, #tpu.memory_space<vmem_shared>> -> memref<6x128xf32, #tpu.memory_space<vmem_shared>>
      tpu.wait_indirect_dma semaphore(%arg8 : memref<!tpu.dma_semaphore, #tpu.memory_space<semaphore_mem>>) src(%dma_wait3A_362 : memref<6x128xf32, #tpu.memory_space<vmem_shared>>) dst(%dma_wait3A_356 : memref<128x128xf32, #tpu.memory_space<vmem>>)
      %add3A_363 = arith.constant 5 : i32
      %add3A_364 = arith.addi %multiple_of3A_78, %add3A_363 : i32
      %mul3A_365 = arith.constant 128 : i32
      %mul3A_366 = arith.muli %add3A_364, %mul3A_365 : i32
      %multiple_of3A_367 = tpu.assume_multiple %mul3A_366, 128 : i32
      %dma_start3A_368 = arith.constant 1 : i32
      %dma_start3A_369 = arith.constant 0 : i32
      %dma_start3A_370 = arith.constant 0 : i32
      %dma_start3A_371 = tpu.memref_slice %arg7[%dma_start3A_368, %dma_start3A_369, %dma_start3A_370] : memref<4x128x128xf32, #tpu.memory_space<vmem>> -> memref<1x128x128xf32, #tpu.memory_space<vmem>>
      %dma_start3A_372 = tpu.memref_squeeze %dma_start3A_371 : memref<1x128x128xf32, #tpu.memory_space<vmem>> -> memref<128x128xf32, #tpu.memory_space<vmem>>
      %dma_start3A_373 = arith.constant 0 : i32
      %dma_start3A_374 = tpu.memref_slice %arg4[%multiple_of3A_367, %dma_start3A_373] : memref<3276800x128xf32, #tpu.memory_space<hbm>> -> memref<128x128xf32, #tpu.memory_space<hbm>>
      %dma_start3A_375 = arith.constant 0 : i32
      %dma_start3A_376 = tpu.memref_slice %arg4[%multiple_of3A_367, %dma_start3A_375] : memref<3276800x128xf32, #tpu.memory_space<hbm>> -> memref<128x128xf32, #tpu.memory_space<hbm>>
      %dma_start3A_377 = arith.constant 0 : i32
      %dma_start3A_378 = arith.constant 0 : i32
      %dma_start3A_379 = tpu.memref_slice %arg7[%dma_start3A_368, %dma_start3A_377, %dma_start3A_378] : memref<4x128x128xf32, #tpu.memory_space<vmem>> -> memref<1x128x128xf32, #tpu.memory_space<vmem>>
      %dma_start3A_380 = tpu.memref_squeeze %dma_start3A_379 : memref<1x128x128xf32, #tpu.memory_space<vmem>> -> memref<128x128xf32, #tpu.memory_space<vmem>>
      tpu.enqueue_dma source(%dma_start3A_380 : memref<128x128xf32, #tpu.memory_space<vmem>>) target(%dma_start3A_376 : memref<128x128xf32, #tpu.memory_space<hbm>>) target_semaphore(%arg9 : memref<!tpu.dma_semaphore, #tpu.memory_space<semaphore_mem>>)
      %mul3A_381 = arith.constant 128 : i32
      %mul3A_382 = arith.muli %mul3A_6, %mul3A_381 : i32
      %multiple_of3A_383 = tpu.assume_multiple %mul3A_382, 128 : i32
      %dma_wait3A_384 = arith.constant 2 : i32
      %dma_wait3A_385 = arith.constant 0 : i32
      %dma_wait3A_386 = arith.constant 0 : i32
      %dma_wait3A_387 = tpu.memref_slice %arg7[%dma_wait3A_384, %dma_wait3A_385, %dma_wait3A_386] : memref<4x128x128xf32, #tpu.memory_space<vmem>> -> memref<1x128x128xf32, #tpu.memory_space<vmem>>
      %dma_wait3A_388 = tpu.memref_squeeze %dma_wait3A_387 : memref<1x128x128xf32, #tpu.memory_space<vmem>> -> memref<128x128xf32, #tpu.memory_space<vmem>>
      %dma_wait3A_389 = arith.constant 0 : i32
      %dma_wait3A_390 = tpu.memref_slice %arg4[%multiple_of3A_383, %dma_wait3A_389] : memref<3276800x128xf32, #tpu.memory_space<hbm>> -> memref<128x128xf32, #tpu.memory_space<hbm>>
      %dma_wait3A_391 = arith.constant 0 : i32
      %dma_wait3A_392 = arith.constant 0 : i32
      %dma_wait3A_393 = tpu.memref_slice %arg7[%dma_wait3A_384, %dma_wait3A_391, %dma_wait3A_392] : memref<4x128x128xf32, #tpu.memory_space<vmem>> -> memref<1x128x128xf32, #tpu.memory_space<vmem>>
      %dma_wait3A_394 = tpu.memref_squeeze %dma_wait3A_393 : memref<1x128x128xf32, #tpu.memory_space<vmem>> -> memref<128x128xf32, #tpu.memory_space<vmem>>
      %dma_wait3A_395 = arith.constant 0 : i32
      %dma_wait3A_396 = tpu.memref_slice %arg4[%multiple_of3A_383, %dma_wait3A_395] : memref<3276800x128xf32, #tpu.memory_space<hbm>> -> memref<128x128xf32, #tpu.memory_space<hbm>>
      tpu.wait_dma2 semaphore(%arg9 : memref<!tpu.dma_semaphore, #tpu.memory_space<semaphore_mem>>) src(%dma_wait3A_396 : memref<128x128xf32, #tpu.memory_space<hbm>>) dst(%dma_wait3A_394 : memref<128x128xf32, #tpu.memory_space<vmem>>)
      %dma_start3A_397 = arith.constant 6 : i32
      %dma_start3A_398 = arith.constant 2 : i32
      %dma_start3A_399 = arith.constant 0 : i32
      %dma_start3A_400 = arith.constant 0 : i32
      %dma_start3A_401 = tpu.memref_slice %arg7[%dma_start3A_398, %dma_start3A_399, %dma_start3A_400] : memref<4x128x128xf32, #tpu.memory_space<vmem>> -> memref<1x128x128xf32, #tpu.memory_space<vmem>>
      %dma_start3A_402 = tpu.memref_squeeze %dma_start3A_401 : memref<1x128x128xf32, #tpu.memory_space<vmem>> -> memref<128x128xf32, #tpu.memory_space<vmem>>
      %dma_start3A_403 = arith.constant 0 : i32
      %dma_start3A_404 = tpu.memref_slice %arg6[%dma_start3A_397, %dma_start3A_403] : memref<16x128xi32, #tpu.memory_space<vmem>> -> memref<1x128xi32, #tpu.memory_space<vmem>>
      %dma_start3A_405 = tpu.memref_squeeze %dma_start3A_404 : memref<1x128xi32, #tpu.memory_space<vmem>> -> memref<128xi32, #tpu.memory_space<vmem>>
      %dma_start3A_406 = arith.constant 0 : i32
      %dma_start3A_407 = arith.constant 0 : i32
      %dma_start3A_408 = tpu.memref_slice %arg5[%dma_start3A_406, %dma_start3A_407] : memref<6x128xf32, #tpu.memory_space<vmem_shared>> -> memref<6x128xf32, #tpu.memory_space<vmem_shared>>
      tpu.enqueue_indirect_dma source(%dma_start3A_408 : memref<6x128xf32, #tpu.memory_space<vmem_shared>>) target(%dma_start3A_402 : memref<128x128xf32, #tpu.memory_space<vmem>>) offsets(%dma_start3A_405 : memref<128xi32, #tpu.memory_space<vmem>>) semaphore(%arg8 : memref<!tpu.dma_semaphore, #tpu.memory_space<semaphore_mem>>)
      %dma_wait3A_409 = arith.constant 6 : i32
      %dma_wait3A_410 = arith.constant 2 : i32
      %dma_wait3A_411 = arith.constant 0 : i32
      %dma_wait3A_412 = arith.constant 0 : i32
      %dma_wait3A_413 = tpu.memref_slice %arg7[%dma_wait3A_410, %dma_wait3A_411, %dma_wait3A_412] : memref<4x128x128xf32, #tpu.memory_space<vmem>> -> memref<1x128x128xf32, #tpu.memory_space<vmem>>
      %dma_wait3A_414 = tpu.memref_squeeze %dma_wait3A_413 : memref<1x128x128xf32, #tpu.memory_space<vmem>> -> memref<128x128xf32, #tpu.memory_space<vmem>>
      %dma_wait3A_415 = arith.constant 0 : i32
      %dma_wait3A_416 = tpu.memref_slice %arg6[%dma_wait3A_409, %dma_wait3A_415] : memref<16x128xi32, #tpu.memory_space<vmem>> -> memref<1x128xi32, #tpu.memory_space<vmem>>
      %dma_wait3A_417 = tpu.memref_squeeze %dma_wait3A_416 : memref<1x128xi32, #tpu.memory_space<vmem>> -> memref<128xi32, #tpu.memory_space<vmem>>
      %dma_wait3A_418 = arith.constant 0 : i32
      %dma_wait3A_419 = arith.constant 0 : i32
      %dma_wait3A_420 = tpu.memref_slice %arg5[%dma_wait3A_418, %dma_wait3A_419] : memref<6x128xf32, #tpu.memory_space<vmem_shared>> -> memref<6x128xf32, #tpu.memory_space<vmem_shared>>
      tpu.wait_indirect_dma semaphore(%arg8 : memref<!tpu.dma_semaphore, #tpu.memory_space<semaphore_mem>>) src(%dma_wait3A_420 : memref<6x128xf32, #tpu.memory_space<vmem_shared>>) dst(%dma_wait3A_414 : memref<128x128xf32, #tpu.memory_space<vmem>>)
      %add3A_421 = arith.constant 6 : i32
      %add3A_422 = arith.addi %multiple_of3A_78, %add3A_421 : i32
      %mul3A_423 = arith.constant 128 : i32
      %mul3A_424 = arith.muli %add3A_422, %mul3A_423 : i32
      %multiple_of3A_425 = tpu.assume_multiple %mul3A_424, 128 : i32
      %dma_start3A_426 = arith.constant 2 : i32
      %dma_start3A_427 = arith.constant 0 : i32
      %dma_start3A_428 = arith.constant 0 : i32
      %dma_start3A_429 = tpu.memref_slice %arg7[%dma_start3A_426, %dma_start3A_427, %dma_start3A_428] : memref<4x128x128xf32, #tpu.memory_space<vmem>> -> memref<1x128x128xf32, #tpu.memory_space<vmem>>
      %dma_start3A_430 = tpu.memref_squeeze %dma_start3A_429 : memref<1x128x128xf32, #tpu.memory_space<vmem>> -> memref<128x128xf32, #tpu.memory_space<vmem>>
      %dma_start3A_431 = arith.constant 0 : i32
      %dma_start3A_432 = tpu.memref_slice %arg4[%multiple_of3A_425, %dma_start3A_431] : memref<3276800x128xf32, #tpu.memory_space<hbm>> -> memref<128x128xf32, #tpu.memory_space<hbm>>
      %dma_start3A_433 = arith.constant 0 : i32
      %dma_start3A_434 = tpu.memref_slice %arg4[%multiple_of3A_425, %dma_start3A_433] : memref<3276800x128xf32, #tpu.memory_space<hbm>> -> memref<128x128xf32, #tpu.memory_space<hbm>>
      %dma_start3A_435 = arith.constant 0 : i32
      %dma_start3A_436 = arith.constant 0 : i32
      %dma_start3A_437 = tpu.memref_slice %arg7[%dma_start3A_426, %dma_start3A_435, %dma_start3A_436] : memref<4x128x128xf32, #tpu.memory_space<vmem>> -> memref<1x128x128xf32, #tpu.memory_space<vmem>>
      %dma_start3A_438 = tpu.memref_squeeze %dma_start3A_437 : memref<1x128x128xf32, #tpu.memory_space<vmem>> -> memref<128x128xf32, #tpu.memory_space<vmem>>
      tpu.enqueue_dma source(%dma_start3A_438 : memref<128x128xf32, #tpu.memory_space<vmem>>) target(%dma_start3A_434 : memref<128x128xf32, #tpu.memory_space<hbm>>) target_semaphore(%arg9 : memref<!tpu.dma_semaphore, #tpu.memory_space<semaphore_mem>>)
      %mul3A_439 = arith.constant 128 : i32
      %mul3A_440 = arith.muli %mul3A_6, %mul3A_439 : i32
      %multiple_of3A_441 = tpu.assume_multiple %mul3A_440, 128 : i32
      %dma_wait3A_442 = arith.constant 3 : i32
      %dma_wait3A_443 = arith.constant 0 : i32
      %dma_wait3A_444 = arith.constant 0 : i32
      %dma_wait3A_445 = tpu.memref_slice %arg7[%dma_wait3A_442, %dma_wait3A_443, %dma_wait3A_444] : memref<4x128x128xf32, #tpu.memory_space<vmem>> -> memref<1x128x128xf32, #tpu.memory_space<vmem>>
      %dma_wait3A_446 = tpu.memref_squeeze %dma_wait3A_445 : memref<1x128x128xf32, #tpu.memory_space<vmem>> -> memref<128x128xf32, #tpu.memory_space<vmem>>
      %dma_wait3A_447 = arith.constant 0 : i32
      %dma_wait3A_448 = tpu.memref_slice %arg4[%multiple_of3A_441, %dma_wait3A_447] : memref<3276800x128xf32, #tpu.memory_space<hbm>> -> memref<128x128xf32, #tpu.memory_space<hbm>>
      %dma_wait3A_449 = arith.constant 0 : i32
      %dma_wait3A_450 = arith.constant 0 : i32
      %dma_wait3A_451 = tpu.memref_slice %arg7[%dma_wait3A_442, %dma_wait3A_449, %dma_wait3A_450] : memref<4x128x128xf32, #tpu.memory_space<vmem>> -> memref<1x128x128xf32, #tpu.memory_space<vmem>>
      %dma_wait3A_452 = tpu.memref_squeeze %dma_wait3A_451 : memref<1x128x128xf32, #tpu.memory_space<vmem>> -> memref<128x128xf32, #tpu.memory_space<vmem>>
      %dma_wait3A_453 = arith.constant 0 : i32
      %dma_wait3A_454 = tpu.memref_slice %arg4[%multiple_of3A_441, %dma_wait3A_453] : memref<3276800x128xf32, #tpu.memory_space<hbm>> -> memref<128x128xf32, #tpu.memory_space<hbm>>
      tpu.wait_dma2 semaphore(%arg9 : memref<!tpu.dma_semaphore, #tpu.memory_space<semaphore_mem>>) src(%dma_wait3A_454 : memref<128x128xf32, #tpu.memory_space<hbm>>) dst(%dma_wait3A_452 : memref<128x128xf32, #tpu.memory_space<vmem>>)
      %dma_start3A_455 = arith.constant 7 : i32
      %dma_start3A_456 = arith.constant 3 : i32
      %dma_start3A_457 = arith.constant 0 : i32
      %dma_start3A_458 = arith.constant 0 : i32
      %dma_start3A_459 = tpu.memref_slice %arg7[%dma_start3A_456, %dma_start3A_457, %dma_start3A_458] : memref<4x128x128xf32, #tpu.memory_space<vmem>> -> memref<1x128x128xf32, #tpu.memory_space<vmem>>
      %dma_start3A_460 = tpu.memref_squeeze %dma_start3A_459 : memref<1x128x128xf32, #tpu.memory_space<vmem>> -> memref<128x128xf32, #tpu.memory_space<vmem>>
      %dma_start3A_461 = arith.constant 0 : i32
      %dma_start3A_462 = tpu.memref_slice %arg6[%dma_start3A_455, %dma_start3A_461] : memref<16x128xi32, #tpu.memory_space<vmem>> -> memref<1x128xi32, #tpu.memory_space<vmem>>
      %dma_start3A_463 = tpu.memref_squeeze %dma_start3A_462 : memref<1x128xi32, #tpu.memory_space<vmem>> -> memref<128xi32, #tpu.memory_space<vmem>>
      %dma_start3A_464 = arith.constant 0 : i32
      %dma_start3A_465 = arith.constant 0 : i32
      %dma_start3A_466 = tpu.memref_slice %arg5[%dma_start3A_464, %dma_start3A_465] : memref<6x128xf32, #tpu.memory_space<vmem_shared>> -> memref<6x128xf32, #tpu.memory_space<vmem_shared>>
      tpu.enqueue_indirect_dma source(%dma_start3A_466 : memref<6x128xf32, #tpu.memory_space<vmem_shared>>) target(%dma_start3A_460 : memref<128x128xf32, #tpu.memory_space<vmem>>) offsets(%dma_start3A_463 : memref<128xi32, #tpu.memory_space<vmem>>) semaphore(%arg8 : memref<!tpu.dma_semaphore, #tpu.memory_space<semaphore_mem>>)
      %dma_wait3A_467 = arith.constant 7 : i32
      %dma_wait3A_468 = arith.constant 3 : i32
      %dma_wait3A_469 = arith.constant 0 : i32
      %dma_wait3A_470 = arith.constant 0 : i32
      %dma_wait3A_471 = tpu.memref_slice %arg7[%dma_wait3A_468, %dma_wait3A_469, %dma_wait3A_470] : memref<4x128x128xf32, #tpu.memory_space<vmem>> -> memref<1x128x128xf32, #tpu.memory_space<vmem>>
      %dma_wait3A_472 = tpu.memref_squeeze %dma_wait3A_471 : memref<1x128x128xf32, #tpu.memory_space<vmem>> -> memref<128x128xf32, #tpu.memory_space<vmem>>
      %dma_wait3A_473 = arith.constant 0 : i32
      %dma_wait3A_474 = tpu.memref_slice %arg6[%dma_wait3A_467, %dma_wait3A_473] : memref<16x128xi32, #tpu.memory_space<vmem>> -> memref<1x128xi32, #tpu.memory_space<vmem>>
      %dma_wait3A_475 = tpu.memref_squeeze %dma_wait3A_474 : memref<1x128xi32, #tpu.memory_space<vmem>> -> memref<128xi32, #tpu.memory_space<vmem>>
      %dma_wait3A_476 = arith.constant 0 : i32
      %dma_wait3A_477 = arith.constant 0 : i32
      %dma_wait3A_478 = tpu.memref_slice %arg5[%dma_wait3A_476, %dma_wait3A_477] : memref<6x128xf32, #tpu.memory_space<vmem_shared>> -> memref<6x128xf32, #tpu.memory_space<vmem_shared>>
      tpu.wait_indirect_dma semaphore(%arg8 : memref<!tpu.dma_semaphore, #tpu.memory_space<semaphore_mem>>) src(%dma_wait3A_478 : memref<6x128xf32, #tpu.memory_space<vmem_shared>>) dst(%dma_wait3A_472 : memref<128x128xf32, #tpu.memory_space<vmem>>)
      %add3A_479 = arith.constant 7 : i32
      %add3A_480 = arith.addi %multiple_of3A_78, %add3A_479 : i32
      %mul3A_481 = arith.constant 128 : i32
      %mul3A_482 = arith.muli %add3A_480, %mul3A_481 : i32
      %multiple_of3A_483 = tpu.assume_multiple %mul3A_482, 128 : i32
      %dma_start3A_484 = arith.constant 3 : i32
      %dma_start3A_485 = arith.constant 0 : i32
      %dma_start3A_486 = arith.constant 0 : i32
      %dma_start3A_487 = tpu.memref_slice %arg7[%dma_start3A_484, %dma_start3A_485, %dma_start3A_486] : memref<4x128x128xf32, #tpu.memory_space<vmem>> -> memref<1x128x128xf32, #tpu.memory_space<vmem>>
      %dma_start3A_488 = tpu.memref_squeeze %dma_start3A_487 : memref<1x128x128xf32, #tpu.memory_space<vmem>> -> memref<128x128xf32, #tpu.memory_space<vmem>>
      %dma_start3A_489 = arith.constant 0 : i32
      %dma_start3A_490 = tpu.memref_slice %arg4[%multiple_of3A_483, %dma_start3A_489] : memref<3276800x128xf32, #tpu.memory_space<hbm>> -> memref<128x128xf32, #tpu.memory_space<hbm>>
      %dma_start3A_491 = arith.constant 0 : i32
      %dma_start3A_492 = tpu.memref_slice %arg4[%multiple_of3A_483, %dma_start3A_491] : memref<3276800x128xf32, #tpu.memory_space<hbm>> -> memref<128x128xf32, #tpu.memory_space<hbm>>
      %dma_start3A_493 = arith.constant 0 : i32
      %dma_start3A_494 = arith.constant 0 : i32
      %dma_start3A_495 = tpu.memref_slice %arg7[%dma_start3A_484, %dma_start3A_493, %dma_start3A_494] : memref<4x128x128xf32, #tpu.memory_space<vmem>> -> memref<1x128x128xf32, #tpu.memory_space<vmem>>
      %dma_start3A_496 = tpu.memref_squeeze %dma_start3A_495 : memref<1x128x128xf32, #tpu.memory_space<vmem>> -> memref<128x128xf32, #tpu.memory_space<vmem>>
      tpu.enqueue_dma source(%dma_start3A_496 : memref<128x128xf32, #tpu.memory_space<vmem>>) target(%dma_start3A_492 : memref<128x128xf32, #tpu.memory_space<hbm>>) target_semaphore(%arg9 : memref<!tpu.dma_semaphore, #tpu.memory_space<semaphore_mem>>)
      %mul3A_497 = arith.constant 128 : i32
      %mul3A_498 = arith.muli %mul3A_6, %mul3A_497 : i32
      %multiple_of3A_499 = tpu.assume_multiple %mul3A_498, 128 : i32
      %dma_wait3A_500 = arith.constant 0 : i32
      %dma_wait3A_501 = arith.constant 0 : i32
      %dma_wait3A_502 = arith.constant 0 : i32
      %dma_wait3A_503 = tpu.memref_slice %arg7[%dma_wait3A_500, %dma_wait3A_501, %dma_wait3A_502] : memref<4x128x128xf32, #tpu.memory_space<vmem>> -> memref<1x128x128xf32, #tpu.memory_space<vmem>>
      %dma_wait3A_504 = tpu.memref_squeeze %dma_wait3A_503 : memref<1x128x128xf32, #tpu.memory_space<vmem>> -> memref<128x128xf32, #tpu.memory_space<vmem>>
      %dma_wait3A_505 = arith.constant 0 : i32
      %dma_wait3A_506 = tpu.memref_slice %arg4[%multiple_of3A_499, %dma_wait3A_505] : memref<3276800x128xf32, #tpu.memory_space<hbm>> -> memref<128x128xf32, #tpu.memory_space<hbm>>
      %dma_wait3A_507 = arith.constant 0 : i32
      %dma_wait3A_508 = arith.constant 0 : i32
      %dma_wait3A_509 = tpu.memref_slice %arg7[%dma_wait3A_500, %dma_wait3A_507, %dma_wait3A_508] : memref<4x128x128xf32, #tpu.memory_space<vmem>> -> memref<1x128x128xf32, #tpu.memory_space<vmem>>
      %dma_wait3A_510 = tpu.memref_squeeze %dma_wait3A_509 : memref<1x128x128xf32, #tpu.memory_space<vmem>> -> memref<128x128xf32, #tpu.memory_space<vmem>>
      %dma_wait3A_511 = arith.constant 0 : i32
      %dma_wait3A_512 = tpu.memref_slice %arg4[%multiple_of3A_499, %dma_wait3A_511] : memref<3276800x128xf32, #tpu.memory_space<hbm>> -> memref<128x128xf32, #tpu.memory_space<hbm>>
      tpu.wait_dma2 semaphore(%arg9 : memref<!tpu.dma_semaphore, #tpu.memory_space<semaphore_mem>>) src(%dma_wait3A_512 : memref<128x128xf32, #tpu.memory_space<hbm>>) dst(%dma_wait3A_510 : memref<128x128xf32, #tpu.memory_space<vmem>>)
      %dma_start3A_513 = arith.constant 8 : i32
      %dma_start3A_514 = arith.constant 0 : i32
      %dma_start3A_515 = arith.constant 0 : i32
      %dma_start3A_516 = arith.constant 0 : i32
      %dma_start3A_517 = tpu.memref_slice %arg7[%dma_start3A_514, %dma_start3A_515, %dma_start3A_516] : memref<4x128x128xf32, #tpu.memory_space<vmem>> -> memref<1x128x128xf32, #tpu.memory_space<vmem>>
      %dma_start3A_518 = tpu.memref_squeeze %dma_start3A_517 : memref<1x128x128xf32, #tpu.memory_space<vmem>> -> memref<128x128xf32, #tpu.memory_space<vmem>>
      %dma_start3A_519 = arith.constant 0 : i32
      %dma_start3A_520 = tpu.memref_slice %arg6[%dma_start3A_513, %dma_start3A_519] : memref<16x128xi32, #tpu.memory_space<vmem>> -> memref<1x128xi32, #tpu.memory_space<vmem>>
      %dma_start3A_521 = tpu.memref_squeeze %dma_start3A_520 : memref<1x128xi32, #tpu.memory_space<vmem>> -> memref<128xi32, #tpu.memory_space<vmem>>
      %dma_start3A_522 = arith.constant 0 : i32
      %dma_start3A_523 = arith.constant 0 : i32
      %dma_start3A_524 = tpu.memref_slice %arg5[%dma_start3A_522, %dma_start3A_523] : memref<6x128xf32, #tpu.memory_space<vmem_shared>> -> memref<6x128xf32, #tpu.memory_space<vmem_shared>>
      tpu.enqueue_indirect_dma source(%dma_start3A_524 : memref<6x128xf32, #tpu.memory_space<vmem_shared>>) target(%dma_start3A_518 : memref<128x128xf32, #tpu.memory_space<vmem>>) offsets(%dma_start3A_521 : memref<128xi32, #tpu.memory_space<vmem>>) semaphore(%arg8 : memref<!tpu.dma_semaphore, #tpu.memory_space<semaphore_mem>>)
      %dma_wait3A_525 = arith.constant 8 : i32
      %dma_wait3A_526 = arith.constant 0 : i32
      %dma_wait3A_527 = arith.constant 0 : i32
      %dma_wait3A_528 = arith.constant 0 : i32
      %dma_wait3A_529 = tpu.memref_slice %arg7[%dma_wait3A_526, %dma_wait3A_527, %dma_wait3A_528] : memref<4x128x128xf32, #tpu.memory_space<vmem>> -> memref<1x128x128xf32, #tpu.memory_space<vmem>>
      %dma_wait3A_530 = tpu.memref_squeeze %dma_wait3A_529 : memref<1x128x128xf32, #tpu.memory_space<vmem>> -> memref<128x128xf32, #tpu.memory_space<vmem>>
      %dma_wait3A_531 = arith.constant 0 : i32
      %dma_wait3A_532 = tpu.memref_slice %arg6[%dma_wait3A_525, %dma_wait3A_531] : memref<16x128xi32, #tpu.memory_space<vmem>> -> memref<1x128xi32, #tpu.memory_space<vmem>>
      %dma_wait3A_533 = tpu.memref_squeeze %dma_wait3A_532 : memref<1x128xi32, #tpu.memory_space<vmem>> -> memref<128xi32, #tpu.memory_space<vmem>>
      %dma_wait3A_534 = arith.constant 0 : i32
      %dma_wait3A_535 = arith.constant 0 : i32
      %dma_wait3A_536 = tpu.memref_slice %arg5[%dma_wait3A_534, %dma_wait3A_535] : memref<6x128xf32, #tpu.memory_space<vmem_shared>> -> memref<6x128xf32, #tpu.memory_space<vmem_shared>>
      tpu.wait_indirect_dma semaphore(%arg8 : memref<!tpu.dma_semaphore, #tpu.memory_space<semaphore_mem>>) src(%dma_wait3A_536 : memref<6x128xf32, #tpu.memory_space<vmem_shared>>) dst(%dma_wait3A_530 : memref<128x128xf32, #tpu.memory_space<vmem>>)
      %add3A_537 = arith.constant 8 : i32
      %add3A_538 = arith.addi %multiple_of3A_78, %add3A_537 : i32
      %mul3A_539 = arith.constant 128 : i32
      %mul3A_540 = arith.muli %add3A_538, %mul3A_539 : i32
      %multiple_of3A_541 = tpu.assume_multiple %mul3A_540, 128 : i32
      %dma_start3A_542 = arith.constant 0 : i32
      %dma_start3A_543 = arith.constant 0 : i32
      %dma_start3A_544 = arith.constant 0 : i32
      %dma_start3A_545 = tpu.memref_slice %arg7[%dma_start3A_542, %dma_start3A_543, %dma_start3A_544] : memref<4x128x128xf32, #tpu.memory_space<vmem>> -> memref<1x128x128xf32, #tpu.memory_space<vmem>>
      %dma_start3A_546 = tpu.memref_squeeze %dma_start3A_545 : memref<1x128x128xf32, #tpu.memory_space<vmem>> -> memref<128x128xf32, #tpu.memory_space<vmem>>
      %dma_start3A_547 = arith.constant 0 : i32
      %dma_start3A_548 = tpu.memref_slice %arg4[%multiple_of3A_541, %dma_start3A_547] : memref<3276800x128xf32, #tpu.memory_space<hbm>> -> memref<128x128xf32, #tpu.memory_space<hbm>>
      %dma_start3A_549 = arith.constant 0 : i32
      %dma_start3A_550 = tpu.memref_slice %arg4[%multiple_of3A_541, %dma_start3A_549] : memref<3276800x128xf32, #tpu.memory_space<hbm>> -> memref<128x128xf32, #tpu.memory_space<hbm>>
      %dma_start3A_551 = arith.constant 0 : i32
      %dma_start3A_552 = arith.constant 0 : i32
      %dma_start3A_553 = tpu.memref_slice %arg7[%dma_start3A_542, %dma_start3A_551, %dma_start3A_552] : memref<4x128x128xf32, #tpu.memory_space<vmem>> -> memref<1x128x128xf32, #tpu.memory_space<vmem>>
      %dma_start3A_554 = tpu.memref_squeeze %dma_start3A_553 : memref<1x128x128xf32, #tpu.memory_space<vmem>> -> memref<128x128xf32, #tpu.memory_space<vmem>>
      tpu.enqueue_dma source(%dma_start3A_554 : memref<128x128xf32, #tpu.memory_space<vmem>>) target(%dma_start3A_550 : memref<128x128xf32, #tpu.memory_space<hbm>>) target_semaphore(%arg9 : memref<!tpu.dma_semaphore, #tpu.memory_space<semaphore_mem>>)
      %mul3A_555 = arith.constant 128 : i32
      %mul3A_556 = arith.muli %mul3A_6, %mul3A_555 : i32
      %multiple_of3A_557 = tpu.assume_multiple %mul3A_556, 128 : i32
      %dma_wait3A_558 = arith.constant 1 : i32
      %dma_wait3A_559 = arith.constant 0 : i32
      %dma_wait3A_560 = arith.constant 0 : i32
      %dma_wait3A_561 = tpu.memref_slice %arg7[%dma_wait3A_558, %dma_wait3A_559, %dma_wait3A_560] : memref<4x128x128xf32, #tpu.memory_space<vmem>> -> memref<1x128x128xf32, #tpu.memory_space<vmem>>
      %dma_wait3A_562 = tpu.memref_squeeze %dma_wait3A_561 : memref<1x128x128xf32, #tpu.memory_space<vmem>> -> memref<128x128xf32, #tpu.memory_space<vmem>>
      %dma_wait3A_563 = arith.constant 0 : i32
      %dma_wait3A_564 = tpu.memref_slice %arg4[%multiple_of3A_557, %dma_wait3A_563] : memref<3276800x128xf32, #tpu.memory_space<hbm>> -> memref<128x128xf32, #tpu.memory_space<hbm>>
      %dma_wait3A_565 = arith.constant 0 : i32
      %dma_wait3A_566 = arith.constant 0 : i32
      %dma_wait3A_567 = tpu.memref_slice %arg7[%dma_wait3A_558, %dma_wait3A_565, %dma_wait3A_566] : memref<4x128x128xf32, #tpu.memory_space<vmem>> -> memref<1x128x128xf32, #tpu.memory_space<vmem>>
      %dma_wait3A_568 = tpu.memref_squeeze %dma_wait3A_567 : memref<1x128x128xf32, #tpu.memory_space<vmem>> -> memref<128x128xf32, #tpu.memory_space<vmem>>
      %dma_wait3A_569 = arith.constant 0 : i32
      %dma_wait3A_570 = tpu.memref_slice %arg4[%multiple_of3A_557, %dma_wait3A_569] : memref<3276800x128xf32, #tpu.memory_space<hbm>> -> memref<128x128xf32, #tpu.memory_space<hbm>>
      tpu.wait_dma2 semaphore(%arg9 : memref<!tpu.dma_semaphore, #tpu.memory_space<semaphore_mem>>) src(%dma_wait3A_570 : memref<128x128xf32, #tpu.memory_space<hbm>>) dst(%dma_wait3A_568 : memref<128x128xf32, #tpu.memory_space<vmem>>)
      %dma_start3A_571 = arith.constant 9 : i32
      %dma_start3A_572 = arith.constant 1 : i32
      %dma_start3A_573 = arith.constant 0 : i32
      %dma_start3A_574 = arith.constant 0 : i32
      %dma_start3A_575 = tpu.memref_slice %arg7[%dma_start3A_572, %dma_start3A_573, %dma_start3A_574] : memref<4x128x128xf32, #tpu.memory_space<vmem>> -> memref<1x128x128xf32, #tpu.memory_space<vmem>>
      %dma_start3A_576 = tpu.memref_squeeze %dma_start3A_575 : memref<1x128x128xf32, #tpu.memory_space<vmem>> -> memref<128x128xf32, #tpu.memory_space<vmem>>
      %dma_start3A_577 = arith.constant 0 : i32
      %dma_start3A_578 = tpu.memref_slice %arg6[%dma_start3A_571, %dma_start3A_577] : memref<16x128xi32, #tpu.memory_space<vmem>> -> memref<1x128xi32, #tpu.memory_space<vmem>>
      %dma_start3A_579 = tpu.memref_squeeze %dma_start3A_578 : memref<1x128xi32, #tpu.memory_space<vmem>> -> memref<128xi32, #tpu.memory_space<vmem>>
      %dma_start3A_580 = arith.constant 0 : i32
      %dma_start3A_581 = arith.constant 0 : i32
      %dma_start3A_582 = tpu.memref_slice %arg5[%dma_start3A_580, %dma_start3A_581] : memref<6x128xf32, #tpu.memory_space<vmem_shared>> -> memref<6x128xf32, #tpu.memory_space<vmem_shared>>
      tpu.enqueue_indirect_dma source(%dma_start3A_582 : memref<6x128xf32, #tpu.memory_space<vmem_shared>>) target(%dma_start3A_576 : memref<128x128xf32, #tpu.memory_space<vmem>>) offsets(%dma_start3A_579 : memref<128xi32, #tpu.memory_space<vmem>>) semaphore(%arg8 : memref<!tpu.dma_semaphore, #tpu.memory_space<semaphore_mem>>)
      %dma_wait3A_583 = arith.constant 9 : i32
      %dma_wait3A_584 = arith.constant 1 : i32
      %dma_wait3A_585 = arith.constant 0 : i32
      %dma_wait3A_586 = arith.constant 0 : i32
      %dma_wait3A_587 = tpu.memref_slice %arg7[%dma_wait3A_584, %dma_wait3A_585, %dma_wait3A_586] : memref<4x128x128xf32, #tpu.memory_space<vmem>> -> memref<1x128x128xf32, #tpu.memory_space<vmem>>
      %dma_wait3A_588 = tpu.memref_squeeze %dma_wait3A_587 : memref<1x128x128xf32, #tpu.memory_space<vmem>> -> memref<128x128xf32, #tpu.memory_space<vmem>>
      %dma_wait3A_589 = arith.constant 0 : i32
      %dma_wait3A_590 = tpu.memref_slice %arg6[%dma_wait3A_583, %dma_wait3A_589] : memref<16x128xi32, #tpu.memory_space<vmem>> -> memref<1x128xi32, #tpu.memory_space<vmem>>
      %dma_wait3A_591 = tpu.memref_squeeze %dma_wait3A_590 : memref<1x128xi32, #tpu.memory_space<vmem>> -> memref<128xi32, #tpu.memory_space<vmem>>
      %dma_wait3A_592 = arith.constant 0 : i32
      %dma_wait3A_593 = arith.constant 0 : i32
      %dma_wait3A_594 = tpu.memref_slice %arg5[%dma_wait3A_592, %dma_wait3A_593] : memref<6x128xf32, #tpu.memory_space<vmem_shared>> -> memref<6x128xf32, #tpu.memory_space<vmem_shared>>
      tpu.wait_indirect_dma semaphore(%arg8 : memref<!tpu.dma_semaphore, #tpu.memory_space<semaphore_mem>>) src(%dma_wait3A_594 : memref<6x128xf32, #tpu.memory_space<vmem_shared>>) dst(%dma_wait3A_588 : memref<128x128xf32, #tpu.memory_space<vmem>>)
      %add3A_595 = arith.constant 9 : i32
      %add3A_596 = arith.addi %multiple_of3A_78, %add3A_595 : i32
      %mul3A_597 = arith.constant 128 : i32
      %mul3A_598 = arith.muli %add3A_596, %mul3A_597 : i32
      %multiple_of3A_599 = tpu.assume_multiple %mul3A_598, 128 : i32
      %dma_start3A_600 = arith.constant 1 : i32
      %dma_start3A_601 = arith.constant 0 : i32
      %dma_start3A_602 = arith.constant 0 : i32
      %dma_start3A_603 = tpu.memref_slice %arg7[%dma_start3A_600, %dma_start3A_601, %dma_start3A_602] : memref<4x128x128xf32, #tpu.memory_space<vmem>> -> memref<1x128x128xf32, #tpu.memory_space<vmem>>
      %dma_start3A_604 = tpu.memref_squeeze %dma_start3A_603 : memref<1x128x128xf32, #tpu.memory_space<vmem>> -> memref<128x128xf32, #tpu.memory_space<vmem>>
      %dma_start3A_605 = arith.constant 0 : i32
      %dma_start3A_606 = tpu.memref_slice %arg4[%multiple_of3A_599, %dma_start3A_605] : memref<3276800x128xf32, #tpu.memory_space<hbm>> -> memref<128x128xf32, #tpu.memory_space<hbm>>
      %dma_start3A_607 = arith.constant 0 : i32
      %dma_start3A_608 = tpu.memref_slice %arg4[%multiple_of3A_599, %dma_start3A_607] : memref<3276800x128xf32, #tpu.memory_space<hbm>> -> memref<128x128xf32, #tpu.memory_space<hbm>>
      %dma_start3A_609 = arith.constant 0 : i32
      %dma_start3A_610 = arith.constant 0 : i32
      %dma_start3A_611 = tpu.memref_slice %arg7[%dma_start3A_600, %dma_start3A_609, %dma_start3A_610] : memref<4x128x128xf32, #tpu.memory_space<vmem>> -> memref<1x128x128xf32, #tpu.memory_space<vmem>>
      %dma_start3A_612 = tpu.memref_squeeze %dma_start3A_611 : memref<1x128x128xf32, #tpu.memory_space<vmem>> -> memref<128x128xf32, #tpu.memory_space<vmem>>
      tpu.enqueue_dma source(%dma_start3A_612 : memref<128x128xf32, #tpu.memory_space<vmem>>) target(%dma_start3A_608 : memref<128x128xf32, #tpu.memory_space<hbm>>) target_semaphore(%arg9 : memref<!tpu.dma_semaphore, #tpu.memory_space<semaphore_mem>>)
      %mul3A_613 = arith.constant 128 : i32
      %mul3A_614 = arith.muli %mul3A_6, %mul3A_613 : i32
      %multiple_of3A_615 = tpu.assume_multiple %mul3A_614, 128 : i32
      %dma_wait3A_616 = arith.constant 2 : i32
      %dma_wait3A_617 = arith.constant 0 : i32
      %dma_wait3A_618 = arith.constant 0 : i32
      %dma_wait3A_619 = tpu.memref_slice %arg7[%dma_wait3A_616, %dma_wait3A_617, %dma_wait3A_618] : memref<4x128x128xf32, #tpu.memory_space<vmem>> -> memref<1x128x128xf32, #tpu.memory_space<vmem>>
      %dma_wait3A_620 = tpu.memref_squeeze %dma_wait3A_619 : memref<1x128x128xf32, #tpu.memory_space<vmem>> -> memref<128x128xf32, #tpu.memory_space<vmem>>
      %dma_wait3A_621 = arith.constant 0 : i32
      %dma_wait3A_622 = tpu.memref_slice %arg4[%multiple_of3A_615, %dma_wait3A_621] : memref<3276800x128xf32, #tpu.memory_space<hbm>> -> memref<128x128xf32, #tpu.memory_space<hbm>>
      %dma_wait3A_623 = arith.constant 0 : i32
      %dma_wait3A_624 = arith.constant 0 : i32
      %dma_wait3A_625 = tpu.memref_slice %arg7[%dma_wait3A_616, %dma_wait3A_623, %dma_wait3A_624] : memref<4x128x128xf32, #tpu.memory_space<vmem>> -> memref<1x128x128xf32, #tpu.memory_space<vmem>>
      %dma_wait3A_626 = tpu.memref_squeeze %dma_wait3A_625 : memref<1x128x128xf32, #tpu.memory_space<vmem>> -> memref<128x128xf32, #tpu.memory_space<vmem>>
      %dma_wait3A_627 = arith.constant 0 : i32
      %dma_wait3A_628 = tpu.memref_slice %arg4[%multiple_of3A_615, %dma_wait3A_627] : memref<3276800x128xf32, #tpu.memory_space<hbm>> -> memref<128x128xf32, #tpu.memory_space<hbm>>
      tpu.wait_dma2 semaphore(%arg9 : memref<!tpu.dma_semaphore, #tpu.memory_space<semaphore_mem>>) src(%dma_wait3A_628 : memref<128x128xf32, #tpu.memory_space<hbm>>) dst(%dma_wait3A_626 : memref<128x128xf32, #tpu.memory_space<vmem>>)
      %dma_start3A_629 = arith.constant 10 : i32
      %dma_start3A_630 = arith.constant 2 : i32
      %dma_start3A_631 = arith.constant 0 : i32
      %dma_start3A_632 = arith.constant 0 : i32
      %dma_start3A_633 = tpu.memref_slice %arg7[%dma_start3A_630, %dma_start3A_631, %dma_start3A_632] : memref<4x128x128xf32, #tpu.memory_space<vmem>> -> memref<1x128x128xf32, #tpu.memory_space<vmem>>
      %dma_start3A_634 = tpu.memref_squeeze %dma_start3A_633 : memref<1x128x128xf32, #tpu.memory_space<vmem>> -> memref<128x128xf32, #tpu.memory_space<vmem>>
      %dma_start3A_635 = arith.constant 0 : i32
      %dma_start3A_636 = tpu.memref_slice %arg6[%dma_start3A_629, %dma_start3A_635] : memref<16x128xi32, #tpu.memory_space<vmem>> -> memref<1x128xi32, #tpu.memory_space<vmem>>
      %dma_start3A_637 = tpu.memref_squeeze %dma_start3A_636 : memref<1x128xi32, #tpu.memory_space<vmem>> -> memref<128xi32, #tpu.memory_space<vmem>>
      %dma_start3A_638 = arith.constant 0 : i32
      %dma_start3A_639 = arith.constant 0 : i32
      %dma_start3A_640 = tpu.memref_slice %arg5[%dma_start3A_638, %dma_start3A_639] : memref<6x128xf32, #tpu.memory_space<vmem_shared>> -> memref<6x128xf32, #tpu.memory_space<vmem_shared>>
      tpu.enqueue_indirect_dma source(%dma_start3A_640 : memref<6x128xf32, #tpu.memory_space<vmem_shared>>) target(%dma_start3A_634 : memref<128x128xf32, #tpu.memory_space<vmem>>) offsets(%dma_start3A_637 : memref<128xi32, #tpu.memory_space<vmem>>) semaphore(%arg8 : memref<!tpu.dma_semaphore, #tpu.memory_space<semaphore_mem>>)
      %dma_wait3A_641 = arith.constant 10 : i32
      %dma_wait3A_642 = arith.constant 2 : i32
      %dma_wait3A_643 = arith.constant 0 : i32
      %dma_wait3A_644 = arith.constant 0 : i32
      %dma_wait3A_645 = tpu.memref_slice %arg7[%dma_wait3A_642, %dma_wait3A_643, %dma_wait3A_644] : memref<4x128x128xf32, #tpu.memory_space<vmem>> -> memref<1x128x128xf32, #tpu.memory_space<vmem>>
      %dma_wait3A_646 = tpu.memref_squeeze %dma_wait3A_645 : memref<1x128x128xf32, #tpu.memory_space<vmem>> -> memref<128x128xf32, #tpu.memory_space<vmem>>
      %dma_wait3A_647 = arith.constant 0 : i32
      %dma_wait3A_648 = tpu.memref_slice %arg6[%dma_wait3A_641, %dma_wait3A_647] : memref<16x128xi32, #tpu.memory_space<vmem>> -> memref<1x128xi32, #tpu.memory_space<vmem>>
      %dma_wait3A_649 = tpu.memref_squeeze %dma_wait3A_648 : memref<1x128xi32, #tpu.memory_space<vmem>> -> memref<128xi32, #tpu.memory_space<vmem>>
      %dma_wait3A_650 = arith.constant 0 : i32
      %dma_wait3A_651 = arith.constant 0 : i32
      %dma_wait3A_652 = tpu.memref_slice %arg5[%dma_wait3A_650, %dma_wait3A_651] : memref<6x128xf32, #tpu.memory_space<vmem_shared>> -> memref<6x128xf32, #tpu.memory_space<vmem_shared>>
      tpu.wait_indirect_dma semaphore(%arg8 : memref<!tpu.dma_semaphore, #tpu.memory_space<semaphore_mem>>) src(%dma_wait3A_652 : memref<6x128xf32, #tpu.memory_space<vmem_shared>>) dst(%dma_wait3A_646 : memref<128x128xf32, #tpu.memory_space<vmem>>)
      %add3A_653 = arith.constant 10 : i32
      %add3A_654 = arith.addi %multiple_of3A_78, %add3A_653 : i32
      %mul3A_655 = arith.constant 128 : i32
      %mul3A_656 = arith.muli %add3A_654, %mul3A_655 : i32
      %multiple_of3A_657 = tpu.assume_multiple %mul3A_656, 128 : i32
      %dma_start3A_658 = arith.constant 2 : i32
      %dma_start3A_659 = arith.constant 0 : i32
      %dma_start3A_660 = arith.constant 0 : i32
      %dma_start3A_661 = tpu.memref_slice %arg7[%dma_start3A_658, %dma_start3A_659, %dma_start3A_660] : memref<4x128x128xf32, #tpu.memory_space<vmem>> -> memref<1x128x128xf32, #tpu.memory_space<vmem>>
      %dma_start3A_662 = tpu.memref_squeeze %dma_start3A_661 : memref<1x128x128xf32, #tpu.memory_space<vmem>> -> memref<128x128xf32, #tpu.memory_space<vmem>>
      %dma_start3A_663 = arith.constant 0 : i32
      %dma_start3A_664 = tpu.memref_slice %arg4[%multiple_of3A_657, %dma_start3A_663] : memref<3276800x128xf32, #tpu.memory_space<hbm>> -> memref<128x128xf32, #tpu.memory_space<hbm>>
      %dma_start3A_665 = arith.constant 0 : i32
      %dma_start3A_666 = tpu.memref_slice %arg4[%multiple_of3A_657, %dma_start3A_665] : memref<3276800x128xf32, #tpu.memory_space<hbm>> -> memref<128x128xf32, #tpu.memory_space<hbm>>
      %dma_start3A_667 = arith.constant 0 : i32
      %dma_start3A_668 = arith.constant 0 : i32
      %dma_start3A_669 = tpu.memref_slice %arg7[%dma_start3A_658, %dma_start3A_667, %dma_start3A_668] : memref<4x128x128xf32, #tpu.memory_space<vmem>> -> memref<1x128x128xf32, #tpu.memory_space<vmem>>
      %dma_start3A_670 = tpu.memref_squeeze %dma_start3A_669 : memref<1x128x128xf32, #tpu.memory_space<vmem>> -> memref<128x128xf32, #tpu.memory_space<vmem>>
      tpu.enqueue_dma source(%dma_start3A_670 : memref<128x128xf32, #tpu.memory_space<vmem>>) target(%dma_start3A_666 : memref<128x128xf32, #tpu.memory_space<hbm>>) target_semaphore(%arg9 : memref<!tpu.dma_semaphore, #tpu.memory_space<semaphore_mem>>)
      %mul3A_671 = arith.constant 128 : i32
      %mul3A_672 = arith.muli %mul3A_6, %mul3A_671 : i32
      %multiple_of3A_673 = tpu.assume_multiple %mul3A_672, 128 : i32
      %dma_wait3A_674 = arith.constant 3 : i32
      %dma_wait3A_675 = arith.constant 0 : i32
      %dma_wait3A_676 = arith.constant 0 : i32
      %dma_wait3A_677 = tpu.memref_slice %arg7[%dma_wait3A_674, %dma_wait3A_675, %dma_wait3A_676] : memref<4x128x128xf32, #tpu.memory_space<vmem>> -> memref<1x128x128xf32, #tpu.memory_space<vmem>>
      %dma_wait3A_678 = tpu.memref_squeeze %dma_wait3A_677 : memref<1x128x128xf32, #tpu.memory_space<vmem>> -> memref<128x128xf32, #tpu.memory_space<vmem>>
      %dma_wait3A_679 = arith.constant 0 : i32
      %dma_wait3A_680 = tpu.memref_slice %arg4[%multiple_of3A_673, %dma_wait3A_679] : memref<3276800x128xf32, #tpu.memory_space<hbm>> -> memref<128x128xf32, #tpu.memory_space<hbm>>
      %dma_wait3A_681 = arith.constant 0 : i32
      %dma_wait3A_682 = arith.constant 0 : i32
      %dma_wait3A_683 = tpu.memref_slice %arg7[%dma_wait3A_674, %dma_wait3A_681, %dma_wait3A_682] : memref<4x128x128xf32, #tpu.memory_space<vmem>> -> memref<1x128x128xf32, #tpu.memory_space<vmem>>
      %dma_wait3A_684 = tpu.memref_squeeze %dma_wait3A_683 : memref<1x128x128xf32, #tpu.memory_space<vmem>> -> memref<128x128xf32, #tpu.memory_space<vmem>>
      %dma_wait3A_685 = arith.constant 0 : i32
      %dma_wait3A_686 = tpu.memref_slice %arg4[%multiple_of3A_673, %dma_wait3A_685] : memref<3276800x128xf32, #tpu.memory_space<hbm>> -> memref<128x128xf32, #tpu.memory_space<hbm>>
      tpu.wait_dma2 semaphore(%arg9 : memref<!tpu.dma_semaphore, #tpu.memory_space<semaphore_mem>>) src(%dma_wait3A_686 : memref<128x128xf32, #tpu.memory_space<hbm>>) dst(%dma_wait3A_684 : memref<128x128xf32, #tpu.memory_space<vmem>>)
      %dma_start3A_687 = arith.constant 11 : i32
      %dma_start3A_688 = arith.constant 3 : i32
      %dma_start3A_689 = arith.constant 0 : i32
      %dma_start3A_690 = arith.constant 0 : i32
      %dma_start3A_691 = tpu.memref_slice %arg7[%dma_start3A_688, %dma_start3A_689, %dma_start3A_690] : memref<4x128x128xf32, #tpu.memory_space<vmem>> -> memref<1x128x128xf32, #tpu.memory_space<vmem>>
      %dma_start3A_692 = tpu.memref_squeeze %dma_start3A_691 : memref<1x128x128xf32, #tpu.memory_space<vmem>> -> memref<128x128xf32, #tpu.memory_space<vmem>>
      %dma_start3A_693 = arith.constant 0 : i32
      %dma_start3A_694 = tpu.memref_slice %arg6[%dma_start3A_687, %dma_start3A_693] : memref<16x128xi32, #tpu.memory_space<vmem>> -> memref<1x128xi32, #tpu.memory_space<vmem>>
      %dma_start3A_695 = tpu.memref_squeeze %dma_start3A_694 : memref<1x128xi32, #tpu.memory_space<vmem>> -> memref<128xi32, #tpu.memory_space<vmem>>
      %dma_start3A_696 = arith.constant 0 : i32
      %dma_start3A_697 = arith.constant 0 : i32
      %dma_start3A_698 = tpu.memref_slice %arg5[%dma_start3A_696, %dma_start3A_697] : memref<6x128xf32, #tpu.memory_space<vmem_shared>> -> memref<6x128xf32, #tpu.memory_space<vmem_shared>>
      tpu.enqueue_indirect_dma source(%dma_start3A_698 : memref<6x128xf32, #tpu.memory_space<vmem_shared>>) target(%dma_start3A_692 : memref<128x128xf32, #tpu.memory_space<vmem>>) offsets(%dma_start3A_695 : memref<128xi32, #tpu.memory_space<vmem>>) semaphore(%arg8 : memref<!tpu.dma_semaphore, #tpu.memory_space<semaphore_mem>>)
      %dma_wait3A_699 = arith.constant 11 : i32
      %dma_wait3A_700 = arith.constant 3 : i32
      %dma_wait3A_701 = arith.constant 0 : i32
      %dma_wait3A_702 = arith.constant 0 : i32
      %dma_wait3A_703 = tpu.memref_slice %arg7[%dma_wait3A_700, %dma_wait3A_701, %dma_wait3A_702] : memref<4x128x128xf32, #tpu.memory_space<vmem>> -> memref<1x128x128xf32, #tpu.memory_space<vmem>>
      %dma_wait3A_704 = tpu.memref_squeeze %dma_wait3A_703 : memref<1x128x128xf32, #tpu.memory_space<vmem>> -> memref<128x128xf32, #tpu.memory_space<vmem>>
      %dma_wait3A_705 = arith.constant 0 : i32
      %dma_wait3A_706 = tpu.memref_slice %arg6[%dma_wait3A_699, %dma_wait3A_705] : memref<16x128xi32, #tpu.memory_space<vmem>> -> memref<1x128xi32, #tpu.memory_space<vmem>>
      %dma_wait3A_707 = tpu.memref_squeeze %dma_wait3A_706 : memref<1x128xi32, #tpu.memory_space<vmem>> -> memref<128xi32, #tpu.memory_space<vmem>>
      %dma_wait3A_708 = arith.constant 0 : i32
      %dma_wait3A_709 = arith.constant 0 : i32
      %dma_wait3A_710 = tpu.memref_slice %arg5[%dma_wait3A_708, %dma_wait3A_709] : memref<6x128xf32, #tpu.memory_space<vmem_shared>> -> memref<6x128xf32, #tpu.memory_space<vmem_shared>>
      tpu.wait_indirect_dma semaphore(%arg8 : memref<!tpu.dma_semaphore, #tpu.memory_space<semaphore_mem>>) src(%dma_wait3A_710 : memref<6x128xf32, #tpu.memory_space<vmem_shared>>) dst(%dma_wait3A_704 : memref<128x128xf32, #tpu.memory_space<vmem>>)
      %add3A_711 = arith.constant 11 : i32
      %add3A_712 = arith.addi %multiple_of3A_78, %add3A_711 : i32
      %mul3A_713 = arith.constant 128 : i32
      %mul3A_714 = arith.muli %add3A_712, %mul3A_713 : i32
      %multiple_of3A_715 = tpu.assume_multiple %mul3A_714, 128 : i32
      %dma_start3A_716 = arith.constant 3 : i32
      %dma_start3A_717 = arith.constant 0 : i32
      %dma_start3A_718 = arith.constant 0 : i32
      %dma_start3A_719 = tpu.memref_slice %arg7[%dma_start3A_716, %dma_start3A_717, %dma_start3A_718] : memref<4x128x128xf32, #tpu.memory_space<vmem>> -> memref<1x128x128xf32, #tpu.memory_space<vmem>>
      %dma_start3A_720 = tpu.memref_squeeze %dma_start3A_719 : memref<1x128x128xf32, #tpu.memory_space<vmem>> -> memref<128x128xf32, #tpu.memory_space<vmem>>
      %dma_start3A_721 = arith.constant 0 : i32
      %dma_start3A_722 = tpu.memref_slice %arg4[%multiple_of3A_715, %dma_start3A_721] : memref<3276800x128xf32, #tpu.memory_space<hbm>> -> memref<128x128xf32, #tpu.memory_space<hbm>>
      %dma_start3A_723 = arith.constant 0 : i32
      %dma_start3A_724 = tpu.memref_slice %arg4[%multiple_of3A_715, %dma_start3A_723] : memref<3276800x128xf32, #tpu.memory_space<hbm>> -> memref<128x128xf32, #tpu.memory_space<hbm>>
      %dma_start3A_725 = arith.constant 0 : i32
      %dma_start3A_726 = arith.constant 0 : i32
      %dma_start3A_727 = tpu.memref_slice %arg7[%dma_start3A_716, %dma_start3A_725, %dma_start3A_726] : memref<4x128x128xf32, #tpu.memory_space<vmem>> -> memref<1x128x128xf32, #tpu.memory_space<vmem>>
      %dma_start3A_728 = tpu.memref_squeeze %dma_start3A_727 : memref<1x128x128xf32, #tpu.memory_space<vmem>> -> memref<128x128xf32, #tpu.memory_space<vmem>>
      tpu.enqueue_dma source(%dma_start3A_728 : memref<128x128xf32, #tpu.memory_space<vmem>>) target(%dma_start3A_724 : memref<128x128xf32, #tpu.memory_space<hbm>>) target_semaphore(%arg9 : memref<!tpu.dma_semaphore, #tpu.memory_space<semaphore_mem>>)
      %mul3A_729 = arith.constant 128 : i32
      %mul3A_730 = arith.muli %mul3A_6, %mul3A_729 : i32
      %multiple_of3A_731 = tpu.assume_multiple %mul3A_730, 128 : i32
      %dma_wait3A_732 = arith.constant 0 : i32
      %dma_wait3A_733 = arith.constant 0 : i32
      %dma_wait3A_734 = arith.constant 0 : i32
      %dma_wait3A_735 = tpu.memref_slice %arg7[%dma_wait3A_732, %dma_wait3A_733, %dma_wait3A_734] : memref<4x128x128xf32, #tpu.memory_space<vmem>> -> memref<1x128x128xf32, #tpu.memory_space<vmem>>
      %dma_wait3A_736 = tpu.memref_squeeze %dma_wait3A_735 : memref<1x128x128xf32, #tpu.memory_space<vmem>> -> memref<128x128xf32, #tpu.memory_space<vmem>>
      %dma_wait3A_737 = arith.constant 0 : i32
      %dma_wait3A_738 = tpu.memref_slice %arg4[%multiple_of3A_731, %dma_wait3A_737] : memref<3276800x128xf32, #tpu.memory_space<hbm>> -> memref<128x128xf32, #tpu.memory_space<hbm>>
      %dma_wait3A_739 = arith.constant 0 : i32
      %dma_wait3A_740 = arith.constant 0 : i32
      %dma_wait3A_741 = tpu.memref_slice %arg7[%dma_wait3A_732, %dma_wait3A_739, %dma_wait3A_740] : memref<4x128x128xf32, #tpu.memory_space<vmem>> -> memref<1x128x128xf32, #tpu.memory_space<vmem>>
      %dma_wait3A_742 = tpu.memref_squeeze %dma_wait3A_741 : memref<1x128x128xf32, #tpu.memory_space<vmem>> -> memref<128x128xf32, #tpu.memory_space<vmem>>
      %dma_wait3A_743 = arith.constant 0 : i32
      %dma_wait3A_744 = tpu.memref_slice %arg4[%multiple_of3A_731, %dma_wait3A_743] : memref<3276800x128xf32, #tpu.memory_space<hbm>> -> memref<128x128xf32, #tpu.memory_space<hbm>>
      tpu.wait_dma2 semaphore(%arg9 : memref<!tpu.dma_semaphore, #tpu.memory_space<semaphore_mem>>) src(%dma_wait3A_744 : memref<128x128xf32, #tpu.memory_space<hbm>>) dst(%dma_wait3A_742 : memref<128x128xf32, #tpu.memory_space<vmem>>)
      %dma_start3A_745 = arith.constant 12 : i32
      %dma_start3A_746 = arith.constant 0 : i32
      %dma_start3A_747 = arith.constant 0 : i32
      %dma_start3A_748 = arith.constant 0 : i32
      %dma_start3A_749 = tpu.memref_slice %arg7[%dma_start3A_746, %dma_start3A_747, %dma_start3A_748] : memref<4x128x128xf32, #tpu.memory_space<vmem>> -> memref<1x128x128xf32, #tpu.memory_space<vmem>>
      %dma_start3A_750 = tpu.memref_squeeze %dma_start3A_749 : memref<1x128x128xf32, #tpu.memory_space<vmem>> -> memref<128x128xf32, #tpu.memory_space<vmem>>
      %dma_start3A_751 = arith.constant 0 : i32
      %dma_start3A_752 = tpu.memref_slice %arg6[%dma_start3A_745, %dma_start3A_751] : memref<16x128xi32, #tpu.memory_space<vmem>> -> memref<1x128xi32, #tpu.memory_space<vmem>>
      %dma_start3A_753 = tpu.memref_squeeze %dma_start3A_752 : memref<1x128xi32, #tpu.memory_space<vmem>> -> memref<128xi32, #tpu.memory_space<vmem>>
      %dma_start3A_754 = arith.constant 0 : i32
      %dma_start3A_755 = arith.constant 0 : i32
      %dma_start3A_756 = tpu.memref_slice %arg5[%dma_start3A_754, %dma_start3A_755] : memref<6x128xf32, #tpu.memory_space<vmem_shared>> -> memref<6x128xf32, #tpu.memory_space<vmem_shared>>
      tpu.enqueue_indirect_dma source(%dma_start3A_756 : memref<6x128xf32, #tpu.memory_space<vmem_shared>>) target(%dma_start3A_750 : memref<128x128xf32, #tpu.memory_space<vmem>>) offsets(%dma_start3A_753 : memref<128xi32, #tpu.memory_space<vmem>>) semaphore(%arg8 : memref<!tpu.dma_semaphore, #tpu.memory_space<semaphore_mem>>)
      %dma_wait3A_757 = arith.constant 12 : i32
      %dma_wait3A_758 = arith.constant 0 : i32
      %dma_wait3A_759 = arith.constant 0 : i32
      %dma_wait3A_760 = arith.constant 0 : i32
      %dma_wait3A_761 = tpu.memref_slice %arg7[%dma_wait3A_758, %dma_wait3A_759, %dma_wait3A_760] : memref<4x128x128xf32, #tpu.memory_space<vmem>> -> memref<1x128x128xf32, #tpu.memory_space<vmem>>
      %dma_wait3A_762 = tpu.memref_squeeze %dma_wait3A_761 : memref<1x128x128xf32, #tpu.memory_space<vmem>> -> memref<128x128xf32, #tpu.memory_space<vmem>>
      %dma_wait3A_763 = arith.constant 0 : i32
      %dma_wait3A_764 = tpu.memref_slice %arg6[%dma_wait3A_757, %dma_wait3A_763] : memref<16x128xi32, #tpu.memory_space<vmem>> -> memref<1x128xi32, #tpu.memory_space<vmem>>
      %dma_wait3A_765 = tpu.memref_squeeze %dma_wait3A_764 : memref<1x128xi32, #tpu.memory_space<vmem>> -> memref<128xi32, #tpu.memory_space<vmem>>
      %dma_wait3A_766 = arith.constant 0 : i32
      %dma_wait3A_767 = arith.constant 0 : i32
      %dma_wait3A_768 = tpu.memref_slice %arg5[%dma_wait3A_766, %dma_wait3A_767] : memref<6x128xf32, #tpu.memory_space<vmem_shared>> -> memref<6x128xf32, #tpu.memory_space<vmem_shared>>
      tpu.wait_indirect_dma semaphore(%arg8 : memref<!tpu.dma_semaphore, #tpu.memory_space<semaphore_mem>>) src(%dma_wait3A_768 : memref<6x128xf32, #tpu.memory_space<vmem_shared>>) dst(%dma_wait3A_762 : memref<128x128xf32, #tpu.memory_space<vmem>>)
      %add3A_769 = arith.constant 12 : i32
      %add3A_770 = arith.addi %multiple_of3A_78, %add3A_769 : i32
      %mul3A_771 = arith.constant 128 : i32
      %mul3A_772 = arith.muli %add3A_770, %mul3A_771 : i32
      %multiple_of3A_773 = tpu.assume_multiple %mul3A_772, 128 : i32
      %dma_start3A_774 = arith.constant 0 : i32
      %dma_start3A_775 = arith.constant 0 : i32
      %dma_start3A_776 = arith.constant 0 : i32
      %dma_start3A_777 = tpu.memref_slice %arg7[%dma_start3A_774, %dma_start3A_775, %dma_start3A_776] : memref<4x128x128xf32, #tpu.memory_space<vmem>> -> memref<1x128x128xf32, #tpu.memory_space<vmem>>
      %dma_start3A_778 = tpu.memref_squeeze %dma_start3A_777 : memref<1x128x128xf32, #tpu.memory_space<vmem>> -> memref<128x128xf32, #tpu.memory_space<vmem>>
      %dma_start3A_779 = arith.constant 0 : i32
      %dma_start3A_780 = tpu.memref_slice %arg4[%multiple_of3A_773, %dma_start3A_779] : memref<3276800x128xf32, #tpu.memory_space<hbm>> -> memref<128x128xf32, #tpu.memory_space<hbm>>
      %dma_start3A_781 = arith.constant 0 : i32
      %dma_start3A_782 = tpu.memref_slice %arg4[%multiple_of3A_773, %dma_start3A_781] : memref<3276800x128xf32, #tpu.memory_space<hbm>> -> memref<128x128xf32, #tpu.memory_space<hbm>>
      %dma_start3A_783 = arith.constant 0 : i32
      %dma_start3A_784 = arith.constant 0 : i32
      %dma_start3A_785 = tpu.memref_slice %arg7[%dma_start3A_774, %dma_start3A_783, %dma_start3A_784] : memref<4x128x128xf32, #tpu.memory_space<vmem>> -> memref<1x128x128xf32, #tpu.memory_space<vmem>>
      %dma_start3A_786 = tpu.memref_squeeze %dma_start3A_785 : memref<1x128x128xf32, #tpu.memory_space<vmem>> -> memref<128x128xf32, #tpu.memory_space<vmem>>
      tpu.enqueue_dma source(%dma_start3A_786 : memref<128x128xf32, #tpu.memory_space<vmem>>) target(%dma_start3A_782 : memref<128x128xf32, #tpu.memory_space<hbm>>) target_semaphore(%arg9 : memref<!tpu.dma_semaphore, #tpu.memory_space<semaphore_mem>>)
      %mul3A_787 = arith.constant 128 : i32
      %mul3A_788 = arith.muli %mul3A_6, %mul3A_787 : i32
      %multiple_of3A_789 = tpu.assume_multiple %mul3A_788, 128 : i32
      %dma_wait3A_790 = arith.constant 1 : i32
      %dma_wait3A_791 = arith.constant 0 : i32
      %dma_wait3A_792 = arith.constant 0 : i32
      %dma_wait3A_793 = tpu.memref_slice %arg7[%dma_wait3A_790, %dma_wait3A_791, %dma_wait3A_792] : memref<4x128x128xf32, #tpu.memory_space<vmem>> -> memref<1x128x128xf32, #tpu.memory_space<vmem>>
      %dma_wait3A_794 = tpu.memref_squeeze %dma_wait3A_793 : memref<1x128x128xf32, #tpu.memory_space<vmem>> -> memref<128x128xf32, #tpu.memory_space<vmem>>
      %dma_wait3A_795 = arith.constant 0 : i32
      %dma_wait3A_796 = tpu.memref_slice %arg4[%multiple_of3A_789, %dma_wait3A_795] : memref<3276800x128xf32, #tpu.memory_space<hbm>> -> memref<128x128xf32, #tpu.memory_space<hbm>>
      %dma_wait3A_797 = arith.constant 0 : i32
      %dma_wait3A_798 = arith.constant 0 : i32
      %dma_wait3A_799 = tpu.memref_slice %arg7[%dma_wait3A_790, %dma_wait3A_797, %dma_wait3A_798] : memref<4x128x128xf32, #tpu.memory_space<vmem>> -> memref<1x128x128xf32, #tpu.memory_space<vmem>>
      %dma_wait3A_800 = tpu.memref_squeeze %dma_wait3A_799 : memref<1x128x128xf32, #tpu.memory_space<vmem>> -> memref<128x128xf32, #tpu.memory_space<vmem>>
      %dma_wait3A_801 = arith.constant 0 : i32
      %dma_wait3A_802 = tpu.memref_slice %arg4[%multiple_of3A_789, %dma_wait3A_801] : memref<3276800x128xf32, #tpu.memory_space<hbm>> -> memref<128x128xf32, #tpu.memory_space<hbm>>
      tpu.wait_dma2 semaphore(%arg9 : memref<!tpu.dma_semaphore, #tpu.memory_space<semaphore_mem>>) src(%dma_wait3A_802 : memref<128x128xf32, #tpu.memory_space<hbm>>) dst(%dma_wait3A_800 : memref<128x128xf32, #tpu.memory_space<vmem>>)
      %dma_start3A_803 = arith.constant 13 : i32
      %dma_start3A_804 = arith.constant 1 : i32
      %dma_start3A_805 = arith.constant 0 : i32
      %dma_start3A_806 = arith.constant 0 : i32
      %dma_start3A_807 = tpu.memref_slice %arg7[%dma_start3A_804, %dma_start3A_805, %dma_start3A_806] : memref<4x128x128xf32, #tpu.memory_space<vmem>> -> memref<1x128x128xf32, #tpu.memory_space<vmem>>
      %dma_start3A_808 = tpu.memref_squeeze %dma_start3A_807 : memref<1x128x128xf32, #tpu.memory_space<vmem>> -> memref<128x128xf32, #tpu.memory_space<vmem>>
      %dma_start3A_809 = arith.constant 0 : i32
      %dma_start3A_810 = tpu.memref_slice %arg6[%dma_start3A_803, %dma_start3A_809] : memref<16x128xi32, #tpu.memory_space<vmem>> -> memref<1x128xi32, #tpu.memory_space<vmem>>
      %dma_start3A_811 = tpu.memref_squeeze %dma_start3A_810 : memref<1x128xi32, #tpu.memory_space<vmem>> -> memref<128xi32, #tpu.memory_space<vmem>>
      %dma_start3A_812 = arith.constant 0 : i32
      %dma_start3A_813 = arith.constant 0 : i32
      %dma_start3A_814 = tpu.memref_slice %arg5[%dma_start3A_812, %dma_start3A_813] : memref<6x128xf32, #tpu.memory_space<vmem_shared>> -> memref<6x128xf32, #tpu.memory_space<vmem_shared>>
      tpu.enqueue_indirect_dma source(%dma_start3A_814 : memref<6x128xf32, #tpu.memory_space<vmem_shared>>) target(%dma_start3A_808 : memref<128x128xf32, #tpu.memory_space<vmem>>) offsets(%dma_start3A_811 : memref<128xi32, #tpu.memory_space<vmem>>) semaphore(%arg8 : memref<!tpu.dma_semaphore, #tpu.memory_space<semaphore_mem>>)
      %dma_wait3A_815 = arith.constant 13 : i32
      %dma_wait3A_816 = arith.constant 1 : i32
      %dma_wait3A_817 = arith.constant 0 : i32
      %dma_wait3A_818 = arith.constant 0 : i32
      %dma_wait3A_819 = tpu.memref_slice %arg7[%dma_wait3A_816, %dma_wait3A_817, %dma_wait3A_818] : memref<4x128x128xf32, #tpu.memory_space<vmem>> -> memref<1x128x128xf32, #tpu.memory_space<vmem>>
      %dma_wait3A_820 = tpu.memref_squeeze %dma_wait3A_819 : memref<1x128x128xf32, #tpu.memory_space<vmem>> -> memref<128x128xf32, #tpu.memory_space<vmem>>
      %dma_wait3A_821 = arith.constant 0 : i32
      %dma_wait3A_822 = tpu.memref_slice %arg6[%dma_wait3A_815, %dma_wait3A_821] : memref<16x128xi32, #tpu.memory_space<vmem>> -> memref<1x128xi32, #tpu.memory_space<vmem>>
      %dma_wait3A_823 = tpu.memref_squeeze %dma_wait3A_822 : memref<1x128xi32, #tpu.memory_space<vmem>> -> memref<128xi32, #tpu.memory_space<vmem>>
      %dma_wait3A_824 = arith.constant 0 : i32
      %dma_wait3A_825 = arith.constant 0 : i32
      %dma_wait3A_826 = tpu.memref_slice %arg5[%dma_wait3A_824, %dma_wait3A_825] : memref<6x128xf32, #tpu.memory_space<vmem_shared>> -> memref<6x128xf32, #tpu.memory_space<vmem_shared>>
      tpu.wait_indirect_dma semaphore(%arg8 : memref<!tpu.dma_semaphore, #tpu.memory_space<semaphore_mem>>) src(%dma_wait3A_826 : memref<6x128xf32, #tpu.memory_space<vmem_shared>>) dst(%dma_wait3A_820 : memref<128x128xf32, #tpu.memory_space<vmem>>)
      %add3A_827 = arith.constant 13 : i32
      %add3A_828 = arith.addi %multiple_of3A_78, %add3A_827 : i32
      %mul3A_829 = arith.constant 128 : i32
      %mul3A_830 = arith.muli %add3A_828, %mul3A_829 : i32
      %multiple_of3A_831 = tpu.assume_multiple %mul3A_830, 128 : i32
      %dma_start3A_832 = arith.constant 1 : i32
      %dma_start3A_833 = arith.constant 0 : i32
      %dma_start3A_834 = arith.constant 0 : i32
      %dma_start3A_835 = tpu.memref_slice %arg7[%dma_start3A_832, %dma_start3A_833, %dma_start3A_834] : memref<4x128x128xf32, #tpu.memory_space<vmem>> -> memref<1x128x128xf32, #tpu.memory_space<vmem>>
      %dma_start3A_836 = tpu.memref_squeeze %dma_start3A_835 : memref<1x128x128xf32, #tpu.memory_space<vmem>> -> memref<128x128xf32, #tpu.memory_space<vmem>>
      %dma_start3A_837 = arith.constant 0 : i32
      %dma_start3A_838 = tpu.memref_slice %arg4[%multiple_of3A_831, %dma_start3A_837] : memref<3276800x128xf32, #tpu.memory_space<hbm>> -> memref<128x128xf32, #tpu.memory_space<hbm>>
      %dma_start3A_839 = arith.constant 0 : i32
      %dma_start3A_840 = tpu.memref_slice %arg4[%multiple_of3A_831, %dma_start3A_839] : memref<3276800x128xf32, #tpu.memory_space<hbm>> -> memref<128x128xf32, #tpu.memory_space<hbm>>
      %dma_start3A_841 = arith.constant 0 : i32
      %dma_start3A_842 = arith.constant 0 : i32
      %dma_start3A_843 = tpu.memref_slice %arg7[%dma_start3A_832, %dma_start3A_841, %dma_start3A_842] : memref<4x128x128xf32, #tpu.memory_space<vmem>> -> memref<1x128x128xf32, #tpu.memory_space<vmem>>
      %dma_start3A_844 = tpu.memref_squeeze %dma_start3A_843 : memref<1x128x128xf32, #tpu.memory_space<vmem>> -> memref<128x128xf32, #tpu.memory_space<vmem>>
      tpu.enqueue_dma source(%dma_start3A_844 : memref<128x128xf32, #tpu.memory_space<vmem>>) target(%dma_start3A_840 : memref<128x128xf32, #tpu.memory_space<hbm>>) target_semaphore(%arg9 : memref<!tpu.dma_semaphore, #tpu.memory_space<semaphore_mem>>)
      %mul3A_845 = arith.constant 128 : i32
      %mul3A_846 = arith.muli %mul3A_6, %mul3A_845 : i32
      %multiple_of3A_847 = tpu.assume_multiple %mul3A_846, 128 : i32
      %dma_wait3A_848 = arith.constant 2 : i32
      %dma_wait3A_849 = arith.constant 0 : i32
      %dma_wait3A_850 = arith.constant 0 : i32
      %dma_wait3A_851 = tpu.memref_slice %arg7[%dma_wait3A_848, %dma_wait3A_849, %dma_wait3A_850] : memref<4x128x128xf32, #tpu.memory_space<vmem>> -> memref<1x128x128xf32, #tpu.memory_space<vmem>>
      %dma_wait3A_852 = tpu.memref_squeeze %dma_wait3A_851 : memref<1x128x128xf32, #tpu.memory_space<vmem>> -> memref<128x128xf32, #tpu.memory_space<vmem>>
      %dma_wait3A_853 = arith.constant 0 : i32
      %dma_wait3A_854 = tpu.memref_slice %arg4[%multiple_of3A_847, %dma_wait3A_853] : memref<3276800x128xf32, #tpu.memory_space<hbm>> -> memref<128x128xf32, #tpu.memory_space<hbm>>
      %dma_wait3A_855 = arith.constant 0 : i32
      %dma_wait3A_856 = arith.constant 0 : i32
      %dma_wait3A_857 = tpu.memref_slice %arg7[%dma_wait3A_848, %dma_wait3A_855, %dma_wait3A_856] : memref<4x128x128xf32, #tpu.memory_space<vmem>> -> memref<1x128x128xf32, #tpu.memory_space<vmem>>
      %dma_wait3A_858 = tpu.memref_squeeze %dma_wait3A_857 : memref<1x128x128xf32, #tpu.memory_space<vmem>> -> memref<128x128xf32, #tpu.memory_space<vmem>>
      %dma_wait3A_859 = arith.constant 0 : i32
      %dma_wait3A_860 = tpu.memref_slice %arg4[%multiple_of3A_847, %dma_wait3A_859] : memref<3276800x128xf32, #tpu.memory_space<hbm>> -> memref<128x128xf32, #tpu.memory_space<hbm>>
      tpu.wait_dma2 semaphore(%arg9 : memref<!tpu.dma_semaphore, #tpu.memory_space<semaphore_mem>>) src(%dma_wait3A_860 : memref<128x128xf32, #tpu.memory_space<hbm>>) dst(%dma_wait3A_858 : memref<128x128xf32, #tpu.memory_space<vmem>>)
      %dma_start3A_861 = arith.constant 14 : i32
      %dma_start3A_862 = arith.constant 2 : i32
      %dma_start3A_863 = arith.constant 0 : i32
      %dma_start3A_864 = arith.constant 0 : i32
      %dma_start3A_865 = tpu.memref_slice %arg7[%dma_start3A_862, %dma_start3A_863, %dma_start3A_864] : memref<4x128x128xf32, #tpu.memory_space<vmem>> -> memref<1x128x128xf32, #tpu.memory_space<vmem>>
      %dma_start3A_866 = tpu.memref_squeeze %dma_start3A_865 : memref<1x128x128xf32, #tpu.memory_space<vmem>> -> memref<128x128xf32, #tpu.memory_space<vmem>>
      %dma_start3A_867 = arith.constant 0 : i32
      %dma_start3A_868 = tpu.memref_slice %arg6[%dma_start3A_861, %dma_start3A_867] : memref<16x128xi32, #tpu.memory_space<vmem>> -> memref<1x128xi32, #tpu.memory_space<vmem>>
      %dma_start3A_869 = tpu.memref_squeeze %dma_start3A_868 : memref<1x128xi32, #tpu.memory_space<vmem>> -> memref<128xi32, #tpu.memory_space<vmem>>
      %dma_start3A_870 = arith.constant 0 : i32
      %dma_start3A_871 = arith.constant 0 : i32
      %dma_start3A_872 = tpu.memref_slice %arg5[%dma_start3A_870, %dma_start3A_871] : memref<6x128xf32, #tpu.memory_space<vmem_shared>> -> memref<6x128xf32, #tpu.memory_space<vmem_shared>>
      tpu.enqueue_indirect_dma source(%dma_start3A_872 : memref<6x128xf32, #tpu.memory_space<vmem_shared>>) target(%dma_start3A_866 : memref<128x128xf32, #tpu.memory_space<vmem>>) offsets(%dma_start3A_869 : memref<128xi32, #tpu.memory_space<vmem>>) semaphore(%arg8 : memref<!tpu.dma_semaphore, #tpu.memory_space<semaphore_mem>>)
      %dma_wait3A_873 = arith.constant 14 : i32
      %dma_wait3A_874 = arith.constant 2 : i32
      %dma_wait3A_875 = arith.constant 0 : i32
      %dma_wait3A_876 = arith.constant 0 : i32
      %dma_wait3A_877 = tpu.memref_slice %arg7[%dma_wait3A_874, %dma_wait3A_875, %dma_wait3A_876] : memref<4x128x128xf32, #tpu.memory_space<vmem>> -> memref<1x128x128xf32, #tpu.memory_space<vmem>>
      %dma_wait3A_878 = tpu.memref_squeeze %dma_wait3A_877 : memref<1x128x128xf32, #tpu.memory_space<vmem>> -> memref<128x128xf32, #tpu.memory_space<vmem>>
      %dma_wait3A_879 = arith.constant 0 : i32
      %dma_wait3A_880 = tpu.memref_slice %arg6[%dma_wait3A_873, %dma_wait3A_879] : memref<16x128xi32, #tpu.memory_space<vmem>> -> memref<1x128xi32, #tpu.memory_space<vmem>>
      %dma_wait3A_881 = tpu.memref_squeeze %dma_wait3A_880 : memref<1x128xi32, #tpu.memory_space<vmem>> -> memref<128xi32, #tpu.memory_space<vmem>>
      %dma_wait3A_882 = arith.constant 0 : i32
      %dma_wait3A_883 = arith.constant 0 : i32
      %dma_wait3A_884 = tpu.memref_slice %arg5[%dma_wait3A_882, %dma_wait3A_883] : memref<6x128xf32, #tpu.memory_space<vmem_shared>> -> memref<6x128xf32, #tpu.memory_space<vmem_shared>>
      tpu.wait_indirect_dma semaphore(%arg8 : memref<!tpu.dma_semaphore, #tpu.memory_space<semaphore_mem>>) src(%dma_wait3A_884 : memref<6x128xf32, #tpu.memory_space<vmem_shared>>) dst(%dma_wait3A_878 : memref<128x128xf32, #tpu.memory_space<vmem>>)
      %add3A_885 = arith.constant 14 : i32
      %add3A_886 = arith.addi %multiple_of3A_78, %add3A_885 : i32
      %mul3A_887 = arith.constant 128 : i32
      %mul3A_888 = arith.muli %add3A_886, %mul3A_887 : i32
      %multiple_of3A_889 = tpu.assume_multiple %mul3A_888, 128 : i32
      %dma_start3A_890 = arith.constant 2 : i32
      %dma_start3A_891 = arith.constant 0 : i32
      %dma_start3A_892 = arith.constant 0 : i32
      %dma_start3A_893 = tpu.memref_slice %arg7[%dma_start3A_890, %dma_start3A_891, %dma_start3A_892] : memref<4x128x128xf32, #tpu.memory_space<vmem>> -> memref<1x128x128xf32, #tpu.memory_space<vmem>>
      %dma_start3A_894 = tpu.memref_squeeze %dma_start3A_893 : memref<1x128x128xf32, #tpu.memory_space<vmem>> -> memref<128x128xf32, #tpu.memory_space<vmem>>
      %dma_start3A_895 = arith.constant 0 : i32
      %dma_start3A_896 = tpu.memref_slice %arg4[%multiple_of3A_889, %dma_start3A_895] : memref<3276800x128xf32, #tpu.memory_space<hbm>> -> memref<128x128xf32, #tpu.memory_space<hbm>>
      %dma_start3A_897 = arith.constant 0 : i32
      %dma_start3A_898 = tpu.memref_slice %arg4[%multiple_of3A_889, %dma_start3A_897] : memref<3276800x128xf32, #tpu.memory_space<hbm>> -> memref<128x128xf32, #tpu.memory_space<hbm>>
      %dma_start3A_899 = arith.constant 0 : i32
      %dma_start3A_900 = arith.constant 0 : i32
      %dma_start3A_901 = tpu.memref_slice %arg7[%dma_start3A_890, %dma_start3A_899, %dma_start3A_900] : memref<4x128x128xf32, #tpu.memory_space<vmem>> -> memref<1x128x128xf32, #tpu.memory_space<vmem>>
      %dma_start3A_902 = tpu.memref_squeeze %dma_start3A_901 : memref<1x128x128xf32, #tpu.memory_space<vmem>> -> memref<128x128xf32, #tpu.memory_space<vmem>>
      tpu.enqueue_dma source(%dma_start3A_902 : memref<128x128xf32, #tpu.memory_space<vmem>>) target(%dma_start3A_898 : memref<128x128xf32, #tpu.memory_space<hbm>>) target_semaphore(%arg9 : memref<!tpu.dma_semaphore, #tpu.memory_space<semaphore_mem>>)
      %mul3A_903 = arith.constant 128 : i32
      %mul3A_904 = arith.muli %mul3A_6, %mul3A_903 : i32
      %multiple_of3A_905 = tpu.assume_multiple %mul3A_904, 128 : i32
      %dma_wait3A_906 = arith.constant 3 : i32
      %dma_wait3A_907 = arith.constant 0 : i32
      %dma_wait3A_908 = arith.constant 0 : i32
      %dma_wait3A_909 = tpu.memref_slice %arg7[%dma_wait3A_906, %dma_wait3A_907, %dma_wait3A_908] : memref<4x128x128xf32, #tpu.memory_space<vmem>> -> memref<1x128x128xf32, #tpu.memory_space<vmem>>
      %dma_wait3A_910 = tpu.memref_squeeze %dma_wait3A_909 : memref<1x128x128xf32, #tpu.memory_space<vmem>> -> memref<128x128xf32, #tpu.memory_space<vmem>>
      %dma_wait3A_911 = arith.constant 0 : i32
      %dma_wait3A_912 = tpu.memref_slice %arg4[%multiple_of3A_905, %dma_wait3A_911] : memref<3276800x128xf32, #tpu.memory_space<hbm>> -> memref<128x128xf32, #tpu.memory_space<hbm>>
      %dma_wait3A_913 = arith.constant 0 : i32
      %dma_wait3A_914 = arith.constant 0 : i32
      %dma_wait3A_915 = tpu.memref_slice %arg7[%dma_wait3A_906, %dma_wait3A_913, %dma_wait3A_914] : memref<4x128x128xf32, #tpu.memory_space<vmem>> -> memref<1x128x128xf32, #tpu.memory_space<vmem>>
      %dma_wait3A_916 = tpu.memref_squeeze %dma_wait3A_915 : memref<1x128x128xf32, #tpu.memory_space<vmem>> -> memref<128x128xf32, #tpu.memory_space<vmem>>
      %dma_wait3A_917 = arith.constant 0 : i32
      %dma_wait3A_918 = tpu.memref_slice %arg4[%multiple_of3A_905, %dma_wait3A_917] : memref<3276800x128xf32, #tpu.memory_space<hbm>> -> memref<128x128xf32, #tpu.memory_space<hbm>>
      tpu.wait_dma2 semaphore(%arg9 : memref<!tpu.dma_semaphore, #tpu.memory_space<semaphore_mem>>) src(%dma_wait3A_918 : memref<128x128xf32, #tpu.memory_space<hbm>>) dst(%dma_wait3A_916 : memref<128x128xf32, #tpu.memory_space<vmem>>)
      %dma_start3A_919 = arith.constant 15 : i32
      %dma_start3A_920 = arith.constant 3 : i32
      %dma_start3A_921 = arith.constant 0 : i32
      %dma_start3A_922 = arith.constant 0 : i32
      %dma_start3A_923 = tpu.memref_slice %arg7[%dma_start3A_920, %dma_start3A_921, %dma_start3A_922] : memref<4x128x128xf32, #tpu.memory_space<vmem>> -> memref<1x128x128xf32, #tpu.memory_space<vmem>>
      %dma_start3A_924 = tpu.memref_squeeze %dma_start3A_923 : memref<1x128x128xf32, #tpu.memory_space<vmem>> -> memref<128x128xf32, #tpu.memory_space<vmem>>
      %dma_start3A_925 = arith.constant 0 : i32
      %dma_start3A_926 = tpu.memref_slice %arg6[%dma_start3A_919, %dma_start3A_925] : memref<16x128xi32, #tpu.memory_space<vmem>> -> memref<1x128xi32, #tpu.memory_space<vmem>>
      %dma_start3A_927 = tpu.memref_squeeze %dma_start3A_926 : memref<1x128xi32, #tpu.memory_space<vmem>> -> memref<128xi32, #tpu.memory_space<vmem>>
      %dma_start3A_928 = arith.constant 0 : i32
      %dma_start3A_929 = arith.constant 0 : i32
      %dma_start3A_930 = tpu.memref_slice %arg5[%dma_start3A_928, %dma_start3A_929] : memref<6x128xf32, #tpu.memory_space<vmem_shared>> -> memref<6x128xf32, #tpu.memory_space<vmem_shared>>
      tpu.enqueue_indirect_dma source(%dma_start3A_930 : memref<6x128xf32, #tpu.memory_space<vmem_shared>>) target(%dma_start3A_924 : memref<128x128xf32, #tpu.memory_space<vmem>>) offsets(%dma_start3A_927 : memref<128xi32, #tpu.memory_space<vmem>>) semaphore(%arg8 : memref<!tpu.dma_semaphore, #tpu.memory_space<semaphore_mem>>)
      %dma_wait3A_931 = arith.constant 15 : i32
      %dma_wait3A_932 = arith.constant 3 : i32
      %dma_wait3A_933 = arith.constant 0 : i32
      %dma_wait3A_934 = arith.constant 0 : i32
      %dma_wait3A_935 = tpu.memref_slice %arg7[%dma_wait3A_932, %dma_wait3A_933, %dma_wait3A_934] : memref<4x128x128xf32, #tpu.memory_space<vmem>> -> memref<1x128x128xf32, #tpu.memory_space<vmem>>
      %dma_wait3A_936 = tpu.memref_squeeze %dma_wait3A_935 : memref<1x128x128xf32, #tpu.memory_space<vmem>> -> memref<128x128xf32, #tpu.memory_space<vmem>>
      %dma_wait3A_937 = arith.constant 0 : i32
      %dma_wait3A_938 = tpu.memref_slice %arg6[%dma_wait3A_931, %dma_wait3A_937] : memref<16x128xi32, #tpu.memory_space<vmem>> -> memref<1x128xi32, #tpu.memory_space<vmem>>
      %dma_wait3A_939 = tpu.memref_squeeze %dma_wait3A_938 : memref<1x128xi32, #tpu.memory_space<vmem>> -> memref<128xi32, #tpu.memory_space<vmem>>
      %dma_wait3A_940 = arith.constant 0 : i32
      %dma_wait3A_941 = arith.constant 0 : i32
      %dma_wait3A_942 = tpu.memref_slice %arg5[%dma_wait3A_940, %dma_wait3A_941] : memref<6x128xf32, #tpu.memory_space<vmem_shared>> -> memref<6x128xf32, #tpu.memory_space<vmem_shared>>
      tpu.wait_indirect_dma semaphore(%arg8 : memref<!tpu.dma_semaphore, #tpu.memory_space<semaphore_mem>>) src(%dma_wait3A_942 : memref<6x128xf32, #tpu.memory_space<vmem_shared>>) dst(%dma_wait3A_936 : memref<128x128xf32, #tpu.memory_space<vmem>>)
      %add3A_943 = arith.constant 15 : i32
      %add3A_944 = arith.addi %multiple_of3A_78, %add3A_943 : i32
      %mul3A_945 = arith.constant 128 : i32
      %mul3A_946 = arith.muli %add3A_944, %mul3A_945 : i32
      %multiple_of3A_947 = tpu.assume_multiple %mul3A_946, 128 : i32
      %dma_start3A_948 = arith.constant 3 : i32
      %dma_start3A_949 = arith.constant 0 : i32
      %dma_start3A_950 = arith.constant 0 : i32
      %dma_start3A_951 = tpu.memref_slice %arg7[%dma_start3A_948, %dma_start3A_949, %dma_start3A_950] : memref<4x128x128xf32, #tpu.memory_space<vmem>> -> memref<1x128x128xf32, #tpu.memory_space<vmem>>
      %dma_start3A_952 = tpu.memref_squeeze %dma_start3A_951 : memref<1x128x128xf32, #tpu.memory_space<vmem>> -> memref<128x128xf32, #tpu.memory_space<vmem>>
      %dma_start3A_953 = arith.constant 0 : i32
      %dma_start3A_954 = tpu.memref_slice %arg4[%multiple_of3A_947, %dma_start3A_953] : memref<3276800x128xf32, #tpu.memory_space<hbm>> -> memref<128x128xf32, #tpu.memory_space<hbm>>
      %dma_start3A_955 = arith.constant 0 : i32
      %dma_start3A_956 = tpu.memref_slice %arg4[%multiple_of3A_947, %dma_start3A_955] : memref<3276800x128xf32, #tpu.memory_space<hbm>> -> memref<128x128xf32, #tpu.memory_space<hbm>>
      %dma_start3A_957 = arith.constant 0 : i32
      %dma_start3A_958 = arith.constant 0 : i32
      %dma_start3A_959 = tpu.memref_slice %arg7[%dma_start3A_948, %dma_start3A_957, %dma_start3A_958] : memref<4x128x128xf32, #tpu.memory_space<vmem>> -> memref<1x128x128xf32, #tpu.memory_space<vmem>>
      %dma_start3A_960 = tpu.memref_squeeze %dma_start3A_959 : memref<1x128x128xf32, #tpu.memory_space<vmem>> -> memref<128x128xf32, #tpu.memory_space<vmem>>
      tpu.enqueue_dma source(%dma_start3A_960 : memref<128x128xf32, #tpu.memory_space<vmem>>) target(%dma_start3A_956 : memref<128x128xf32, #tpu.memory_space<hbm>>) target_semaphore(%arg9 : memref<!tpu.dma_semaphore, #tpu.memory_space<semaphore_mem>>)
    }
    %scan3A_11 = arith.constant 50 : i32
    %mul3A_12 = arith.constant 128 : i32
    %mul3A_13 = arith.muli %mul3A_6, %mul3A_12 : i32
    %multiple_of3A = tpu.assume_multiple %mul3A_13, 128 : i32
    %dma_wait3A = arith.constant 0 : i32
    %dma_wait3A_14 = arith.constant 0 : i32
    %dma_wait3A_15 = arith.constant 0 : i32
    %dma_wait3A_16 = tpu.memref_slice %arg7[%dma_wait3A, %dma_wait3A_14, %dma_wait3A_15] : memref<4x128x128xf32, #tpu.memory_space<vmem>> -> memref<1x128x128xf32, #tpu.memory_space<vmem>>
    %dma_wait3A_17 = tpu.memref_squeeze %dma_wait3A_16 : memref<1x128x128xf32, #tpu.memory_space<vmem>> -> memref<128x128xf32, #tpu.memory_space<vmem>>
    %dma_wait3A_18 = arith.constant 0 : i32
    %dma_wait3A_19 = tpu.memref_slice %arg4[%multiple_of3A, %dma_wait3A_18] : memref<3276800x128xf32, #tpu.memory_space<hbm>> -> memref<128x128xf32, #tpu.memory_space<hbm>>
    %dma_wait3A_20 = arith.constant 0 : i32
    %dma_wait3A_21 = arith.constant 0 : i32
    %dma_wait3A_22 = tpu.memref_slice %arg7[%dma_wait3A, %dma_wait3A_20, %dma_wait3A_21] : memref<4x128x128xf32, #tpu.memory_space<vmem>> -> memref<1x128x128xf32, #tpu.memory_space<vmem>>
    %dma_wait3A_23 = tpu.memref_squeeze %dma_wait3A_22 : memref<1x128x128xf32, #tpu.memory_space<vmem>> -> memref<128x128xf32, #tpu.memory_space<vmem>>
    %dma_wait3A_24 = arith.constant 0 : i32
    %dma_wait3A_25 = tpu.memref_slice %arg4[%multiple_of3A, %dma_wait3A_24] : memref<3276800x128xf32, #tpu.memory_space<hbm>> -> memref<128x128xf32, #tpu.memory_space<hbm>>
    tpu.wait_dma2 semaphore(%arg9 : memref<!tpu.dma_semaphore, #tpu.memory_space<semaphore_mem>>) src(%dma_wait3A_25 : memref<128x128xf32, #tpu.memory_space<hbm>>) dst(%dma_wait3A_23 : memref<128x128xf32, #tpu.memory_space<vmem>>)
    %mul3A_26 = arith.constant 128 : i32
    %mul3A_27 = arith.muli %mul3A_6, %mul3A_26 : i32
    %multiple_of3A_28 = tpu.assume_multiple %mul3A_27, 128 : i32
    %dma_wait3A_29 = arith.constant 1 : i32
    %dma_wait3A_30 = arith.constant 0 : i32
    %dma_wait3A_31 = arith.constant 0 : i32
    %dma_wait3A_32 = tpu.memref_slice %arg7[%dma_wait3A_29, %dma_wait3A_30, %dma_wait3A_31] : memref<4x128x128xf32, #tpu.memory_space<vmem>> -> memref<1x128x128xf32, #tpu.memory_space<vmem>>
    %dma_wait3A_33 = tpu.memref_squeeze %dma_wait3A_32 : memref<1x128x128xf32, #tpu.memory_space<vmem>> -> memref<128x128xf32, #tpu.memory_space<vmem>>
    %dma_wait3A_34 = arith.constant 0 : i32
    %dma_wait3A_35 = tpu.memref_slice %arg4[%multiple_of3A_28, %dma_wait3A_34] : memref<3276800x128xf32, #tpu.memory_space<hbm>> -> memref<128x128xf32, #tpu.memory_space<hbm>>
    %dma_wait3A_36 = arith.constant 0 : i32
    %dma_wait3A_37 = arith.constant 0 : i32
    %dma_wait3A_38 = tpu.memref_slice %arg7[%dma_wait3A_29, %dma_wait3A_36, %dma_wait3A_37] : memref<4x128x128xf32, #tpu.memory_space<vmem>> -> memref<1x128x128xf32, #tpu.memory_space<vmem>>
    %dma_wait3A_39 = tpu.memref_squeeze %dma_wait3A_38 : memref<1x128x128xf32, #tpu.memory_space<vmem>> -> memref<128x128xf32, #tpu.memory_space<vmem>>
    %dma_wait3A_40 = arith.constant 0 : i32
    %dma_wait3A_41 = tpu.memref_slice %arg4[%multiple_of3A_28, %dma_wait3A_40] : memref<3276800x128xf32, #tpu.memory_space<hbm>> -> memref<128x128xf32, #tpu.memory_space<hbm>>
    tpu.wait_dma2 semaphore(%arg9 : memref<!tpu.dma_semaphore, #tpu.memory_space<semaphore_mem>>) src(%dma_wait3A_41 : memref<128x128xf32, #tpu.memory_space<hbm>>) dst(%dma_wait3A_39 : memref<128x128xf32, #tpu.memory_space<vmem>>)
    %mul3A_42 = arith.constant 128 : i32
    %mul3A_43 = arith.muli %mul3A_6, %mul3A_42 : i32
    %multiple_of3A_44 = tpu.assume_multiple %mul3A_43, 128 : i32
    %dma_wait3A_45 = arith.constant 2 : i32
    %dma_wait3A_46 = arith.constant 0 : i32
    %dma_wait3A_47 = arith.constant 0 : i32
    %dma_wait3A_48 = tpu.memref_slice %arg7[%dma_wait3A_45, %dma_wait3A_46, %dma_wait3A_47] : memref<4x128x128xf32, #tpu.memory_space<vmem>> -> memref<1x128x128xf32, #tpu.memory_space<vmem>>
    %dma_wait3A_49 = tpu.memref_squeeze %dma_wait3A_48 : memref<1x128x128xf32, #tpu.memory_space<vmem>> -> memref<128x128xf32, #tpu.memory_space<vmem>>
    %dma_wait3A_50 = arith.constant 0 : i32
    %dma_wait3A_51 = tpu.memref_slice %arg4[%multiple_of3A_44, %dma_wait3A_50] : memref<3276800x128xf32, #tpu.memory_space<hbm>> -> memref<128x128xf32, #tpu.memory_space<hbm>>
    %dma_wait3A_52 = arith.constant 0 : i32
    %dma_wait3A_53 = arith.constant 0 : i32
    %dma_wait3A_54 = tpu.memref_slice %arg7[%dma_wait3A_45, %dma_wait3A_52, %dma_wait3A_53] : memref<4x128x128xf32, #tpu.memory_space<vmem>> -> memref<1x128x128xf32, #tpu.memory_space<vmem>>
    %dma_wait3A_55 = tpu.memref_squeeze %dma_wait3A_54 : memref<1x128x128xf32, #tpu.memory_space<vmem>> -> memref<128x128xf32, #tpu.memory_space<vmem>>
    %dma_wait3A_56 = arith.constant 0 : i32
    %dma_wait3A_57 = tpu.memref_slice %arg4[%multiple_of3A_44, %dma_wait3A_56] : memref<3276800x128xf32, #tpu.memory_space<hbm>> -> memref<128x128xf32, #tpu.memory_space<hbm>>
    tpu.wait_dma2 semaphore(%arg9 : memref<!tpu.dma_semaphore, #tpu.memory_space<semaphore_mem>>) src(%dma_wait3A_57 : memref<128x128xf32, #tpu.memory_space<hbm>>) dst(%dma_wait3A_55 : memref<128x128xf32, #tpu.memory_space<vmem>>)
    %mul3A_58 = arith.constant 128 : i32
    %mul3A_59 = arith.muli %mul3A_6, %mul3A_58 : i32
    %multiple_of3A_60 = tpu.assume_multiple %mul3A_59, 128 : i32
    %dma_wait3A_61 = arith.constant 3 : i32
    %dma_wait3A_62 = arith.constant 0 : i32
    %dma_wait3A_63 = arith.constant 0 : i32
    %dma_wait3A_64 = tpu.memref_slice %arg7[%dma_wait3A_61, %dma_wait3A_62, %dma_wait3A_63] : memref<4x128x128xf32, #tpu.memory_space<vmem>> -> memref<1x128x128xf32, #tpu.memory_space<vmem>>
    %dma_wait3A_65 = tpu.memref_squeeze %dma_wait3A_64 : memref<1x128x128xf32, #tpu.memory_space<vmem>> -> memref<128x128xf32, #tpu.memory_space<vmem>>
    %dma_wait3A_66 = arith.constant 0 : i32
    %dma_wait3A_67 = tpu.memref_slice %arg4[%multiple_of3A_60, %dma_wait3A_66] : memref<3276800x128xf32, #tpu.memory_space<hbm>> -> memref<128x128xf32, #tpu.memory_space<hbm>>
    %dma_wait3A_68 = arith.constant 0 : i32
    %dma_wait3A_69 = arith.constant 0 : i32
    %dma_wait3A_70 = tpu.memref_slice %arg7[%dma_wait3A_61, %dma_wait3A_68, %dma_wait3A_69] : memref<4x128x128xf32, #tpu.memory_space<vmem>> -> memref<1x128x128xf32, #tpu.memory_space<vmem>>
    %dma_wait3A_71 = tpu.memref_squeeze %dma_wait3A_70 : memref<1x128x128xf32, #tpu.memory_space<vmem>> -> memref<128x128xf32, #tpu.memory_space<vmem>>
    %dma_wait3A_72 = arith.constant 0 : i32
    %dma_wait3A_73 = tpu.memref_slice %arg4[%multiple_of3A_60, %dma_wait3A_72] : memref<3276800x128xf32, #tpu.memory_space<hbm>> -> memref<128x128xf32, #tpu.memory_space<hbm>>
    tpu.wait_dma2 semaphore(%arg9 : memref<!tpu.dma_semaphore, #tpu.memory_space<semaphore_mem>>) src(%dma_wait3A_73 : memref<128x128xf32, #tpu.memory_space<hbm>>) dst(%dma_wait3A_71 : memref<128x128xf32, #tpu.memory_space<vmem>>)
    return
  }
}

module attributes {stable_mosaic.version = 14 : i64} {
  func.func @_tc_rates_body(%arg0: i32, %arg1: memref<512x200xi32, #tpu.memory_space<vmem>>, %arg2: memref<512x200xf32, #tpu.memory_space<vmem>>, %arg3: memref<512x200xf32, #tpu.memory_space<vmem>>, %arg4: memref<512x200xf32, #tpu.memory_space<vmem>>, %arg5: memref<6xf32, #tpu.memory_space<smem>>, %arg6: memref<6xf32, #tpu.memory_space<smem>>, %arg7: memref<3x32xf32, #tpu.memory_space<smem>>, %arg8: memref<32xf32, #tpu.memory_space<smem>>, %arg9: memref<32x2xf32, #tpu.memory_space<smem>>, %arg10: memref<2xf32, #tpu.memory_space<smem>>, %arg11: memref<512x200xf32, #tpu.memory_space<vmem>>, %arg12: memref<512x200xf32, #tpu.memory_space<vmem>>) attributes {dimension_semantics = [#tpu.dimension_semantics<arbitrary>], iteration_bounds = array<i64: 32>, scalar_prefetch = 0 : i64, scratch_operands = 0 : i64, tpu.core_type = #tpu.core_type<tc>, window_params = [{transform_indices = @transform_0, window_bounds = array<i64: 512, 200>}, {transform_indices = @transform_1, window_bounds = array<i64: 512, 200>}, {transform_indices = @transform_2, window_bounds = array<i64: 512, 200>}, {transform_indices = @transform_3, window_bounds = array<i64: 512, 200>}, {transform_indices = @transform_4, window_bounds = array<i64: 6>}, {transform_indices = @transform_5, window_bounds = array<i64: 6>}, {transform_indices = @transform_6, window_bounds = array<i64: 3, 32>}, {transform_indices = @transform_7, window_bounds = array<i64: 32>}, {transform_indices = @transform_8, window_bounds = array<i64: 32, 2>}, {transform_indices = @transform_9, window_bounds = array<i64: 2>}, {transform_indices = @transform_10, window_bounds = array<i64: 512, 200>}, {transform_indices = @transform_11, window_bounds = array<i64: 512, 200>}]} {
    %get3A = arith.constant 0 : index
    %get3A_0 = arith.constant 0 : index
    %get3A_1 = vector.load %arg1[%get3A, %get3A_0] : memref<512x200xi32, #tpu.memory_space<vmem>>, vector<512x200xi32>
    %get3A_2 = arith.constant 0 : index
    %get3A_3 = arith.constant 0 : index
    %get3A_4 = vector.load %arg2[%get3A_2, %get3A_3] : memref<512x200xf32, #tpu.memory_space<vmem>>, vector<512x200xf32>
    %get3A_5 = arith.constant 0 : index
    %get3A_6 = arith.constant 0 : index
    %get3A_7 = vector.load %arg3[%get3A_5, %get3A_6] : memref<512x200xf32, #tpu.memory_space<vmem>>, vector<512x200xf32>
    %mul3A = arith.constant 0.0294627827 : f32
    %mul3A_8 = vector.broadcast %mul3A : f32 to vector<512x200xf32>
    %mul3A_9 = arith.mulf %get3A_7, %mul3A_8 : vector<512x200xf32>
    %get3A_10 = arith.constant 0 : index
    %get3A_11 = arith.constant 0 : index
    %get3A_12 = vector.load %arg4[%get3A_10, %get3A_11] : memref<512x200xf32, #tpu.memory_space<vmem>>, vector<512x200xf32>
    %get3A_13 = arith.constant 0 : index
    %get3A_14 = memref.load %arg10[%get3A_13] : memref<2xf32, #tpu.memory_space<smem>>
    %broadcast_in_dim3A = vector.broadcast %get3A_14 : f32 to vector<512x200xf32>
    %get3A_15 = arith.constant 1 : index
    %get3A_16 = memref.load %arg10[%get3A_15] : memref<2xf32, #tpu.memory_space<smem>>
    %broadcast_in_dim3A_17 = vector.broadcast %get3A_16 : f32 to vector<512x200xf32>
    %get3A_18 = arith.constant 0 : index
    %get3A_19 = arith.constant 0 : index
    %get3A_20 = memref.load %arg7[%get3A_18, %get3A_19] : memref<3x32xf32, #tpu.memory_space<smem>>
    %mul3A_21 = arith.constant 0.707106769 : f32
    %mul3A_22 = arith.mulf %get3A_20, %mul3A_21 : f32
    %mul3A_23 = vector.broadcast %mul3A_22 : f32 to vector<512x200xf32>
    %mul3A_24 = arith.mulf %get3A_4, %mul3A_23 : vector<512x200xf32>
    %get3A_25 = arith.constant 1 : index
    %get3A_26 = arith.constant 0 : index
    %get3A_27 = memref.load %arg7[%get3A_25, %get3A_26] : memref<3x32xf32, #tpu.memory_space<smem>>
    %mul3A_28 = vector.broadcast %get3A_27 : f32 to vector<512x200xf32>
    %mul3A_29 = arith.mulf %mul3A_9, %mul3A_28 : vector<512x200xf32>
    %add3A = arith.addf %mul3A_24, %mul3A_29 : vector<512x200xf32>
    %get3A_30 = arith.constant 2 : index
    %get3A_31 = arith.constant 0 : index
    %get3A_32 = memref.load %arg7[%get3A_30, %get3A_31] : memref<3x32xf32, #tpu.memory_space<smem>>
    %mul3A_33 = arith.constant 0.707106769 : f32
    %mul3A_34 = arith.mulf %get3A_32, %mul3A_33 : f32
    %mul3A_35 = vector.broadcast %mul3A_34 : f32 to vector<512x200xf32>
    %mul3A_36 = arith.mulf %get3A_12, %mul3A_35 : vector<512x200xf32>
    %add3A_37 = arith.addf %add3A, %mul3A_36 : vector<512x200xf32>
    %get3A_38 = arith.constant 0 : index
    %get3A_39 = memref.load %arg8[%get3A_38] : memref<32xf32, #tpu.memory_space<smem>>
    %mul3A_40 = arith.constant 0.707106769 : f32
    %mul3A_41 = arith.mulf %get3A_39, %mul3A_40 : f32
    %add3A_42 = vector.broadcast %mul3A_41 : f32 to vector<512x200xf32>
    %add3A_43 = arith.addf %add3A_37, %add3A_42 : vector<512x200xf32>
    %erf3A = math.erf %add3A_43 : vector<512x200xf32>
    %add3A_44 = arith.constant 1.000000e+00 : f32
    %add3A_45 = vector.broadcast %add3A_44 : f32 to vector<512x200xf32>
    %add3A_46 = arith.addf %add3A_45, %erf3A : vector<512x200xf32>
    %mul3A_47 = arith.mulf %add3A_43, %add3A_46 : vector<512x200xf32>
    %get3A_48 = arith.constant 0 : index
    %get3A_49 = arith.constant 0 : index
    %get3A_50 = memref.load %arg9[%get3A_48, %get3A_49] : memref<32x2xf32, #tpu.memory_space<smem>>
    %mul3A_51 = arith.constant 0.707106769 : f32
    %mul3A_52 = arith.mulf %get3A_50, %mul3A_51 : f32
    %mul3A_53 = vector.broadcast %mul3A_52 : f32 to vector<512x200xf32>
    %mul3A_54 = arith.mulf %mul3A_47, %mul3A_53 : vector<512x200xf32>
    %add3A_55 = arith.addf %broadcast_in_dim3A, %mul3A_54 : vector<512x200xf32>
    %get3A_56 = arith.constant 0 : index
    %get3A_57 = arith.constant 1 : index
    %get3A_58 = memref.load %arg9[%get3A_56, %get3A_57] : memref<32x2xf32, #tpu.memory_space<smem>>
    %mul3A_59 = arith.constant 0.707106769 : f32
    %mul3A_60 = arith.mulf %get3A_58, %mul3A_59 : f32
    %mul3A_61 = vector.broadcast %mul3A_60 : f32 to vector<512x200xf32>
    %mul3A_62 = arith.mulf %mul3A_47, %mul3A_61 : vector<512x200xf32>
    %add3A_63 = arith.addf %broadcast_in_dim3A_17, %mul3A_62 : vector<512x200xf32>
    %get3A_64 = arith.constant 0 : index
    %get3A_65 = arith.constant 1 : index
    %get3A_66 = memref.load %arg7[%get3A_64, %get3A_65] : memref<3x32xf32, #tpu.memory_space<smem>>
    %mul3A_67 = arith.constant 0.707106769 : f32
    %mul3A_68 = arith.mulf %get3A_66, %mul3A_67 : f32
    %mul3A_69 = vector.broadcast %mul3A_68 : f32 to vector<512x200xf32>
    %mul3A_70 = arith.mulf %get3A_4, %mul3A_69 : vector<512x200xf32>
    %get3A_71 = arith.constant 1 : index
    %get3A_72 = arith.constant 1 : index
    %get3A_73 = memref.load %arg7[%get3A_71, %get3A_72] : memref<3x32xf32, #tpu.memory_space<smem>>
    %mul3A_74 = vector.broadcast %get3A_73 : f32 to vector<512x200xf32>
    %mul3A_75 = arith.mulf %mul3A_9, %mul3A_74 : vector<512x200xf32>
    %add3A_76 = arith.addf %mul3A_70, %mul3A_75 : vector<512x200xf32>
    %get3A_77 = arith.constant 2 : index
    %get3A_78 = arith.constant 1 : index
    %get3A_79 = memref.load %arg7[%get3A_77, %get3A_78] : memref<3x32xf32, #tpu.memory_space<smem>>
    %mul3A_80 = arith.constant 0.707106769 : f32
    %mul3A_81 = arith.mulf %get3A_79, %mul3A_80 : f32
    %mul3A_82 = vector.broadcast %mul3A_81 : f32 to vector<512x200xf32>
    %mul3A_83 = arith.mulf %get3A_12, %mul3A_82 : vector<512x200xf32>
    %add3A_84 = arith.addf %add3A_76, %mul3A_83 : vector<512x200xf32>
    %get3A_85 = arith.constant 1 : index
    %get3A_86 = memref.load %arg8[%get3A_85] : memref<32xf32, #tpu.memory_space<smem>>
    %mul3A_87 = arith.constant 0.707106769 : f32
    %mul3A_88 = arith.mulf %get3A_86, %mul3A_87 : f32
    %add3A_89 = vector.broadcast %mul3A_88 : f32 to vector<512x200xf32>
    %add3A_90 = arith.addf %add3A_84, %add3A_89 : vector<512x200xf32>
    %erf3A_91 = math.erf %add3A_90 : vector<512x200xf32>
    %add3A_92 = arith.constant 1.000000e+00 : f32
    %add3A_93 = vector.broadcast %add3A_92 : f32 to vector<512x200xf32>
    %add3A_94 = arith.addf %add3A_93, %erf3A_91 : vector<512x200xf32>
    %mul3A_95 = arith.mulf %add3A_90, %add3A_94 : vector<512x200xf32>
    %get3A_96 = arith.constant 1 : index
    %get3A_97 = arith.constant 0 : index
    %get3A_98 = memref.load %arg9[%get3A_96, %get3A_97] : memref<32x2xf32, #tpu.memory_space<smem>>
    %mul3A_99 = arith.constant 0.707106769 : f32
    %mul3A_100 = arith.mulf %get3A_98, %mul3A_99 : f32
    %mul3A_101 = vector.broadcast %mul3A_100 : f32 to vector<512x200xf32>
    %mul3A_102 = arith.mulf %mul3A_95, %mul3A_101 : vector<512x200xf32>
    %add3A_103 = arith.addf %add3A_55, %mul3A_102 : vector<512x200xf32>
    %get3A_104 = arith.constant 1 : index
    %get3A_105 = arith.constant 1 : index
    %get3A_106 = memref.load %arg9[%get3A_104, %get3A_105] : memref<32x2xf32, #tpu.memory_space<smem>>
    %mul3A_107 = arith.constant 0.707106769 : f32
    %mul3A_108 = arith.mulf %get3A_106, %mul3A_107 : f32
    %mul3A_109 = vector.broadcast %mul3A_108 : f32 to vector<512x200xf32>
    %mul3A_110 = arith.mulf %mul3A_95, %mul3A_109 : vector<512x200xf32>
    %add3A_111 = arith.addf %add3A_63, %mul3A_110 : vector<512x200xf32>
    %get3A_112 = arith.constant 0 : index
    %get3A_113 = arith.constant 2 : index
    %get3A_114 = memref.load %arg7[%get3A_112, %get3A_113] : memref<3x32xf32, #tpu.memory_space<smem>>
    %mul3A_115 = arith.constant 0.707106769 : f32
    %mul3A_116 = arith.mulf %get3A_114, %mul3A_115 : f32
    %mul3A_117 = vector.broadcast %mul3A_116 : f32 to vector<512x200xf32>
    %mul3A_118 = arith.mulf %get3A_4, %mul3A_117 : vector<512x200xf32>
    %get3A_119 = arith.constant 1 : index
    %get3A_120 = arith.constant 2 : index
    %get3A_121 = memref.load %arg7[%get3A_119, %get3A_120] : memref<3x32xf32, #tpu.memory_space<smem>>
    %mul3A_122 = vector.broadcast %get3A_121 : f32 to vector<512x200xf32>
    %mul3A_123 = arith.mulf %mul3A_9, %mul3A_122 : vector<512x200xf32>
    %add3A_124 = arith.addf %mul3A_118, %mul3A_123 : vector<512x200xf32>
    %get3A_125 = arith.constant 2 : index
    %get3A_126 = arith.constant 2 : index
    %get3A_127 = memref.load %arg7[%get3A_125, %get3A_126] : memref<3x32xf32, #tpu.memory_space<smem>>
    %mul3A_128 = arith.constant 0.707106769 : f32
    %mul3A_129 = arith.mulf %get3A_127, %mul3A_128 : f32
    %mul3A_130 = vector.broadcast %mul3A_129 : f32 to vector<512x200xf32>
    %mul3A_131 = arith.mulf %get3A_12, %mul3A_130 : vector<512x200xf32>
    %add3A_132 = arith.addf %add3A_124, %mul3A_131 : vector<512x200xf32>
    %get3A_133 = arith.constant 2 : index
    %get3A_134 = memref.load %arg8[%get3A_133] : memref<32xf32, #tpu.memory_space<smem>>
    %mul3A_135 = arith.constant 0.707106769 : f32
    %mul3A_136 = arith.mulf %get3A_134, %mul3A_135 : f32
    %add3A_137 = vector.broadcast %mul3A_136 : f32 to vector<512x200xf32>
    %add3A_138 = arith.addf %add3A_132, %add3A_137 : vector<512x200xf32>
    %erf3A_139 = math.erf %add3A_138 : vector<512x200xf32>
    %add3A_140 = arith.constant 1.000000e+00 : f32
    %add3A_141 = vector.broadcast %add3A_140 : f32 to vector<512x200xf32>
    %add3A_142 = arith.addf %add3A_141, %erf3A_139 : vector<512x200xf32>
    %mul3A_143 = arith.mulf %add3A_138, %add3A_142 : vector<512x200xf32>
    %get3A_144 = arith.constant 2 : index
    %get3A_145 = arith.constant 0 : index
    %get3A_146 = memref.load %arg9[%get3A_144, %get3A_145] : memref<32x2xf32, #tpu.memory_space<smem>>
    %mul3A_147 = arith.constant 0.707106769 : f32
    %mul3A_148 = arith.mulf %get3A_146, %mul3A_147 : f32
    %mul3A_149 = vector.broadcast %mul3A_148 : f32 to vector<512x200xf32>
    %mul3A_150 = arith.mulf %mul3A_143, %mul3A_149 : vector<512x200xf32>
    %add3A_151 = arith.addf %add3A_103, %mul3A_150 : vector<512x200xf32>
    %get3A_152 = arith.constant 2 : index
    %get3A_153 = arith.constant 1 : index
    %get3A_154 = memref.load %arg9[%get3A_152, %get3A_153] : memref<32x2xf32, #tpu.memory_space<smem>>
    %mul3A_155 = arith.constant 0.707106769 : f32
    %mul3A_156 = arith.mulf %get3A_154, %mul3A_155 : f32
    %mul3A_157 = vector.broadcast %mul3A_156 : f32 to vector<512x200xf32>
    %mul3A_158 = arith.mulf %mul3A_143, %mul3A_157 : vector<512x200xf32>
    %add3A_159 = arith.addf %add3A_111, %mul3A_158 : vector<512x200xf32>
    %get3A_160 = arith.constant 0 : index
    %get3A_161 = arith.constant 3 : index
    %get3A_162 = memref.load %arg7[%get3A_160, %get3A_161] : memref<3x32xf32, #tpu.memory_space<smem>>
    %mul3A_163 = arith.constant 0.707106769 : f32
    %mul3A_164 = arith.mulf %get3A_162, %mul3A_163 : f32
    %mul3A_165 = vector.broadcast %mul3A_164 : f32 to vector<512x200xf32>
    %mul3A_166 = arith.mulf %get3A_4, %mul3A_165 : vector<512x200xf32>
    %get3A_167 = arith.constant 1 : index
    %get3A_168 = arith.constant 3 : index
    %get3A_169 = memref.load %arg7[%get3A_167, %get3A_168] : memref<3x32xf32, #tpu.memory_space<smem>>
    %mul3A_170 = vector.broadcast %get3A_169 : f32 to vector<512x200xf32>
    %mul3A_171 = arith.mulf %mul3A_9, %mul3A_170 : vector<512x200xf32>
    %add3A_172 = arith.addf %mul3A_166, %mul3A_171 : vector<512x200xf32>
    %get3A_173 = arith.constant 2 : index
    %get3A_174 = arith.constant 3 : index
    %get3A_175 = memref.load %arg7[%get3A_173, %get3A_174] : memref<3x32xf32, #tpu.memory_space<smem>>
    %mul3A_176 = arith.constant 0.707106769 : f32
    %mul3A_177 = arith.mulf %get3A_175, %mul3A_176 : f32
    %mul3A_178 = vector.broadcast %mul3A_177 : f32 to vector<512x200xf32>
    %mul3A_179 = arith.mulf %get3A_12, %mul3A_178 : vector<512x200xf32>
    %add3A_180 = arith.addf %add3A_172, %mul3A_179 : vector<512x200xf32>
    %get3A_181 = arith.constant 3 : index
    %get3A_182 = memref.load %arg8[%get3A_181] : memref<32xf32, #tpu.memory_space<smem>>
    %mul3A_183 = arith.constant 0.707106769 : f32
    %mul3A_184 = arith.mulf %get3A_182, %mul3A_183 : f32
    %add3A_185 = vector.broadcast %mul3A_184 : f32 to vector<512x200xf32>
    %add3A_186 = arith.addf %add3A_180, %add3A_185 : vector<512x200xf32>
    %erf3A_187 = math.erf %add3A_186 : vector<512x200xf32>
    %add3A_188 = arith.constant 1.000000e+00 : f32
    %add3A_189 = vector.broadcast %add3A_188 : f32 to vector<512x200xf32>
    %add3A_190 = arith.addf %add3A_189, %erf3A_187 : vector<512x200xf32>
    %mul3A_191 = arith.mulf %add3A_186, %add3A_190 : vector<512x200xf32>
    %get3A_192 = arith.constant 3 : index
    %get3A_193 = arith.constant 0 : index
    %get3A_194 = memref.load %arg9[%get3A_192, %get3A_193] : memref<32x2xf32, #tpu.memory_space<smem>>
    %mul3A_195 = arith.constant 0.707106769 : f32
    %mul3A_196 = arith.mulf %get3A_194, %mul3A_195 : f32
    %mul3A_197 = vector.broadcast %mul3A_196 : f32 to vector<512x200xf32>
    %mul3A_198 = arith.mulf %mul3A_191, %mul3A_197 : vector<512x200xf32>
    %add3A_199 = arith.addf %add3A_151, %mul3A_198 : vector<512x200xf32>
    %get3A_200 = arith.constant 3 : index
    %get3A_201 = arith.constant 1 : index
    %get3A_202 = memref.load %arg9[%get3A_200, %get3A_201] : memref<32x2xf32, #tpu.memory_space<smem>>
    %mul3A_203 = arith.constant 0.707106769 : f32
    %mul3A_204 = arith.mulf %get3A_202, %mul3A_203 : f32
    %mul3A_205 = vector.broadcast %mul3A_204 : f32 to vector<512x200xf32>
    %mul3A_206 = arith.mulf %mul3A_191, %mul3A_205 : vector<512x200xf32>
    %add3A_207 = arith.addf %add3A_159, %mul3A_206 : vector<512x200xf32>
    %get3A_208 = arith.constant 0 : index
    %get3A_209 = arith.constant 4 : index
    %get3A_210 = memref.load %arg7[%get3A_208, %get3A_209] : memref<3x32xf32, #tpu.memory_space<smem>>
    %mul3A_211 = arith.constant 0.707106769 : f32
    %mul3A_212 = arith.mulf %get3A_210, %mul3A_211 : f32
    %mul3A_213 = vector.broadcast %mul3A_212 : f32 to vector<512x200xf32>
    %mul3A_214 = arith.mulf %get3A_4, %mul3A_213 : vector<512x200xf32>
    %get3A_215 = arith.constant 1 : index
    %get3A_216 = arith.constant 4 : index
    %get3A_217 = memref.load %arg7[%get3A_215, %get3A_216] : memref<3x32xf32, #tpu.memory_space<smem>>
    %mul3A_218 = vector.broadcast %get3A_217 : f32 to vector<512x200xf32>
    %mul3A_219 = arith.mulf %mul3A_9, %mul3A_218 : vector<512x200xf32>
    %add3A_220 = arith.addf %mul3A_214, %mul3A_219 : vector<512x200xf32>
    %get3A_221 = arith.constant 2 : index
    %get3A_222 = arith.constant 4 : index
    %get3A_223 = memref.load %arg7[%get3A_221, %get3A_222] : memref<3x32xf32, #tpu.memory_space<smem>>
    %mul3A_224 = arith.constant 0.707106769 : f32
    %mul3A_225 = arith.mulf %get3A_223, %mul3A_224 : f32
    %mul3A_226 = vector.broadcast %mul3A_225 : f32 to vector<512x200xf32>
    %mul3A_227 = arith.mulf %get3A_12, %mul3A_226 : vector<512x200xf32>
    %add3A_228 = arith.addf %add3A_220, %mul3A_227 : vector<512x200xf32>
    %get3A_229 = arith.constant 4 : index
    %get3A_230 = memref.load %arg8[%get3A_229] : memref<32xf32, #tpu.memory_space<smem>>
    %mul3A_231 = arith.constant 0.707106769 : f32
    %mul3A_232 = arith.mulf %get3A_230, %mul3A_231 : f32
    %add3A_233 = vector.broadcast %mul3A_232 : f32 to vector<512x200xf32>
    %add3A_234 = arith.addf %add3A_228, %add3A_233 : vector<512x200xf32>
    %erf3A_235 = math.erf %add3A_234 : vector<512x200xf32>
    %add3A_236 = arith.constant 1.000000e+00 : f32
    %add3A_237 = vector.broadcast %add3A_236 : f32 to vector<512x200xf32>
    %add3A_238 = arith.addf %add3A_237, %erf3A_235 : vector<512x200xf32>
    %mul3A_239 = arith.mulf %add3A_234, %add3A_238 : vector<512x200xf32>
    %get3A_240 = arith.constant 4 : index
    %get3A_241 = arith.constant 0 : index
    %get3A_242 = memref.load %arg9[%get3A_240, %get3A_241] : memref<32x2xf32, #tpu.memory_space<smem>>
    %mul3A_243 = arith.constant 0.707106769 : f32
    %mul3A_244 = arith.mulf %get3A_242, %mul3A_243 : f32
    %mul3A_245 = vector.broadcast %mul3A_244 : f32 to vector<512x200xf32>
    %mul3A_246 = arith.mulf %mul3A_239, %mul3A_245 : vector<512x200xf32>
    %add3A_247 = arith.addf %add3A_199, %mul3A_246 : vector<512x200xf32>
    %get3A_248 = arith.constant 4 : index
    %get3A_249 = arith.constant 1 : index
    %get3A_250 = memref.load %arg9[%get3A_248, %get3A_249] : memref<32x2xf32, #tpu.memory_space<smem>>
    %mul3A_251 = arith.constant 0.707106769 : f32
    %mul3A_252 = arith.mulf %get3A_250, %mul3A_251 : f32
    %mul3A_253 = vector.broadcast %mul3A_252 : f32 to vector<512x200xf32>
    %mul3A_254 = arith.mulf %mul3A_239, %mul3A_253 : vector<512x200xf32>
    %add3A_255 = arith.addf %add3A_207, %mul3A_254 : vector<512x200xf32>
    %get3A_256 = arith.constant 0 : index
    %get3A_257 = arith.constant 5 : index
    %get3A_258 = memref.load %arg7[%get3A_256, %get3A_257] : memref<3x32xf32, #tpu.memory_space<smem>>
    %mul3A_259 = arith.constant 0.707106769 : f32
    %mul3A_260 = arith.mulf %get3A_258, %mul3A_259 : f32
    %mul3A_261 = vector.broadcast %mul3A_260 : f32 to vector<512x200xf32>
    %mul3A_262 = arith.mulf %get3A_4, %mul3A_261 : vector<512x200xf32>
    %get3A_263 = arith.constant 1 : index
    %get3A_264 = arith.constant 5 : index
    %get3A_265 = memref.load %arg7[%get3A_263, %get3A_264] : memref<3x32xf32, #tpu.memory_space<smem>>
    %mul3A_266 = vector.broadcast %get3A_265 : f32 to vector<512x200xf32>
    %mul3A_267 = arith.mulf %mul3A_9, %mul3A_266 : vector<512x200xf32>
    %add3A_268 = arith.addf %mul3A_262, %mul3A_267 : vector<512x200xf32>
    %get3A_269 = arith.constant 2 : index
    %get3A_270 = arith.constant 5 : index
    %get3A_271 = memref.load %arg7[%get3A_269, %get3A_270] : memref<3x32xf32, #tpu.memory_space<smem>>
    %mul3A_272 = arith.constant 0.707106769 : f32
    %mul3A_273 = arith.mulf %get3A_271, %mul3A_272 : f32
    %mul3A_274 = vector.broadcast %mul3A_273 : f32 to vector<512x200xf32>
    %mul3A_275 = arith.mulf %get3A_12, %mul3A_274 : vector<512x200xf32>
    %add3A_276 = arith.addf %add3A_268, %mul3A_275 : vector<512x200xf32>
    %get3A_277 = arith.constant 5 : index
    %get3A_278 = memref.load %arg8[%get3A_277] : memref<32xf32, #tpu.memory_space<smem>>
    %mul3A_279 = arith.constant 0.707106769 : f32
    %mul3A_280 = arith.mulf %get3A_278, %mul3A_279 : f32
    %add3A_281 = vector.broadcast %mul3A_280 : f32 to vector<512x200xf32>
    %add3A_282 = arith.addf %add3A_276, %add3A_281 : vector<512x200xf32>
    %erf3A_283 = math.erf %add3A_282 : vector<512x200xf32>
    %add3A_284 = arith.constant 1.000000e+00 : f32
    %add3A_285 = vector.broadcast %add3A_284 : f32 to vector<512x200xf32>
    %add3A_286 = arith.addf %add3A_285, %erf3A_283 : vector<512x200xf32>
    %mul3A_287 = arith.mulf %add3A_282, %add3A_286 : vector<512x200xf32>
    %get3A_288 = arith.constant 5 : index
    %get3A_289 = arith.constant 0 : index
    %get3A_290 = memref.load %arg9[%get3A_288, %get3A_289] : memref<32x2xf32, #tpu.memory_space<smem>>
    %mul3A_291 = arith.constant 0.707106769 : f32
    %mul3A_292 = arith.mulf %get3A_290, %mul3A_291 : f32
    %mul3A_293 = vector.broadcast %mul3A_292 : f32 to vector<512x200xf32>
    %mul3A_294 = arith.mulf %mul3A_287, %mul3A_293 : vector<512x200xf32>
    %add3A_295 = arith.addf %add3A_247, %mul3A_294 : vector<512x200xf32>
    %get3A_296 = arith.constant 5 : index
    %get3A_297 = arith.constant 1 : index
    %get3A_298 = memref.load %arg9[%get3A_296, %get3A_297] : memref<32x2xf32, #tpu.memory_space<smem>>
    %mul3A_299 = arith.constant 0.707106769 : f32
    %mul3A_300 = arith.mulf %get3A_298, %mul3A_299 : f32
    %mul3A_301 = vector.broadcast %mul3A_300 : f32 to vector<512x200xf32>
    %mul3A_302 = arith.mulf %mul3A_287, %mul3A_301 : vector<512x200xf32>
    %add3A_303 = arith.addf %add3A_255, %mul3A_302 : vector<512x200xf32>
    %get3A_304 = arith.constant 0 : index
    %get3A_305 = arith.constant 6 : index
    %get3A_306 = memref.load %arg7[%get3A_304, %get3A_305] : memref<3x32xf32, #tpu.memory_space<smem>>
    %mul3A_307 = arith.constant 0.707106769 : f32
    %mul3A_308 = arith.mulf %get3A_306, %mul3A_307 : f32
    %mul3A_309 = vector.broadcast %mul3A_308 : f32 to vector<512x200xf32>
    %mul3A_310 = arith.mulf %get3A_4, %mul3A_309 : vector<512x200xf32>
    %get3A_311 = arith.constant 1 : index
    %get3A_312 = arith.constant 6 : index
    %get3A_313 = memref.load %arg7[%get3A_311, %get3A_312] : memref<3x32xf32, #tpu.memory_space<smem>>
    %mul3A_314 = vector.broadcast %get3A_313 : f32 to vector<512x200xf32>
    %mul3A_315 = arith.mulf %mul3A_9, %mul3A_314 : vector<512x200xf32>
    %add3A_316 = arith.addf %mul3A_310, %mul3A_315 : vector<512x200xf32>
    %get3A_317 = arith.constant 2 : index
    %get3A_318 = arith.constant 6 : index
    %get3A_319 = memref.load %arg7[%get3A_317, %get3A_318] : memref<3x32xf32, #tpu.memory_space<smem>>
    %mul3A_320 = arith.constant 0.707106769 : f32
    %mul3A_321 = arith.mulf %get3A_319, %mul3A_320 : f32
    %mul3A_322 = vector.broadcast %mul3A_321 : f32 to vector<512x200xf32>
    %mul3A_323 = arith.mulf %get3A_12, %mul3A_322 : vector<512x200xf32>
    %add3A_324 = arith.addf %add3A_316, %mul3A_323 : vector<512x200xf32>
    %get3A_325 = arith.constant 6 : index
    %get3A_326 = memref.load %arg8[%get3A_325] : memref<32xf32, #tpu.memory_space<smem>>
    %mul3A_327 = arith.constant 0.707106769 : f32
    %mul3A_328 = arith.mulf %get3A_326, %mul3A_327 : f32
    %add3A_329 = vector.broadcast %mul3A_328 : f32 to vector<512x200xf32>
    %add3A_330 = arith.addf %add3A_324, %add3A_329 : vector<512x200xf32>
    %erf3A_331 = math.erf %add3A_330 : vector<512x200xf32>
    %add3A_332 = arith.constant 1.000000e+00 : f32
    %add3A_333 = vector.broadcast %add3A_332 : f32 to vector<512x200xf32>
    %add3A_334 = arith.addf %add3A_333, %erf3A_331 : vector<512x200xf32>
    %mul3A_335 = arith.mulf %add3A_330, %add3A_334 : vector<512x200xf32>
    %get3A_336 = arith.constant 6 : index
    %get3A_337 = arith.constant 0 : index
    %get3A_338 = memref.load %arg9[%get3A_336, %get3A_337] : memref<32x2xf32, #tpu.memory_space<smem>>
    %mul3A_339 = arith.constant 0.707106769 : f32
    %mul3A_340 = arith.mulf %get3A_338, %mul3A_339 : f32
    %mul3A_341 = vector.broadcast %mul3A_340 : f32 to vector<512x200xf32>
    %mul3A_342 = arith.mulf %mul3A_335, %mul3A_341 : vector<512x200xf32>
    %add3A_343 = arith.addf %add3A_295, %mul3A_342 : vector<512x200xf32>
    %get3A_344 = arith.constant 6 : index
    %get3A_345 = arith.constant 1 : index
    %get3A_346 = memref.load %arg9[%get3A_344, %get3A_345] : memref<32x2xf32, #tpu.memory_space<smem>>
    %mul3A_347 = arith.constant 0.707106769 : f32
    %mul3A_348 = arith.mulf %get3A_346, %mul3A_347 : f32
    %mul3A_349 = vector.broadcast %mul3A_348 : f32 to vector<512x200xf32>
    %mul3A_350 = arith.mulf %mul3A_335, %mul3A_349 : vector<512x200xf32>
    %add3A_351 = arith.addf %add3A_303, %mul3A_350 : vector<512x200xf32>
    %get3A_352 = arith.constant 0 : index
    %get3A_353 = arith.constant 7 : index
    %get3A_354 = memref.load %arg7[%get3A_352, %get3A_353] : memref<3x32xf32, #tpu.memory_space<smem>>
    %mul3A_355 = arith.constant 0.707106769 : f32
    %mul3A_356 = arith.mulf %get3A_354, %mul3A_355 : f32
    %mul3A_357 = vector.broadcast %mul3A_356 : f32 to vector<512x200xf32>
    %mul3A_358 = arith.mulf %get3A_4, %mul3A_357 : vector<512x200xf32>
    %get3A_359 = arith.constant 1 : index
    %get3A_360 = arith.constant 7 : index
    %get3A_361 = memref.load %arg7[%get3A_359, %get3A_360] : memref<3x32xf32, #tpu.memory_space<smem>>
    %mul3A_362 = vector.broadcast %get3A_361 : f32 to vector<512x200xf32>
    %mul3A_363 = arith.mulf %mul3A_9, %mul3A_362 : vector<512x200xf32>
    %add3A_364 = arith.addf %mul3A_358, %mul3A_363 : vector<512x200xf32>
    %get3A_365 = arith.constant 2 : index
    %get3A_366 = arith.constant 7 : index
    %get3A_367 = memref.load %arg7[%get3A_365, %get3A_366] : memref<3x32xf32, #tpu.memory_space<smem>>
    %mul3A_368 = arith.constant 0.707106769 : f32
    %mul3A_369 = arith.mulf %get3A_367, %mul3A_368 : f32
    %mul3A_370 = vector.broadcast %mul3A_369 : f32 to vector<512x200xf32>
    %mul3A_371 = arith.mulf %get3A_12, %mul3A_370 : vector<512x200xf32>
    %add3A_372 = arith.addf %add3A_364, %mul3A_371 : vector<512x200xf32>
    %get3A_373 = arith.constant 7 : index
    %get3A_374 = memref.load %arg8[%get3A_373] : memref<32xf32, #tpu.memory_space<smem>>
    %mul3A_375 = arith.constant 0.707106769 : f32
    %mul3A_376 = arith.mulf %get3A_374, %mul3A_375 : f32
    %add3A_377 = vector.broadcast %mul3A_376 : f32 to vector<512x200xf32>
    %add3A_378 = arith.addf %add3A_372, %add3A_377 : vector<512x200xf32>
    %erf3A_379 = math.erf %add3A_378 : vector<512x200xf32>
    %add3A_380 = arith.constant 1.000000e+00 : f32
    %add3A_381 = vector.broadcast %add3A_380 : f32 to vector<512x200xf32>
    %add3A_382 = arith.addf %add3A_381, %erf3A_379 : vector<512x200xf32>
    %mul3A_383 = arith.mulf %add3A_378, %add3A_382 : vector<512x200xf32>
    %get3A_384 = arith.constant 7 : index
    %get3A_385 = arith.constant 0 : index
    %get3A_386 = memref.load %arg9[%get3A_384, %get3A_385] : memref<32x2xf32, #tpu.memory_space<smem>>
    %mul3A_387 = arith.constant 0.707106769 : f32
    %mul3A_388 = arith.mulf %get3A_386, %mul3A_387 : f32
    %mul3A_389 = vector.broadcast %mul3A_388 : f32 to vector<512x200xf32>
    %mul3A_390 = arith.mulf %mul3A_383, %mul3A_389 : vector<512x200xf32>
    %add3A_391 = arith.addf %add3A_343, %mul3A_390 : vector<512x200xf32>
    %get3A_392 = arith.constant 7 : index
    %get3A_393 = arith.constant 1 : index
    %get3A_394 = memref.load %arg9[%get3A_392, %get3A_393] : memref<32x2xf32, #tpu.memory_space<smem>>
    %mul3A_395 = arith.constant 0.707106769 : f32
    %mul3A_396 = arith.mulf %get3A_394, %mul3A_395 : f32
    %mul3A_397 = vector.broadcast %mul3A_396 : f32 to vector<512x200xf32>
    %mul3A_398 = arith.mulf %mul3A_383, %mul3A_397 : vector<512x200xf32>
    %add3A_399 = arith.addf %add3A_351, %mul3A_398 : vector<512x200xf32>
    %get3A_400 = arith.constant 0 : index
    %get3A_401 = arith.constant 8 : index
    %get3A_402 = memref.load %arg7[%get3A_400, %get3A_401] : memref<3x32xf32, #tpu.memory_space<smem>>
    %mul3A_403 = arith.constant 0.707106769 : f32
    %mul3A_404 = arith.mulf %get3A_402, %mul3A_403 : f32
    %mul3A_405 = vector.broadcast %mul3A_404 : f32 to vector<512x200xf32>
    %mul3A_406 = arith.mulf %get3A_4, %mul3A_405 : vector<512x200xf32>
    %get3A_407 = arith.constant 1 : index
    %get3A_408 = arith.constant 8 : index
    %get3A_409 = memref.load %arg7[%get3A_407, %get3A_408] : memref<3x32xf32, #tpu.memory_space<smem>>
    %mul3A_410 = vector.broadcast %get3A_409 : f32 to vector<512x200xf32>
    %mul3A_411 = arith.mulf %mul3A_9, %mul3A_410 : vector<512x200xf32>
    %add3A_412 = arith.addf %mul3A_406, %mul3A_411 : vector<512x200xf32>
    %get3A_413 = arith.constant 2 : index
    %get3A_414 = arith.constant 8 : index
    %get3A_415 = memref.load %arg7[%get3A_413, %get3A_414] : memref<3x32xf32, #tpu.memory_space<smem>>
    %mul3A_416 = arith.constant 0.707106769 : f32
    %mul3A_417 = arith.mulf %get3A_415, %mul3A_416 : f32
    %mul3A_418 = vector.broadcast %mul3A_417 : f32 to vector<512x200xf32>
    %mul3A_419 = arith.mulf %get3A_12, %mul3A_418 : vector<512x200xf32>
    %add3A_420 = arith.addf %add3A_412, %mul3A_419 : vector<512x200xf32>
    %get3A_421 = arith.constant 8 : index
    %get3A_422 = memref.load %arg8[%get3A_421] : memref<32xf32, #tpu.memory_space<smem>>
    %mul3A_423 = arith.constant 0.707106769 : f32
    %mul3A_424 = arith.mulf %get3A_422, %mul3A_423 : f32
    %add3A_425 = vector.broadcast %mul3A_424 : f32 to vector<512x200xf32>
    %add3A_426 = arith.addf %add3A_420, %add3A_425 : vector<512x200xf32>
    %erf3A_427 = math.erf %add3A_426 : vector<512x200xf32>
    %add3A_428 = arith.constant 1.000000e+00 : f32
    %add3A_429 = vector.broadcast %add3A_428 : f32 to vector<512x200xf32>
    %add3A_430 = arith.addf %add3A_429, %erf3A_427 : vector<512x200xf32>
    %mul3A_431 = arith.mulf %add3A_426, %add3A_430 : vector<512x200xf32>
    %get3A_432 = arith.constant 8 : index
    %get3A_433 = arith.constant 0 : index
    %get3A_434 = memref.load %arg9[%get3A_432, %get3A_433] : memref<32x2xf32, #tpu.memory_space<smem>>
    %mul3A_435 = arith.constant 0.707106769 : f32
    %mul3A_436 = arith.mulf %get3A_434, %mul3A_435 : f32
    %mul3A_437 = vector.broadcast %mul3A_436 : f32 to vector<512x200xf32>
    %mul3A_438 = arith.mulf %mul3A_431, %mul3A_437 : vector<512x200xf32>
    %add3A_439 = arith.addf %add3A_391, %mul3A_438 : vector<512x200xf32>
    %get3A_440 = arith.constant 8 : index
    %get3A_441 = arith.constant 1 : index
    %get3A_442 = memref.load %arg9[%get3A_440, %get3A_441] : memref<32x2xf32, #tpu.memory_space<smem>>
    %mul3A_443 = arith.constant 0.707106769 : f32
    %mul3A_444 = arith.mulf %get3A_442, %mul3A_443 : f32
    %mul3A_445 = vector.broadcast %mul3A_444 : f32 to vector<512x200xf32>
    %mul3A_446 = arith.mulf %mul3A_431, %mul3A_445 : vector<512x200xf32>
    %add3A_447 = arith.addf %add3A_399, %mul3A_446 : vector<512x200xf32>
    %get3A_448 = arith.constant 0 : index
    %get3A_449 = arith.constant 9 : index
    %get3A_450 = memref.load %arg7[%get3A_448, %get3A_449] : memref<3x32xf32, #tpu.memory_space<smem>>
    %mul3A_451 = arith.constant 0.707106769 : f32
    %mul3A_452 = arith.mulf %get3A_450, %mul3A_451 : f32
    %mul3A_453 = vector.broadcast %mul3A_452 : f32 to vector<512x200xf32>
    %mul3A_454 = arith.mulf %get3A_4, %mul3A_453 : vector<512x200xf32>
    %get3A_455 = arith.constant 1 : index
    %get3A_456 = arith.constant 9 : index
    %get3A_457 = memref.load %arg7[%get3A_455, %get3A_456] : memref<3x32xf32, #tpu.memory_space<smem>>
    %mul3A_458 = vector.broadcast %get3A_457 : f32 to vector<512x200xf32>
    %mul3A_459 = arith.mulf %mul3A_9, %mul3A_458 : vector<512x200xf32>
    %add3A_460 = arith.addf %mul3A_454, %mul3A_459 : vector<512x200xf32>
    %get3A_461 = arith.constant 2 : index
    %get3A_462 = arith.constant 9 : index
    %get3A_463 = memref.load %arg7[%get3A_461, %get3A_462] : memref<3x32xf32, #tpu.memory_space<smem>>
    %mul3A_464 = arith.constant 0.707106769 : f32
    %mul3A_465 = arith.mulf %get3A_463, %mul3A_464 : f32
    %mul3A_466 = vector.broadcast %mul3A_465 : f32 to vector<512x200xf32>
    %mul3A_467 = arith.mulf %get3A_12, %mul3A_466 : vector<512x200xf32>
    %add3A_468 = arith.addf %add3A_460, %mul3A_467 : vector<512x200xf32>
    %get3A_469 = arith.constant 9 : index
    %get3A_470 = memref.load %arg8[%get3A_469] : memref<32xf32, #tpu.memory_space<smem>>
    %mul3A_471 = arith.constant 0.707106769 : f32
    %mul3A_472 = arith.mulf %get3A_470, %mul3A_471 : f32
    %add3A_473 = vector.broadcast %mul3A_472 : f32 to vector<512x200xf32>
    %add3A_474 = arith.addf %add3A_468, %add3A_473 : vector<512x200xf32>
    %erf3A_475 = math.erf %add3A_474 : vector<512x200xf32>
    %add3A_476 = arith.constant 1.000000e+00 : f32
    %add3A_477 = vector.broadcast %add3A_476 : f32 to vector<512x200xf32>
    %add3A_478 = arith.addf %add3A_477, %erf3A_475 : vector<512x200xf32>
    %mul3A_479 = arith.mulf %add3A_474, %add3A_478 : vector<512x200xf32>
    %get3A_480 = arith.constant 9 : index
    %get3A_481 = arith.constant 0 : index
    %get3A_482 = memref.load %arg9[%get3A_480, %get3A_481] : memref<32x2xf32, #tpu.memory_space<smem>>
    %mul3A_483 = arith.constant 0.707106769 : f32
    %mul3A_484 = arith.mulf %get3A_482, %mul3A_483 : f32
    %mul3A_485 = vector.broadcast %mul3A_484 : f32 to vector<512x200xf32>
    %mul3A_486 = arith.mulf %mul3A_479, %mul3A_485 : vector<512x200xf32>
    %add3A_487 = arith.addf %add3A_439, %mul3A_486 : vector<512x200xf32>
    %get3A_488 = arith.constant 9 : index
    %get3A_489 = arith.constant 1 : index
    %get3A_490 = memref.load %arg9[%get3A_488, %get3A_489] : memref<32x2xf32, #tpu.memory_space<smem>>
    %mul3A_491 = arith.constant 0.707106769 : f32
    %mul3A_492 = arith.mulf %get3A_490, %mul3A_491 : f32
    %mul3A_493 = vector.broadcast %mul3A_492 : f32 to vector<512x200xf32>
    %mul3A_494 = arith.mulf %mul3A_479, %mul3A_493 : vector<512x200xf32>
    %add3A_495 = arith.addf %add3A_447, %mul3A_494 : vector<512x200xf32>
    %get3A_496 = arith.constant 0 : index
    %get3A_497 = arith.constant 10 : index
    %get3A_498 = memref.load %arg7[%get3A_496, %get3A_497] : memref<3x32xf32, #tpu.memory_space<smem>>
    %mul3A_499 = arith.constant 0.707106769 : f32
    %mul3A_500 = arith.mulf %get3A_498, %mul3A_499 : f32
    %mul3A_501 = vector.broadcast %mul3A_500 : f32 to vector<512x200xf32>
    %mul3A_502 = arith.mulf %get3A_4, %mul3A_501 : vector<512x200xf32>
    %get3A_503 = arith.constant 1 : index
    %get3A_504 = arith.constant 10 : index
    %get3A_505 = memref.load %arg7[%get3A_503, %get3A_504] : memref<3x32xf32, #tpu.memory_space<smem>>
    %mul3A_506 = vector.broadcast %get3A_505 : f32 to vector<512x200xf32>
    %mul3A_507 = arith.mulf %mul3A_9, %mul3A_506 : vector<512x200xf32>
    %add3A_508 = arith.addf %mul3A_502, %mul3A_507 : vector<512x200xf32>
    %get3A_509 = arith.constant 2 : index
    %get3A_510 = arith.constant 10 : index
    %get3A_511 = memref.load %arg7[%get3A_509, %get3A_510] : memref<3x32xf32, #tpu.memory_space<smem>>
    %mul3A_512 = arith.constant 0.707106769 : f32
    %mul3A_513 = arith.mulf %get3A_511, %mul3A_512 : f32
    %mul3A_514 = vector.broadcast %mul3A_513 : f32 to vector<512x200xf32>
    %mul3A_515 = arith.mulf %get3A_12, %mul3A_514 : vector<512x200xf32>
    %add3A_516 = arith.addf %add3A_508, %mul3A_515 : vector<512x200xf32>
    %get3A_517 = arith.constant 10 : index
    %get3A_518 = memref.load %arg8[%get3A_517] : memref<32xf32, #tpu.memory_space<smem>>
    %mul3A_519 = arith.constant 0.707106769 : f32
    %mul3A_520 = arith.mulf %get3A_518, %mul3A_519 : f32
    %add3A_521 = vector.broadcast %mul3A_520 : f32 to vector<512x200xf32>
    %add3A_522 = arith.addf %add3A_516, %add3A_521 : vector<512x200xf32>
    %erf3A_523 = math.erf %add3A_522 : vector<512x200xf32>
    %add3A_524 = arith.constant 1.000000e+00 : f32
    %add3A_525 = vector.broadcast %add3A_524 : f32 to vector<512x200xf32>
    %add3A_526 = arith.addf %add3A_525, %erf3A_523 : vector<512x200xf32>
    %mul3A_527 = arith.mulf %add3A_522, %add3A_526 : vector<512x200xf32>
    %get3A_528 = arith.constant 10 : index
    %get3A_529 = arith.constant 0 : index
    %get3A_530 = memref.load %arg9[%get3A_528, %get3A_529] : memref<32x2xf32, #tpu.memory_space<smem>>
    %mul3A_531 = arith.constant 0.707106769 : f32
    %mul3A_532 = arith.mulf %get3A_530, %mul3A_531 : f32
    %mul3A_533 = vector.broadcast %mul3A_532 : f32 to vector<512x200xf32>
    %mul3A_534 = arith.mulf %mul3A_527, %mul3A_533 : vector<512x200xf32>
    %add3A_535 = arith.addf %add3A_487, %mul3A_534 : vector<512x200xf32>
    %get3A_536 = arith.constant 10 : index
    %get3A_537 = arith.constant 1 : index
    %get3A_538 = memref.load %arg9[%get3A_536, %get3A_537] : memref<32x2xf32, #tpu.memory_space<smem>>
    %mul3A_539 = arith.constant 0.707106769 : f32
    %mul3A_540 = arith.mulf %get3A_538, %mul3A_539 : f32
    %mul3A_541 = vector.broadcast %mul3A_540 : f32 to vector<512x200xf32>
    %mul3A_542 = arith.mulf %mul3A_527, %mul3A_541 : vector<512x200xf32>
    %add3A_543 = arith.addf %add3A_495, %mul3A_542 : vector<512x200xf32>
    %get3A_544 = arith.constant 0 : index
    %get3A_545 = arith.constant 11 : index
    %get3A_546 = memref.load %arg7[%get3A_544, %get3A_545] : memref<3x32xf32, #tpu.memory_space<smem>>
    %mul3A_547 = arith.constant 0.707106769 : f32
    %mul3A_548 = arith.mulf %get3A_546, %mul3A_547 : f32
    %mul3A_549 = vector.broadcast %mul3A_548 : f32 to vector<512x200xf32>
    %mul3A_550 = arith.mulf %get3A_4, %mul3A_549 : vector<512x200xf32>
    %get3A_551 = arith.constant 1 : index
    %get3A_552 = arith.constant 11 : index
    %get3A_553 = memref.load %arg7[%get3A_551, %get3A_552] : memref<3x32xf32, #tpu.memory_space<smem>>
    %mul3A_554 = vector.broadcast %get3A_553 : f32 to vector<512x200xf32>
    %mul3A_555 = arith.mulf %mul3A_9, %mul3A_554 : vector<512x200xf32>
    %add3A_556 = arith.addf %mul3A_550, %mul3A_555 : vector<512x200xf32>
    %get3A_557 = arith.constant 2 : index
    %get3A_558 = arith.constant 11 : index
    %get3A_559 = memref.load %arg7[%get3A_557, %get3A_558] : memref<3x32xf32, #tpu.memory_space<smem>>
    %mul3A_560 = arith.constant 0.707106769 : f32
    %mul3A_561 = arith.mulf %get3A_559, %mul3A_560 : f32
    %mul3A_562 = vector.broadcast %mul3A_561 : f32 to vector<512x200xf32>
    %mul3A_563 = arith.mulf %get3A_12, %mul3A_562 : vector<512x200xf32>
    %add3A_564 = arith.addf %add3A_556, %mul3A_563 : vector<512x200xf32>
    %get3A_565 = arith.constant 11 : index
    %get3A_566 = memref.load %arg8[%get3A_565] : memref<32xf32, #tpu.memory_space<smem>>
    %mul3A_567 = arith.constant 0.707106769 : f32
    %mul3A_568 = arith.mulf %get3A_566, %mul3A_567 : f32
    %add3A_569 = vector.broadcast %mul3A_568 : f32 to vector<512x200xf32>
    %add3A_570 = arith.addf %add3A_564, %add3A_569 : vector<512x200xf32>
    %erf3A_571 = math.erf %add3A_570 : vector<512x200xf32>
    %add3A_572 = arith.constant 1.000000e+00 : f32
    %add3A_573 = vector.broadcast %add3A_572 : f32 to vector<512x200xf32>
    %add3A_574 = arith.addf %add3A_573, %erf3A_571 : vector<512x200xf32>
    %mul3A_575 = arith.mulf %add3A_570, %add3A_574 : vector<512x200xf32>
    %get3A_576 = arith.constant 11 : index
    %get3A_577 = arith.constant 0 : index
    %get3A_578 = memref.load %arg9[%get3A_576, %get3A_577] : memref<32x2xf32, #tpu.memory_space<smem>>
    %mul3A_579 = arith.constant 0.707106769 : f32
    %mul3A_580 = arith.mulf %get3A_578, %mul3A_579 : f32
    %mul3A_581 = vector.broadcast %mul3A_580 : f32 to vector<512x200xf32>
    %mul3A_582 = arith.mulf %mul3A_575, %mul3A_581 : vector<512x200xf32>
    %add3A_583 = arith.addf %add3A_535, %mul3A_582 : vector<512x200xf32>
    %get3A_584 = arith.constant 11 : index
    %get3A_585 = arith.constant 1 : index
    %get3A_586 = memref.load %arg9[%get3A_584, %get3A_585] : memref<32x2xf32, #tpu.memory_space<smem>>
    %mul3A_587 = arith.constant 0.707106769 : f32
    %mul3A_588 = arith.mulf %get3A_586, %mul3A_587 : f32
    %mul3A_589 = vector.broadcast %mul3A_588 : f32 to vector<512x200xf32>
    %mul3A_590 = arith.mulf %mul3A_575, %mul3A_589 : vector<512x200xf32>
    %add3A_591 = arith.addf %add3A_543, %mul3A_590 : vector<512x200xf32>
    %get3A_592 = arith.constant 0 : index
    %get3A_593 = arith.constant 12 : index
    %get3A_594 = memref.load %arg7[%get3A_592, %get3A_593] : memref<3x32xf32, #tpu.memory_space<smem>>
    %mul3A_595 = arith.constant 0.707106769 : f32
    %mul3A_596 = arith.mulf %get3A_594, %mul3A_595 : f32
    %mul3A_597 = vector.broadcast %mul3A_596 : f32 to vector<512x200xf32>
    %mul3A_598 = arith.mulf %get3A_4, %mul3A_597 : vector<512x200xf32>
    %get3A_599 = arith.constant 1 : index
    %get3A_600 = arith.constant 12 : index
    %get3A_601 = memref.load %arg7[%get3A_599, %get3A_600] : memref<3x32xf32, #tpu.memory_space<smem>>
    %mul3A_602 = vector.broadcast %get3A_601 : f32 to vector<512x200xf32>
    %mul3A_603 = arith.mulf %mul3A_9, %mul3A_602 : vector<512x200xf32>
    %add3A_604 = arith.addf %mul3A_598, %mul3A_603 : vector<512x200xf32>
    %get3A_605 = arith.constant 2 : index
    %get3A_606 = arith.constant 12 : index
    %get3A_607 = memref.load %arg7[%get3A_605, %get3A_606] : memref<3x32xf32, #tpu.memory_space<smem>>
    %mul3A_608 = arith.constant 0.707106769 : f32
    %mul3A_609 = arith.mulf %get3A_607, %mul3A_608 : f32
    %mul3A_610 = vector.broadcast %mul3A_609 : f32 to vector<512x200xf32>
    %mul3A_611 = arith.mulf %get3A_12, %mul3A_610 : vector<512x200xf32>
    %add3A_612 = arith.addf %add3A_604, %mul3A_611 : vector<512x200xf32>
    %get3A_613 = arith.constant 12 : index
    %get3A_614 = memref.load %arg8[%get3A_613] : memref<32xf32, #tpu.memory_space<smem>>
    %mul3A_615 = arith.constant 0.707106769 : f32
    %mul3A_616 = arith.mulf %get3A_614, %mul3A_615 : f32
    %add3A_617 = vector.broadcast %mul3A_616 : f32 to vector<512x200xf32>
    %add3A_618 = arith.addf %add3A_612, %add3A_617 : vector<512x200xf32>
    %erf3A_619 = math.erf %add3A_618 : vector<512x200xf32>
    %add3A_620 = arith.constant 1.000000e+00 : f32
    %add3A_621 = vector.broadcast %add3A_620 : f32 to vector<512x200xf32>
    %add3A_622 = arith.addf %add3A_621, %erf3A_619 : vector<512x200xf32>
    %mul3A_623 = arith.mulf %add3A_618, %add3A_622 : vector<512x200xf32>
    %get3A_624 = arith.constant 12 : index
    %get3A_625 = arith.constant 0 : index
    %get3A_626 = memref.load %arg9[%get3A_624, %get3A_625] : memref<32x2xf32, #tpu.memory_space<smem>>
    %mul3A_627 = arith.constant 0.707106769 : f32
    %mul3A_628 = arith.mulf %get3A_626, %mul3A_627 : f32
    %mul3A_629 = vector.broadcast %mul3A_628 : f32 to vector<512x200xf32>
    %mul3A_630 = arith.mulf %mul3A_623, %mul3A_629 : vector<512x200xf32>
    %add3A_631 = arith.addf %add3A_583, %mul3A_630 : vector<512x200xf32>
    %get3A_632 = arith.constant 12 : index
    %get3A_633 = arith.constant 1 : index
    %get3A_634 = memref.load %arg9[%get3A_632, %get3A_633] : memref<32x2xf32, #tpu.memory_space<smem>>
    %mul3A_635 = arith.constant 0.707106769 : f32
    %mul3A_636 = arith.mulf %get3A_634, %mul3A_635 : f32
    %mul3A_637 = vector.broadcast %mul3A_636 : f32 to vector<512x200xf32>
    %mul3A_638 = arith.mulf %mul3A_623, %mul3A_637 : vector<512x200xf32>
    %add3A_639 = arith.addf %add3A_591, %mul3A_638 : vector<512x200xf32>
    %get3A_640 = arith.constant 0 : index
    %get3A_641 = arith.constant 13 : index
    %get3A_642 = memref.load %arg7[%get3A_640, %get3A_641] : memref<3x32xf32, #tpu.memory_space<smem>>
    %mul3A_643 = arith.constant 0.707106769 : f32
    %mul3A_644 = arith.mulf %get3A_642, %mul3A_643 : f32
    %mul3A_645 = vector.broadcast %mul3A_644 : f32 to vector<512x200xf32>
    %mul3A_646 = arith.mulf %get3A_4, %mul3A_645 : vector<512x200xf32>
    %get3A_647 = arith.constant 1 : index
    %get3A_648 = arith.constant 13 : index
    %get3A_649 = memref.load %arg7[%get3A_647, %get3A_648] : memref<3x32xf32, #tpu.memory_space<smem>>
    %mul3A_650 = vector.broadcast %get3A_649 : f32 to vector<512x200xf32>
    %mul3A_651 = arith.mulf %mul3A_9, %mul3A_650 : vector<512x200xf32>
    %add3A_652 = arith.addf %mul3A_646, %mul3A_651 : vector<512x200xf32>
    %get3A_653 = arith.constant 2 : index
    %get3A_654 = arith.constant 13 : index
    %get3A_655 = memref.load %arg7[%get3A_653, %get3A_654] : memref<3x32xf32, #tpu.memory_space<smem>>
    %mul3A_656 = arith.constant 0.707106769 : f32
    %mul3A_657 = arith.mulf %get3A_655, %mul3A_656 : f32
    %mul3A_658 = vector.broadcast %mul3A_657 : f32 to vector<512x200xf32>
    %mul3A_659 = arith.mulf %get3A_12, %mul3A_658 : vector<512x200xf32>
    %add3A_660 = arith.addf %add3A_652, %mul3A_659 : vector<512x200xf32>
    %get3A_661 = arith.constant 13 : index
    %get3A_662 = memref.load %arg8[%get3A_661] : memref<32xf32, #tpu.memory_space<smem>>
    %mul3A_663 = arith.constant 0.707106769 : f32
    %mul3A_664 = arith.mulf %get3A_662, %mul3A_663 : f32
    %add3A_665 = vector.broadcast %mul3A_664 : f32 to vector<512x200xf32>
    %add3A_666 = arith.addf %add3A_660, %add3A_665 : vector<512x200xf32>
    %erf3A_667 = math.erf %add3A_666 : vector<512x200xf32>
    %add3A_668 = arith.constant 1.000000e+00 : f32
    %add3A_669 = vector.broadcast %add3A_668 : f32 to vector<512x200xf32>
    %add3A_670 = arith.addf %add3A_669, %erf3A_667 : vector<512x200xf32>
    %mul3A_671 = arith.mulf %add3A_666, %add3A_670 : vector<512x200xf32>
    %get3A_672 = arith.constant 13 : index
    %get3A_673 = arith.constant 0 : index
    %get3A_674 = memref.load %arg9[%get3A_672, %get3A_673] : memref<32x2xf32, #tpu.memory_space<smem>>
    %mul3A_675 = arith.constant 0.707106769 : f32
    %mul3A_676 = arith.mulf %get3A_674, %mul3A_675 : f32
    %mul3A_677 = vector.broadcast %mul3A_676 : f32 to vector<512x200xf32>
    %mul3A_678 = arith.mulf %mul3A_671, %mul3A_677 : vector<512x200xf32>
    %add3A_679 = arith.addf %add3A_631, %mul3A_678 : vector<512x200xf32>
    %get3A_680 = arith.constant 13 : index
    %get3A_681 = arith.constant 1 : index
    %get3A_682 = memref.load %arg9[%get3A_680, %get3A_681] : memref<32x2xf32, #tpu.memory_space<smem>>
    %mul3A_683 = arith.constant 0.707106769 : f32
    %mul3A_684 = arith.mulf %get3A_682, %mul3A_683 : f32
    %mul3A_685 = vector.broadcast %mul3A_684 : f32 to vector<512x200xf32>
    %mul3A_686 = arith.mulf %mul3A_671, %mul3A_685 : vector<512x200xf32>
    %add3A_687 = arith.addf %add3A_639, %mul3A_686 : vector<512x200xf32>
    %get3A_688 = arith.constant 0 : index
    %get3A_689 = arith.constant 14 : index
    %get3A_690 = memref.load %arg7[%get3A_688, %get3A_689] : memref<3x32xf32, #tpu.memory_space<smem>>
    %mul3A_691 = arith.constant 0.707106769 : f32
    %mul3A_692 = arith.mulf %get3A_690, %mul3A_691 : f32
    %mul3A_693 = vector.broadcast %mul3A_692 : f32 to vector<512x200xf32>
    %mul3A_694 = arith.mulf %get3A_4, %mul3A_693 : vector<512x200xf32>
    %get3A_695 = arith.constant 1 : index
    %get3A_696 = arith.constant 14 : index
    %get3A_697 = memref.load %arg7[%get3A_695, %get3A_696] : memref<3x32xf32, #tpu.memory_space<smem>>
    %mul3A_698 = vector.broadcast %get3A_697 : f32 to vector<512x200xf32>
    %mul3A_699 = arith.mulf %mul3A_9, %mul3A_698 : vector<512x200xf32>
    %add3A_700 = arith.addf %mul3A_694, %mul3A_699 : vector<512x200xf32>
    %get3A_701 = arith.constant 2 : index
    %get3A_702 = arith.constant 14 : index
    %get3A_703 = memref.load %arg7[%get3A_701, %get3A_702] : memref<3x32xf32, #tpu.memory_space<smem>>
    %mul3A_704 = arith.constant 0.707106769 : f32
    %mul3A_705 = arith.mulf %get3A_703, %mul3A_704 : f32
    %mul3A_706 = vector.broadcast %mul3A_705 : f32 to vector<512x200xf32>
    %mul3A_707 = arith.mulf %get3A_12, %mul3A_706 : vector<512x200xf32>
    %add3A_708 = arith.addf %add3A_700, %mul3A_707 : vector<512x200xf32>
    %get3A_709 = arith.constant 14 : index
    %get3A_710 = memref.load %arg8[%get3A_709] : memref<32xf32, #tpu.memory_space<smem>>
    %mul3A_711 = arith.constant 0.707106769 : f32
    %mul3A_712 = arith.mulf %get3A_710, %mul3A_711 : f32
    %add3A_713 = vector.broadcast %mul3A_712 : f32 to vector<512x200xf32>
    %add3A_714 = arith.addf %add3A_708, %add3A_713 : vector<512x200xf32>
    %erf3A_715 = math.erf %add3A_714 : vector<512x200xf32>
    %add3A_716 = arith.constant 1.000000e+00 : f32
    %add3A_717 = vector.broadcast %add3A_716 : f32 to vector<512x200xf32>
    %add3A_718 = arith.addf %add3A_717, %erf3A_715 : vector<512x200xf32>
    %mul3A_719 = arith.mulf %add3A_714, %add3A_718 : vector<512x200xf32>
    %get3A_720 = arith.constant 14 : index
    %get3A_721 = arith.constant 0 : index
    %get3A_722 = memref.load %arg9[%get3A_720, %get3A_721] : memref<32x2xf32, #tpu.memory_space<smem>>
    %mul3A_723 = arith.constant 0.707106769 : f32
    %mul3A_724 = arith.mulf %get3A_722, %mul3A_723 : f32
    %mul3A_725 = vector.broadcast %mul3A_724 : f32 to vector<512x200xf32>
    %mul3A_726 = arith.mulf %mul3A_719, %mul3A_725 : vector<512x200xf32>
    %add3A_727 = arith.addf %add3A_679, %mul3A_726 : vector<512x200xf32>
    %get3A_728 = arith.constant 14 : index
    %get3A_729 = arith.constant 1 : index
    %get3A_730 = memref.load %arg9[%get3A_728, %get3A_729] : memref<32x2xf32, #tpu.memory_space<smem>>
    %mul3A_731 = arith.constant 0.707106769 : f32
    %mul3A_732 = arith.mulf %get3A_730, %mul3A_731 : f32
    %mul3A_733 = vector.broadcast %mul3A_732 : f32 to vector<512x200xf32>
    %mul3A_734 = arith.mulf %mul3A_719, %mul3A_733 : vector<512x200xf32>
    %add3A_735 = arith.addf %add3A_687, %mul3A_734 : vector<512x200xf32>
    %get3A_736 = arith.constant 0 : index
    %get3A_737 = arith.constant 15 : index
    %get3A_738 = memref.load %arg7[%get3A_736, %get3A_737] : memref<3x32xf32, #tpu.memory_space<smem>>
    %mul3A_739 = arith.constant 0.707106769 : f32
    %mul3A_740 = arith.mulf %get3A_738, %mul3A_739 : f32
    %mul3A_741 = vector.broadcast %mul3A_740 : f32 to vector<512x200xf32>
    %mul3A_742 = arith.mulf %get3A_4, %mul3A_741 : vector<512x200xf32>
    %get3A_743 = arith.constant 1 : index
    %get3A_744 = arith.constant 15 : index
    %get3A_745 = memref.load %arg7[%get3A_743, %get3A_744] : memref<3x32xf32, #tpu.memory_space<smem>>
    %mul3A_746 = vector.broadcast %get3A_745 : f32 to vector<512x200xf32>
    %mul3A_747 = arith.mulf %mul3A_9, %mul3A_746 : vector<512x200xf32>
    %add3A_748 = arith.addf %mul3A_742, %mul3A_747 : vector<512x200xf32>
    %get3A_749 = arith.constant 2 : index
    %get3A_750 = arith.constant 15 : index
    %get3A_751 = memref.load %arg7[%get3A_749, %get3A_750] : memref<3x32xf32, #tpu.memory_space<smem>>
    %mul3A_752 = arith.constant 0.707106769 : f32
    %mul3A_753 = arith.mulf %get3A_751, %mul3A_752 : f32
    %mul3A_754 = vector.broadcast %mul3A_753 : f32 to vector<512x200xf32>
    %mul3A_755 = arith.mulf %get3A_12, %mul3A_754 : vector<512x200xf32>
    %add3A_756 = arith.addf %add3A_748, %mul3A_755 : vector<512x200xf32>
    %get3A_757 = arith.constant 15 : index
    %get3A_758 = memref.load %arg8[%get3A_757] : memref<32xf32, #tpu.memory_space<smem>>
    %mul3A_759 = arith.constant 0.707106769 : f32
    %mul3A_760 = arith.mulf %get3A_758, %mul3A_759 : f32
    %add3A_761 = vector.broadcast %mul3A_760 : f32 to vector<512x200xf32>
    %add3A_762 = arith.addf %add3A_756, %add3A_761 : vector<512x200xf32>
    %erf3A_763 = math.erf %add3A_762 : vector<512x200xf32>
    %add3A_764 = arith.constant 1.000000e+00 : f32
    %add3A_765 = vector.broadcast %add3A_764 : f32 to vector<512x200xf32>
    %add3A_766 = arith.addf %add3A_765, %erf3A_763 : vector<512x200xf32>
    %mul3A_767 = arith.mulf %add3A_762, %add3A_766 : vector<512x200xf32>
    %get3A_768 = arith.constant 15 : index
    %get3A_769 = arith.constant 0 : index
    %get3A_770 = memref.load %arg9[%get3A_768, %get3A_769] : memref<32x2xf32, #tpu.memory_space<smem>>
    %mul3A_771 = arith.constant 0.707106769 : f32
    %mul3A_772 = arith.mulf %get3A_770, %mul3A_771 : f32
    %mul3A_773 = vector.broadcast %mul3A_772 : f32 to vector<512x200xf32>
    %mul3A_774 = arith.mulf %mul3A_767, %mul3A_773 : vector<512x200xf32>
    %add3A_775 = arith.addf %add3A_727, %mul3A_774 : vector<512x200xf32>
    %get3A_776 = arith.constant 15 : index
    %get3A_777 = arith.constant 1 : index
    %get3A_778 = memref.load %arg9[%get3A_776, %get3A_777] : memref<32x2xf32, #tpu.memory_space<smem>>
    %mul3A_779 = arith.constant 0.707106769 : f32
    %mul3A_780 = arith.mulf %get3A_778, %mul3A_779 : f32
    %mul3A_781 = vector.broadcast %mul3A_780 : f32 to vector<512x200xf32>
    %mul3A_782 = arith.mulf %mul3A_767, %mul3A_781 : vector<512x200xf32>
    %add3A_783 = arith.addf %add3A_735, %mul3A_782 : vector<512x200xf32>
    %get3A_784 = arith.constant 0 : index
    %get3A_785 = arith.constant 16 : index
    %get3A_786 = memref.load %arg7[%get3A_784, %get3A_785] : memref<3x32xf32, #tpu.memory_space<smem>>
    %mul3A_787 = arith.constant 0.707106769 : f32
    %mul3A_788 = arith.mulf %get3A_786, %mul3A_787 : f32
    %mul3A_789 = vector.broadcast %mul3A_788 : f32 to vector<512x200xf32>
    %mul3A_790 = arith.mulf %get3A_4, %mul3A_789 : vector<512x200xf32>
    %get3A_791 = arith.constant 1 : index
    %get3A_792 = arith.constant 16 : index
    %get3A_793 = memref.load %arg7[%get3A_791, %get3A_792] : memref<3x32xf32, #tpu.memory_space<smem>>
    %mul3A_794 = vector.broadcast %get3A_793 : f32 to vector<512x200xf32>
    %mul3A_795 = arith.mulf %mul3A_9, %mul3A_794 : vector<512x200xf32>
    %add3A_796 = arith.addf %mul3A_790, %mul3A_795 : vector<512x200xf32>
    %get3A_797 = arith.constant 2 : index
    %get3A_798 = arith.constant 16 : index
    %get3A_799 = memref.load %arg7[%get3A_797, %get3A_798] : memref<3x32xf32, #tpu.memory_space<smem>>
    %mul3A_800 = arith.constant 0.707106769 : f32
    %mul3A_801 = arith.mulf %get3A_799, %mul3A_800 : f32
    %mul3A_802 = vector.broadcast %mul3A_801 : f32 to vector<512x200xf32>
    %mul3A_803 = arith.mulf %get3A_12, %mul3A_802 : vector<512x200xf32>
    %add3A_804 = arith.addf %add3A_796, %mul3A_803 : vector<512x200xf32>
    %get3A_805 = arith.constant 16 : index
    %get3A_806 = memref.load %arg8[%get3A_805] : memref<32xf32, #tpu.memory_space<smem>>
    %mul3A_807 = arith.constant 0.707106769 : f32
    %mul3A_808 = arith.mulf %get3A_806, %mul3A_807 : f32
    %add3A_809 = vector.broadcast %mul3A_808 : f32 to vector<512x200xf32>
    %add3A_810 = arith.addf %add3A_804, %add3A_809 : vector<512x200xf32>
    %erf3A_811 = math.erf %add3A_810 : vector<512x200xf32>
    %add3A_812 = arith.constant 1.000000e+00 : f32
    %add3A_813 = vector.broadcast %add3A_812 : f32 to vector<512x200xf32>
    %add3A_814 = arith.addf %add3A_813, %erf3A_811 : vector<512x200xf32>
    %mul3A_815 = arith.mulf %add3A_810, %add3A_814 : vector<512x200xf32>
    %get3A_816 = arith.constant 16 : index
    %get3A_817 = arith.constant 0 : index
    %get3A_818 = memref.load %arg9[%get3A_816, %get3A_817] : memref<32x2xf32, #tpu.memory_space<smem>>
    %mul3A_819 = arith.constant 0.707106769 : f32
    %mul3A_820 = arith.mulf %get3A_818, %mul3A_819 : f32
    %mul3A_821 = vector.broadcast %mul3A_820 : f32 to vector<512x200xf32>
    %mul3A_822 = arith.mulf %mul3A_815, %mul3A_821 : vector<512x200xf32>
    %add3A_823 = arith.addf %add3A_775, %mul3A_822 : vector<512x200xf32>
    %get3A_824 = arith.constant 16 : index
    %get3A_825 = arith.constant 1 : index
    %get3A_826 = memref.load %arg9[%get3A_824, %get3A_825] : memref<32x2xf32, #tpu.memory_space<smem>>
    %mul3A_827 = arith.constant 0.707106769 : f32
    %mul3A_828 = arith.mulf %get3A_826, %mul3A_827 : f32
    %mul3A_829 = vector.broadcast %mul3A_828 : f32 to vector<512x200xf32>
    %mul3A_830 = arith.mulf %mul3A_815, %mul3A_829 : vector<512x200xf32>
    %add3A_831 = arith.addf %add3A_783, %mul3A_830 : vector<512x200xf32>
    %get3A_832 = arith.constant 0 : index
    %get3A_833 = arith.constant 17 : index
    %get3A_834 = memref.load %arg7[%get3A_832, %get3A_833] : memref<3x32xf32, #tpu.memory_space<smem>>
    %mul3A_835 = arith.constant 0.707106769 : f32
    %mul3A_836 = arith.mulf %get3A_834, %mul3A_835 : f32
    %mul3A_837 = vector.broadcast %mul3A_836 : f32 to vector<512x200xf32>
    %mul3A_838 = arith.mulf %get3A_4, %mul3A_837 : vector<512x200xf32>
    %get3A_839 = arith.constant 1 : index
    %get3A_840 = arith.constant 17 : index
    %get3A_841 = memref.load %arg7[%get3A_839, %get3A_840] : memref<3x32xf32, #tpu.memory_space<smem>>
    %mul3A_842 = vector.broadcast %get3A_841 : f32 to vector<512x200xf32>
    %mul3A_843 = arith.mulf %mul3A_9, %mul3A_842 : vector<512x200xf32>
    %add3A_844 = arith.addf %mul3A_838, %mul3A_843 : vector<512x200xf32>
    %get3A_845 = arith.constant 2 : index
    %get3A_846 = arith.constant 17 : index
    %get3A_847 = memref.load %arg7[%get3A_845, %get3A_846] : memref<3x32xf32, #tpu.memory_space<smem>>
    %mul3A_848 = arith.constant 0.707106769 : f32
    %mul3A_849 = arith.mulf %get3A_847, %mul3A_848 : f32
    %mul3A_850 = vector.broadcast %mul3A_849 : f32 to vector<512x200xf32>
    %mul3A_851 = arith.mulf %get3A_12, %mul3A_850 : vector<512x200xf32>
    %add3A_852 = arith.addf %add3A_844, %mul3A_851 : vector<512x200xf32>
    %get3A_853 = arith.constant 17 : index
    %get3A_854 = memref.load %arg8[%get3A_853] : memref<32xf32, #tpu.memory_space<smem>>
    %mul3A_855 = arith.constant 0.707106769 : f32
    %mul3A_856 = arith.mulf %get3A_854, %mul3A_855 : f32
    %add3A_857 = vector.broadcast %mul3A_856 : f32 to vector<512x200xf32>
    %add3A_858 = arith.addf %add3A_852, %add3A_857 : vector<512x200xf32>
    %erf3A_859 = math.erf %add3A_858 : vector<512x200xf32>
    %add3A_860 = arith.constant 1.000000e+00 : f32
    %add3A_861 = vector.broadcast %add3A_860 : f32 to vector<512x200xf32>
    %add3A_862 = arith.addf %add3A_861, %erf3A_859 : vector<512x200xf32>
    %mul3A_863 = arith.mulf %add3A_858, %add3A_862 : vector<512x200xf32>
    %get3A_864 = arith.constant 17 : index
    %get3A_865 = arith.constant 0 : index
    %get3A_866 = memref.load %arg9[%get3A_864, %get3A_865] : memref<32x2xf32, #tpu.memory_space<smem>>
    %mul3A_867 = arith.constant 0.707106769 : f32
    %mul3A_868 = arith.mulf %get3A_866, %mul3A_867 : f32
    %mul3A_869 = vector.broadcast %mul3A_868 : f32 to vector<512x200xf32>
    %mul3A_870 = arith.mulf %mul3A_863, %mul3A_869 : vector<512x200xf32>
    %add3A_871 = arith.addf %add3A_823, %mul3A_870 : vector<512x200xf32>
    %get3A_872 = arith.constant 17 : index
    %get3A_873 = arith.constant 1 : index
    %get3A_874 = memref.load %arg9[%get3A_872, %get3A_873] : memref<32x2xf32, #tpu.memory_space<smem>>
    %mul3A_875 = arith.constant 0.707106769 : f32
    %mul3A_876 = arith.mulf %get3A_874, %mul3A_875 : f32
    %mul3A_877 = vector.broadcast %mul3A_876 : f32 to vector<512x200xf32>
    %mul3A_878 = arith.mulf %mul3A_863, %mul3A_877 : vector<512x200xf32>
    %add3A_879 = arith.addf %add3A_831, %mul3A_878 : vector<512x200xf32>
    %get3A_880 = arith.constant 0 : index
    %get3A_881 = arith.constant 18 : index
    %get3A_882 = memref.load %arg7[%get3A_880, %get3A_881] : memref<3x32xf32, #tpu.memory_space<smem>>
    %mul3A_883 = arith.constant 0.707106769 : f32
    %mul3A_884 = arith.mulf %get3A_882, %mul3A_883 : f32
    %mul3A_885 = vector.broadcast %mul3A_884 : f32 to vector<512x200xf32>
    %mul3A_886 = arith.mulf %get3A_4, %mul3A_885 : vector<512x200xf32>
    %get3A_887 = arith.constant 1 : index
    %get3A_888 = arith.constant 18 : index
    %get3A_889 = memref.load %arg7[%get3A_887, %get3A_888] : memref<3x32xf32, #tpu.memory_space<smem>>
    %mul3A_890 = vector.broadcast %get3A_889 : f32 to vector<512x200xf32>
    %mul3A_891 = arith.mulf %mul3A_9, %mul3A_890 : vector<512x200xf32>
    %add3A_892 = arith.addf %mul3A_886, %mul3A_891 : vector<512x200xf32>
    %get3A_893 = arith.constant 2 : index
    %get3A_894 = arith.constant 18 : index
    %get3A_895 = memref.load %arg7[%get3A_893, %get3A_894] : memref<3x32xf32, #tpu.memory_space<smem>>
    %mul3A_896 = arith.constant 0.707106769 : f32
    %mul3A_897 = arith.mulf %get3A_895, %mul3A_896 : f32
    %mul3A_898 = vector.broadcast %mul3A_897 : f32 to vector<512x200xf32>
    %mul3A_899 = arith.mulf %get3A_12, %mul3A_898 : vector<512x200xf32>
    %add3A_900 = arith.addf %add3A_892, %mul3A_899 : vector<512x200xf32>
    %get3A_901 = arith.constant 18 : index
    %get3A_902 = memref.load %arg8[%get3A_901] : memref<32xf32, #tpu.memory_space<smem>>
    %mul3A_903 = arith.constant 0.707106769 : f32
    %mul3A_904 = arith.mulf %get3A_902, %mul3A_903 : f32
    %add3A_905 = vector.broadcast %mul3A_904 : f32 to vector<512x200xf32>
    %add3A_906 = arith.addf %add3A_900, %add3A_905 : vector<512x200xf32>
    %erf3A_907 = math.erf %add3A_906 : vector<512x200xf32>
    %add3A_908 = arith.constant 1.000000e+00 : f32
    %add3A_909 = vector.broadcast %add3A_908 : f32 to vector<512x200xf32>
    %add3A_910 = arith.addf %add3A_909, %erf3A_907 : vector<512x200xf32>
    %mul3A_911 = arith.mulf %add3A_906, %add3A_910 : vector<512x200xf32>
    %get3A_912 = arith.constant 18 : index
    %get3A_913 = arith.constant 0 : index
    %get3A_914 = memref.load %arg9[%get3A_912, %get3A_913] : memref<32x2xf32, #tpu.memory_space<smem>>
    %mul3A_915 = arith.constant 0.707106769 : f32
    %mul3A_916 = arith.mulf %get3A_914, %mul3A_915 : f32
    %mul3A_917 = vector.broadcast %mul3A_916 : f32 to vector<512x200xf32>
    %mul3A_918 = arith.mulf %mul3A_911, %mul3A_917 : vector<512x200xf32>
    %add3A_919 = arith.addf %add3A_871, %mul3A_918 : vector<512x200xf32>
    %get3A_920 = arith.constant 18 : index
    %get3A_921 = arith.constant 1 : index
    %get3A_922 = memref.load %arg9[%get3A_920, %get3A_921] : memref<32x2xf32, #tpu.memory_space<smem>>
    %mul3A_923 = arith.constant 0.707106769 : f32
    %mul3A_924 = arith.mulf %get3A_922, %mul3A_923 : f32
    %mul3A_925 = vector.broadcast %mul3A_924 : f32 to vector<512x200xf32>
    %mul3A_926 = arith.mulf %mul3A_911, %mul3A_925 : vector<512x200xf32>
    %add3A_927 = arith.addf %add3A_879, %mul3A_926 : vector<512x200xf32>
    %get3A_928 = arith.constant 0 : index
    %get3A_929 = arith.constant 19 : index
    %get3A_930 = memref.load %arg7[%get3A_928, %get3A_929] : memref<3x32xf32, #tpu.memory_space<smem>>
    %mul3A_931 = arith.constant 0.707106769 : f32
    %mul3A_932 = arith.mulf %get3A_930, %mul3A_931 : f32
    %mul3A_933 = vector.broadcast %mul3A_932 : f32 to vector<512x200xf32>
    %mul3A_934 = arith.mulf %get3A_4, %mul3A_933 : vector<512x200xf32>
    %get3A_935 = arith.constant 1 : index
    %get3A_936 = arith.constant 19 : index
    %get3A_937 = memref.load %arg7[%get3A_935, %get3A_936] : memref<3x32xf32, #tpu.memory_space<smem>>
    %mul3A_938 = vector.broadcast %get3A_937 : f32 to vector<512x200xf32>
    %mul3A_939 = arith.mulf %mul3A_9, %mul3A_938 : vector<512x200xf32>
    %add3A_940 = arith.addf %mul3A_934, %mul3A_939 : vector<512x200xf32>
    %get3A_941 = arith.constant 2 : index
    %get3A_942 = arith.constant 19 : index
    %get3A_943 = memref.load %arg7[%get3A_941, %get3A_942] : memref<3x32xf32, #tpu.memory_space<smem>>
    %mul3A_944 = arith.constant 0.707106769 : f32
    %mul3A_945 = arith.mulf %get3A_943, %mul3A_944 : f32
    %mul3A_946 = vector.broadcast %mul3A_945 : f32 to vector<512x200xf32>
    %mul3A_947 = arith.mulf %get3A_12, %mul3A_946 : vector<512x200xf32>
    %add3A_948 = arith.addf %add3A_940, %mul3A_947 : vector<512x200xf32>
    %get3A_949 = arith.constant 19 : index
    %get3A_950 = memref.load %arg8[%get3A_949] : memref<32xf32, #tpu.memory_space<smem>>
    %mul3A_951 = arith.constant 0.707106769 : f32
    %mul3A_952 = arith.mulf %get3A_950, %mul3A_951 : f32
    %add3A_953 = vector.broadcast %mul3A_952 : f32 to vector<512x200xf32>
    %add3A_954 = arith.addf %add3A_948, %add3A_953 : vector<512x200xf32>
    %erf3A_955 = math.erf %add3A_954 : vector<512x200xf32>
    %add3A_956 = arith.constant 1.000000e+00 : f32
    %add3A_957 = vector.broadcast %add3A_956 : f32 to vector<512x200xf32>
    %add3A_958 = arith.addf %add3A_957, %erf3A_955 : vector<512x200xf32>
    %mul3A_959 = arith.mulf %add3A_954, %add3A_958 : vector<512x200xf32>
    %get3A_960 = arith.constant 19 : index
    %get3A_961 = arith.constant 0 : index
    %get3A_962 = memref.load %arg9[%get3A_960, %get3A_961] : memref<32x2xf32, #tpu.memory_space<smem>>
    %mul3A_963 = arith.constant 0.707106769 : f32
    %mul3A_964 = arith.mulf %get3A_962, %mul3A_963 : f32
    %mul3A_965 = vector.broadcast %mul3A_964 : f32 to vector<512x200xf32>
    %mul3A_966 = arith.mulf %mul3A_959, %mul3A_965 : vector<512x200xf32>
    %add3A_967 = arith.addf %add3A_919, %mul3A_966 : vector<512x200xf32>
    %get3A_968 = arith.constant 19 : index
    %get3A_969 = arith.constant 1 : index
    %get3A_970 = memref.load %arg9[%get3A_968, %get3A_969] : memref<32x2xf32, #tpu.memory_space<smem>>
    %mul3A_971 = arith.constant 0.707106769 : f32
    %mul3A_972 = arith.mulf %get3A_970, %mul3A_971 : f32
    %mul3A_973 = vector.broadcast %mul3A_972 : f32 to vector<512x200xf32>
    %mul3A_974 = arith.mulf %mul3A_959, %mul3A_973 : vector<512x200xf32>
    %add3A_975 = arith.addf %add3A_927, %mul3A_974 : vector<512x200xf32>
    %get3A_976 = arith.constant 0 : index
    %get3A_977 = arith.constant 20 : index
    %get3A_978 = memref.load %arg7[%get3A_976, %get3A_977] : memref<3x32xf32, #tpu.memory_space<smem>>
    %mul3A_979 = arith.constant 0.707106769 : f32
    %mul3A_980 = arith.mulf %get3A_978, %mul3A_979 : f32
    %mul3A_981 = vector.broadcast %mul3A_980 : f32 to vector<512x200xf32>
    %mul3A_982 = arith.mulf %get3A_4, %mul3A_981 : vector<512x200xf32>
    %get3A_983 = arith.constant 1 : index
    %get3A_984 = arith.constant 20 : index
    %get3A_985 = memref.load %arg7[%get3A_983, %get3A_984] : memref<3x32xf32, #tpu.memory_space<smem>>
    %mul3A_986 = vector.broadcast %get3A_985 : f32 to vector<512x200xf32>
    %mul3A_987 = arith.mulf %mul3A_9, %mul3A_986 : vector<512x200xf32>
    %add3A_988 = arith.addf %mul3A_982, %mul3A_987 : vector<512x200xf32>
    %get3A_989 = arith.constant 2 : index
    %get3A_990 = arith.constant 20 : index
    %get3A_991 = memref.load %arg7[%get3A_989, %get3A_990] : memref<3x32xf32, #tpu.memory_space<smem>>
    %mul3A_992 = arith.constant 0.707106769 : f32
    %mul3A_993 = arith.mulf %get3A_991, %mul3A_992 : f32
    %mul3A_994 = vector.broadcast %mul3A_993 : f32 to vector<512x200xf32>
    %mul3A_995 = arith.mulf %get3A_12, %mul3A_994 : vector<512x200xf32>
    %add3A_996 = arith.addf %add3A_988, %mul3A_995 : vector<512x200xf32>
    %get3A_997 = arith.constant 20 : index
    %get3A_998 = memref.load %arg8[%get3A_997] : memref<32xf32, #tpu.memory_space<smem>>
    %mul3A_999 = arith.constant 0.707106769 : f32
    %mul3A_1000 = arith.mulf %get3A_998, %mul3A_999 : f32
    %add3A_1001 = vector.broadcast %mul3A_1000 : f32 to vector<512x200xf32>
    %add3A_1002 = arith.addf %add3A_996, %add3A_1001 : vector<512x200xf32>
    %erf3A_1003 = math.erf %add3A_1002 : vector<512x200xf32>
    %add3A_1004 = arith.constant 1.000000e+00 : f32
    %add3A_1005 = vector.broadcast %add3A_1004 : f32 to vector<512x200xf32>
    %add3A_1006 = arith.addf %add3A_1005, %erf3A_1003 : vector<512x200xf32>
    %mul3A_1007 = arith.mulf %add3A_1002, %add3A_1006 : vector<512x200xf32>
    %get3A_1008 = arith.constant 20 : index
    %get3A_1009 = arith.constant 0 : index
    %get3A_1010 = memref.load %arg9[%get3A_1008, %get3A_1009] : memref<32x2xf32, #tpu.memory_space<smem>>
    %mul3A_1011 = arith.constant 0.707106769 : f32
    %mul3A_1012 = arith.mulf %get3A_1010, %mul3A_1011 : f32
    %mul3A_1013 = vector.broadcast %mul3A_1012 : f32 to vector<512x200xf32>
    %mul3A_1014 = arith.mulf %mul3A_1007, %mul3A_1013 : vector<512x200xf32>
    %add3A_1015 = arith.addf %add3A_967, %mul3A_1014 : vector<512x200xf32>
    %get3A_1016 = arith.constant 20 : index
    %get3A_1017 = arith.constant 1 : index
    %get3A_1018 = memref.load %arg9[%get3A_1016, %get3A_1017] : memref<32x2xf32, #tpu.memory_space<smem>>
    %mul3A_1019 = arith.constant 0.707106769 : f32
    %mul3A_1020 = arith.mulf %get3A_1018, %mul3A_1019 : f32
    %mul3A_1021 = vector.broadcast %mul3A_1020 : f32 to vector<512x200xf32>
    %mul3A_1022 = arith.mulf %mul3A_1007, %mul3A_1021 : vector<512x200xf32>
    %add3A_1023 = arith.addf %add3A_975, %mul3A_1022 : vector<512x200xf32>
    %get3A_1024 = arith.constant 0 : index
    %get3A_1025 = arith.constant 21 : index
    %get3A_1026 = memref.load %arg7[%get3A_1024, %get3A_1025] : memref<3x32xf32, #tpu.memory_space<smem>>
    %mul3A_1027 = arith.constant 0.707106769 : f32
    %mul3A_1028 = arith.mulf %get3A_1026, %mul3A_1027 : f32
    %mul3A_1029 = vector.broadcast %mul3A_1028 : f32 to vector<512x200xf32>
    %mul3A_1030 = arith.mulf %get3A_4, %mul3A_1029 : vector<512x200xf32>
    %get3A_1031 = arith.constant 1 : index
    %get3A_1032 = arith.constant 21 : index
    %get3A_1033 = memref.load %arg7[%get3A_1031, %get3A_1032] : memref<3x32xf32, #tpu.memory_space<smem>>
    %mul3A_1034 = vector.broadcast %get3A_1033 : f32 to vector<512x200xf32>
    %mul3A_1035 = arith.mulf %mul3A_9, %mul3A_1034 : vector<512x200xf32>
    %add3A_1036 = arith.addf %mul3A_1030, %mul3A_1035 : vector<512x200xf32>
    %get3A_1037 = arith.constant 2 : index
    %get3A_1038 = arith.constant 21 : index
    %get3A_1039 = memref.load %arg7[%get3A_1037, %get3A_1038] : memref<3x32xf32, #tpu.memory_space<smem>>
    %mul3A_1040 = arith.constant 0.707106769 : f32
    %mul3A_1041 = arith.mulf %get3A_1039, %mul3A_1040 : f32
    %mul3A_1042 = vector.broadcast %mul3A_1041 : f32 to vector<512x200xf32>
    %mul3A_1043 = arith.mulf %get3A_12, %mul3A_1042 : vector<512x200xf32>
    %add3A_1044 = arith.addf %add3A_1036, %mul3A_1043 : vector<512x200xf32>
    %get3A_1045 = arith.constant 21 : index
    %get3A_1046 = memref.load %arg8[%get3A_1045] : memref<32xf32, #tpu.memory_space<smem>>
    %mul3A_1047 = arith.constant 0.707106769 : f32
    %mul3A_1048 = arith.mulf %get3A_1046, %mul3A_1047 : f32
    %add3A_1049 = vector.broadcast %mul3A_1048 : f32 to vector<512x200xf32>
    %add3A_1050 = arith.addf %add3A_1044, %add3A_1049 : vector<512x200xf32>
    %erf3A_1051 = math.erf %add3A_1050 : vector<512x200xf32>
    %add3A_1052 = arith.constant 1.000000e+00 : f32
    %add3A_1053 = vector.broadcast %add3A_1052 : f32 to vector<512x200xf32>
    %add3A_1054 = arith.addf %add3A_1053, %erf3A_1051 : vector<512x200xf32>
    %mul3A_1055 = arith.mulf %add3A_1050, %add3A_1054 : vector<512x200xf32>
    %get3A_1056 = arith.constant 21 : index
    %get3A_1057 = arith.constant 0 : index
    %get3A_1058 = memref.load %arg9[%get3A_1056, %get3A_1057] : memref<32x2xf32, #tpu.memory_space<smem>>
    %mul3A_1059 = arith.constant 0.707106769 : f32
    %mul3A_1060 = arith.mulf %get3A_1058, %mul3A_1059 : f32
    %mul3A_1061 = vector.broadcast %mul3A_1060 : f32 to vector<512x200xf32>
    %mul3A_1062 = arith.mulf %mul3A_1055, %mul3A_1061 : vector<512x200xf32>
    %add3A_1063 = arith.addf %add3A_1015, %mul3A_1062 : vector<512x200xf32>
    %get3A_1064 = arith.constant 21 : index
    %get3A_1065 = arith.constant 1 : index
    %get3A_1066 = memref.load %arg9[%get3A_1064, %get3A_1065] : memref<32x2xf32, #tpu.memory_space<smem>>
    %mul3A_1067 = arith.constant 0.707106769 : f32
    %mul3A_1068 = arith.mulf %get3A_1066, %mul3A_1067 : f32
    %mul3A_1069 = vector.broadcast %mul3A_1068 : f32 to vector<512x200xf32>
    %mul3A_1070 = arith.mulf %mul3A_1055, %mul3A_1069 : vector<512x200xf32>
    %add3A_1071 = arith.addf %add3A_1023, %mul3A_1070 : vector<512x200xf32>
    %get3A_1072 = arith.constant 0 : index
    %get3A_1073 = arith.constant 22 : index
    %get3A_1074 = memref.load %arg7[%get3A_1072, %get3A_1073] : memref<3x32xf32, #tpu.memory_space<smem>>
    %mul3A_1075 = arith.constant 0.707106769 : f32
    %mul3A_1076 = arith.mulf %get3A_1074, %mul3A_1075 : f32
    %mul3A_1077 = vector.broadcast %mul3A_1076 : f32 to vector<512x200xf32>
    %mul3A_1078 = arith.mulf %get3A_4, %mul3A_1077 : vector<512x200xf32>
    %get3A_1079 = arith.constant 1 : index
    %get3A_1080 = arith.constant 22 : index
    %get3A_1081 = memref.load %arg7[%get3A_1079, %get3A_1080] : memref<3x32xf32, #tpu.memory_space<smem>>
    %mul3A_1082 = vector.broadcast %get3A_1081 : f32 to vector<512x200xf32>
    %mul3A_1083 = arith.mulf %mul3A_9, %mul3A_1082 : vector<512x200xf32>
    %add3A_1084 = arith.addf %mul3A_1078, %mul3A_1083 : vector<512x200xf32>
    %get3A_1085 = arith.constant 2 : index
    %get3A_1086 = arith.constant 22 : index
    %get3A_1087 = memref.load %arg7[%get3A_1085, %get3A_1086] : memref<3x32xf32, #tpu.memory_space<smem>>
    %mul3A_1088 = arith.constant 0.707106769 : f32
    %mul3A_1089 = arith.mulf %get3A_1087, %mul3A_1088 : f32
    %mul3A_1090 = vector.broadcast %mul3A_1089 : f32 to vector<512x200xf32>
    %mul3A_1091 = arith.mulf %get3A_12, %mul3A_1090 : vector<512x200xf32>
    %add3A_1092 = arith.addf %add3A_1084, %mul3A_1091 : vector<512x200xf32>
    %get3A_1093 = arith.constant 22 : index
    %get3A_1094 = memref.load %arg8[%get3A_1093] : memref<32xf32, #tpu.memory_space<smem>>
    %mul3A_1095 = arith.constant 0.707106769 : f32
    %mul3A_1096 = arith.mulf %get3A_1094, %mul3A_1095 : f32
    %add3A_1097 = vector.broadcast %mul3A_1096 : f32 to vector<512x200xf32>
    %add3A_1098 = arith.addf %add3A_1092, %add3A_1097 : vector<512x200xf32>
    %erf3A_1099 = math.erf %add3A_1098 : vector<512x200xf32>
    %add3A_1100 = arith.constant 1.000000e+00 : f32
    %add3A_1101 = vector.broadcast %add3A_1100 : f32 to vector<512x200xf32>
    %add3A_1102 = arith.addf %add3A_1101, %erf3A_1099 : vector<512x200xf32>
    %mul3A_1103 = arith.mulf %add3A_1098, %add3A_1102 : vector<512x200xf32>
    %get3A_1104 = arith.constant 22 : index
    %get3A_1105 = arith.constant 0 : index
    %get3A_1106 = memref.load %arg9[%get3A_1104, %get3A_1105] : memref<32x2xf32, #tpu.memory_space<smem>>
    %mul3A_1107 = arith.constant 0.707106769 : f32
    %mul3A_1108 = arith.mulf %get3A_1106, %mul3A_1107 : f32
    %mul3A_1109 = vector.broadcast %mul3A_1108 : f32 to vector<512x200xf32>
    %mul3A_1110 = arith.mulf %mul3A_1103, %mul3A_1109 : vector<512x200xf32>
    %add3A_1111 = arith.addf %add3A_1063, %mul3A_1110 : vector<512x200xf32>
    %get3A_1112 = arith.constant 22 : index
    %get3A_1113 = arith.constant 1 : index
    %get3A_1114 = memref.load %arg9[%get3A_1112, %get3A_1113] : memref<32x2xf32, #tpu.memory_space<smem>>
    %mul3A_1115 = arith.constant 0.707106769 : f32
    %mul3A_1116 = arith.mulf %get3A_1114, %mul3A_1115 : f32
    %mul3A_1117 = vector.broadcast %mul3A_1116 : f32 to vector<512x200xf32>
    %mul3A_1118 = arith.mulf %mul3A_1103, %mul3A_1117 : vector<512x200xf32>
    %add3A_1119 = arith.addf %add3A_1071, %mul3A_1118 : vector<512x200xf32>
    %get3A_1120 = arith.constant 0 : index
    %get3A_1121 = arith.constant 23 : index
    %get3A_1122 = memref.load %arg7[%get3A_1120, %get3A_1121] : memref<3x32xf32, #tpu.memory_space<smem>>
    %mul3A_1123 = arith.constant 0.707106769 : f32
    %mul3A_1124 = arith.mulf %get3A_1122, %mul3A_1123 : f32
    %mul3A_1125 = vector.broadcast %mul3A_1124 : f32 to vector<512x200xf32>
    %mul3A_1126 = arith.mulf %get3A_4, %mul3A_1125 : vector<512x200xf32>
    %get3A_1127 = arith.constant 1 : index
    %get3A_1128 = arith.constant 23 : index
    %get3A_1129 = memref.load %arg7[%get3A_1127, %get3A_1128] : memref<3x32xf32, #tpu.memory_space<smem>>
    %mul3A_1130 = vector.broadcast %get3A_1129 : f32 to vector<512x200xf32>
    %mul3A_1131 = arith.mulf %mul3A_9, %mul3A_1130 : vector<512x200xf32>
    %add3A_1132 = arith.addf %mul3A_1126, %mul3A_1131 : vector<512x200xf32>
    %get3A_1133 = arith.constant 2 : index
    %get3A_1134 = arith.constant 23 : index
    %get3A_1135 = memref.load %arg7[%get3A_1133, %get3A_1134] : memref<3x32xf32, #tpu.memory_space<smem>>
    %mul3A_1136 = arith.constant 0.707106769 : f32
    %mul3A_1137 = arith.mulf %get3A_1135, %mul3A_1136 : f32
    %mul3A_1138 = vector.broadcast %mul3A_1137 : f32 to vector<512x200xf32>
    %mul3A_1139 = arith.mulf %get3A_12, %mul3A_1138 : vector<512x200xf32>
    %add3A_1140 = arith.addf %add3A_1132, %mul3A_1139 : vector<512x200xf32>
    %get3A_1141 = arith.constant 23 : index
    %get3A_1142 = memref.load %arg8[%get3A_1141] : memref<32xf32, #tpu.memory_space<smem>>
    %mul3A_1143 = arith.constant 0.707106769 : f32
    %mul3A_1144 = arith.mulf %get3A_1142, %mul3A_1143 : f32
    %add3A_1145 = vector.broadcast %mul3A_1144 : f32 to vector<512x200xf32>
    %add3A_1146 = arith.addf %add3A_1140, %add3A_1145 : vector<512x200xf32>
    %erf3A_1147 = math.erf %add3A_1146 : vector<512x200xf32>
    %add3A_1148 = arith.constant 1.000000e+00 : f32
    %add3A_1149 = vector.broadcast %add3A_1148 : f32 to vector<512x200xf32>
    %add3A_1150 = arith.addf %add3A_1149, %erf3A_1147 : vector<512x200xf32>
    %mul3A_1151 = arith.mulf %add3A_1146, %add3A_1150 : vector<512x200xf32>
    %get3A_1152 = arith.constant 23 : index
    %get3A_1153 = arith.constant 0 : index
    %get3A_1154 = memref.load %arg9[%get3A_1152, %get3A_1153] : memref<32x2xf32, #tpu.memory_space<smem>>
    %mul3A_1155 = arith.constant 0.707106769 : f32
    %mul3A_1156 = arith.mulf %get3A_1154, %mul3A_1155 : f32
    %mul3A_1157 = vector.broadcast %mul3A_1156 : f32 to vector<512x200xf32>
    %mul3A_1158 = arith.mulf %mul3A_1151, %mul3A_1157 : vector<512x200xf32>
    %add3A_1159 = arith.addf %add3A_1111, %mul3A_1158 : vector<512x200xf32>
    %get3A_1160 = arith.constant 23 : index
    %get3A_1161 = arith.constant 1 : index
    %get3A_1162 = memref.load %arg9[%get3A_1160, %get3A_1161] : memref<32x2xf32, #tpu.memory_space<smem>>
    %mul3A_1163 = arith.constant 0.707106769 : f32
    %mul3A_1164 = arith.mulf %get3A_1162, %mul3A_1163 : f32
    %mul3A_1165 = vector.broadcast %mul3A_1164 : f32 to vector<512x200xf32>
    %mul3A_1166 = arith.mulf %mul3A_1151, %mul3A_1165 : vector<512x200xf32>
    %add3A_1167 = arith.addf %add3A_1119, %mul3A_1166 : vector<512x200xf32>
    %get3A_1168 = arith.constant 0 : index
    %get3A_1169 = arith.constant 24 : index
    %get3A_1170 = memref.load %arg7[%get3A_1168, %get3A_1169] : memref<3x32xf32, #tpu.memory_space<smem>>
    %mul3A_1171 = arith.constant 0.707106769 : f32
    %mul3A_1172 = arith.mulf %get3A_1170, %mul3A_1171 : f32
    %mul3A_1173 = vector.broadcast %mul3A_1172 : f32 to vector<512x200xf32>
    %mul3A_1174 = arith.mulf %get3A_4, %mul3A_1173 : vector<512x200xf32>
    %get3A_1175 = arith.constant 1 : index
    %get3A_1176 = arith.constant 24 : index
    %get3A_1177 = memref.load %arg7[%get3A_1175, %get3A_1176] : memref<3x32xf32, #tpu.memory_space<smem>>
    %mul3A_1178 = vector.broadcast %get3A_1177 : f32 to vector<512x200xf32>
    %mul3A_1179 = arith.mulf %mul3A_9, %mul3A_1178 : vector<512x200xf32>
    %add3A_1180 = arith.addf %mul3A_1174, %mul3A_1179 : vector<512x200xf32>
    %get3A_1181 = arith.constant 2 : index
    %get3A_1182 = arith.constant 24 : index
    %get3A_1183 = memref.load %arg7[%get3A_1181, %get3A_1182] : memref<3x32xf32, #tpu.memory_space<smem>>
    %mul3A_1184 = arith.constant 0.707106769 : f32
    %mul3A_1185 = arith.mulf %get3A_1183, %mul3A_1184 : f32
    %mul3A_1186 = vector.broadcast %mul3A_1185 : f32 to vector<512x200xf32>
    %mul3A_1187 = arith.mulf %get3A_12, %mul3A_1186 : vector<512x200xf32>
    %add3A_1188 = arith.addf %add3A_1180, %mul3A_1187 : vector<512x200xf32>
    %get3A_1189 = arith.constant 24 : index
    %get3A_1190 = memref.load %arg8[%get3A_1189] : memref<32xf32, #tpu.memory_space<smem>>
    %mul3A_1191 = arith.constant 0.707106769 : f32
    %mul3A_1192 = arith.mulf %get3A_1190, %mul3A_1191 : f32
    %add3A_1193 = vector.broadcast %mul3A_1192 : f32 to vector<512x200xf32>
    %add3A_1194 = arith.addf %add3A_1188, %add3A_1193 : vector<512x200xf32>
    %erf3A_1195 = math.erf %add3A_1194 : vector<512x200xf32>
    %add3A_1196 = arith.constant 1.000000e+00 : f32
    %add3A_1197 = vector.broadcast %add3A_1196 : f32 to vector<512x200xf32>
    %add3A_1198 = arith.addf %add3A_1197, %erf3A_1195 : vector<512x200xf32>
    %mul3A_1199 = arith.mulf %add3A_1194, %add3A_1198 : vector<512x200xf32>
    %get3A_1200 = arith.constant 24 : index
    %get3A_1201 = arith.constant 0 : index
    %get3A_1202 = memref.load %arg9[%get3A_1200, %get3A_1201] : memref<32x2xf32, #tpu.memory_space<smem>>
    %mul3A_1203 = arith.constant 0.707106769 : f32
    %mul3A_1204 = arith.mulf %get3A_1202, %mul3A_1203 : f32
    %mul3A_1205 = vector.broadcast %mul3A_1204 : f32 to vector<512x200xf32>
    %mul3A_1206 = arith.mulf %mul3A_1199, %mul3A_1205 : vector<512x200xf32>
    %add3A_1207 = arith.addf %add3A_1159, %mul3A_1206 : vector<512x200xf32>
    %get3A_1208 = arith.constant 24 : index
    %get3A_1209 = arith.constant 1 : index
    %get3A_1210 = memref.load %arg9[%get3A_1208, %get3A_1209] : memref<32x2xf32, #tpu.memory_space<smem>>
    %mul3A_1211 = arith.constant 0.707106769 : f32
    %mul3A_1212 = arith.mulf %get3A_1210, %mul3A_1211 : f32
    %mul3A_1213 = vector.broadcast %mul3A_1212 : f32 to vector<512x200xf32>
    %mul3A_1214 = arith.mulf %mul3A_1199, %mul3A_1213 : vector<512x200xf32>
    %add3A_1215 = arith.addf %add3A_1167, %mul3A_1214 : vector<512x200xf32>
    %get3A_1216 = arith.constant 0 : index
    %get3A_1217 = arith.constant 25 : index
    %get3A_1218 = memref.load %arg7[%get3A_1216, %get3A_1217] : memref<3x32xf32, #tpu.memory_space<smem>>
    %mul3A_1219 = arith.constant 0.707106769 : f32
    %mul3A_1220 = arith.mulf %get3A_1218, %mul3A_1219 : f32
    %mul3A_1221 = vector.broadcast %mul3A_1220 : f32 to vector<512x200xf32>
    %mul3A_1222 = arith.mulf %get3A_4, %mul3A_1221 : vector<512x200xf32>
    %get3A_1223 = arith.constant 1 : index
    %get3A_1224 = arith.constant 25 : index
    %get3A_1225 = memref.load %arg7[%get3A_1223, %get3A_1224] : memref<3x32xf32, #tpu.memory_space<smem>>
    %mul3A_1226 = vector.broadcast %get3A_1225 : f32 to vector<512x200xf32>
    %mul3A_1227 = arith.mulf %mul3A_9, %mul3A_1226 : vector<512x200xf32>
    %add3A_1228 = arith.addf %mul3A_1222, %mul3A_1227 : vector<512x200xf32>
    %get3A_1229 = arith.constant 2 : index
    %get3A_1230 = arith.constant 25 : index
    %get3A_1231 = memref.load %arg7[%get3A_1229, %get3A_1230] : memref<3x32xf32, #tpu.memory_space<smem>>
    %mul3A_1232 = arith.constant 0.707106769 : f32
    %mul3A_1233 = arith.mulf %get3A_1231, %mul3A_1232 : f32
    %mul3A_1234 = vector.broadcast %mul3A_1233 : f32 to vector<512x200xf32>
    %mul3A_1235 = arith.mulf %get3A_12, %mul3A_1234 : vector<512x200xf32>
    %add3A_1236 = arith.addf %add3A_1228, %mul3A_1235 : vector<512x200xf32>
    %get3A_1237 = arith.constant 25 : index
    %get3A_1238 = memref.load %arg8[%get3A_1237] : memref<32xf32, #tpu.memory_space<smem>>
    %mul3A_1239 = arith.constant 0.707106769 : f32
    %mul3A_1240 = arith.mulf %get3A_1238, %mul3A_1239 : f32
    %add3A_1241 = vector.broadcast %mul3A_1240 : f32 to vector<512x200xf32>
    %add3A_1242 = arith.addf %add3A_1236, %add3A_1241 : vector<512x200xf32>
    %erf3A_1243 = math.erf %add3A_1242 : vector<512x200xf32>
    %add3A_1244 = arith.constant 1.000000e+00 : f32
    %add3A_1245 = vector.broadcast %add3A_1244 : f32 to vector<512x200xf32>
    %add3A_1246 = arith.addf %add3A_1245, %erf3A_1243 : vector<512x200xf32>
    %mul3A_1247 = arith.mulf %add3A_1242, %add3A_1246 : vector<512x200xf32>
    %get3A_1248 = arith.constant 25 : index
    %get3A_1249 = arith.constant 0 : index
    %get3A_1250 = memref.load %arg9[%get3A_1248, %get3A_1249] : memref<32x2xf32, #tpu.memory_space<smem>>
    %mul3A_1251 = arith.constant 0.707106769 : f32
    %mul3A_1252 = arith.mulf %get3A_1250, %mul3A_1251 : f32
    %mul3A_1253 = vector.broadcast %mul3A_1252 : f32 to vector<512x200xf32>
    %mul3A_1254 = arith.mulf %mul3A_1247, %mul3A_1253 : vector<512x200xf32>
    %add3A_1255 = arith.addf %add3A_1207, %mul3A_1254 : vector<512x200xf32>
    %get3A_1256 = arith.constant 25 : index
    %get3A_1257 = arith.constant 1 : index
    %get3A_1258 = memref.load %arg9[%get3A_1256, %get3A_1257] : memref<32x2xf32, #tpu.memory_space<smem>>
    %mul3A_1259 = arith.constant 0.707106769 : f32
    %mul3A_1260 = arith.mulf %get3A_1258, %mul3A_1259 : f32
    %mul3A_1261 = vector.broadcast %mul3A_1260 : f32 to vector<512x200xf32>
    %mul3A_1262 = arith.mulf %mul3A_1247, %mul3A_1261 : vector<512x200xf32>
    %add3A_1263 = arith.addf %add3A_1215, %mul3A_1262 : vector<512x200xf32>
    %get3A_1264 = arith.constant 0 : index
    %get3A_1265 = arith.constant 26 : index
    %get3A_1266 = memref.load %arg7[%get3A_1264, %get3A_1265] : memref<3x32xf32, #tpu.memory_space<smem>>
    %mul3A_1267 = arith.constant 0.707106769 : f32
    %mul3A_1268 = arith.mulf %get3A_1266, %mul3A_1267 : f32
    %mul3A_1269 = vector.broadcast %mul3A_1268 : f32 to vector<512x200xf32>
    %mul3A_1270 = arith.mulf %get3A_4, %mul3A_1269 : vector<512x200xf32>
    %get3A_1271 = arith.constant 1 : index
    %get3A_1272 = arith.constant 26 : index
    %get3A_1273 = memref.load %arg7[%get3A_1271, %get3A_1272] : memref<3x32xf32, #tpu.memory_space<smem>>
    %mul3A_1274 = vector.broadcast %get3A_1273 : f32 to vector<512x200xf32>
    %mul3A_1275 = arith.mulf %mul3A_9, %mul3A_1274 : vector<512x200xf32>
    %add3A_1276 = arith.addf %mul3A_1270, %mul3A_1275 : vector<512x200xf32>
    %get3A_1277 = arith.constant 2 : index
    %get3A_1278 = arith.constant 26 : index
    %get3A_1279 = memref.load %arg7[%get3A_1277, %get3A_1278] : memref<3x32xf32, #tpu.memory_space<smem>>
    %mul3A_1280 = arith.constant 0.707106769 : f32
    %mul3A_1281 = arith.mulf %get3A_1279, %mul3A_1280 : f32
    %mul3A_1282 = vector.broadcast %mul3A_1281 : f32 to vector<512x200xf32>
    %mul3A_1283 = arith.mulf %get3A_12, %mul3A_1282 : vector<512x200xf32>
    %add3A_1284 = arith.addf %add3A_1276, %mul3A_1283 : vector<512x200xf32>
    %get3A_1285 = arith.constant 26 : index
    %get3A_1286 = memref.load %arg8[%get3A_1285] : memref<32xf32, #tpu.memory_space<smem>>
    %mul3A_1287 = arith.constant 0.707106769 : f32
    %mul3A_1288 = arith.mulf %get3A_1286, %mul3A_1287 : f32
    %add3A_1289 = vector.broadcast %mul3A_1288 : f32 to vector<512x200xf32>
    %add3A_1290 = arith.addf %add3A_1284, %add3A_1289 : vector<512x200xf32>
    %erf3A_1291 = math.erf %add3A_1290 : vector<512x200xf32>
    %add3A_1292 = arith.constant 1.000000e+00 : f32
    %add3A_1293 = vector.broadcast %add3A_1292 : f32 to vector<512x200xf32>
    %add3A_1294 = arith.addf %add3A_1293, %erf3A_1291 : vector<512x200xf32>
    %mul3A_1295 = arith.mulf %add3A_1290, %add3A_1294 : vector<512x200xf32>
    %get3A_1296 = arith.constant 26 : index
    %get3A_1297 = arith.constant 0 : index
    %get3A_1298 = memref.load %arg9[%get3A_1296, %get3A_1297] : memref<32x2xf32, #tpu.memory_space<smem>>
    %mul3A_1299 = arith.constant 0.707106769 : f32
    %mul3A_1300 = arith.mulf %get3A_1298, %mul3A_1299 : f32
    %mul3A_1301 = vector.broadcast %mul3A_1300 : f32 to vector<512x200xf32>
    %mul3A_1302 = arith.mulf %mul3A_1295, %mul3A_1301 : vector<512x200xf32>
    %add3A_1303 = arith.addf %add3A_1255, %mul3A_1302 : vector<512x200xf32>
    %get3A_1304 = arith.constant 26 : index
    %get3A_1305 = arith.constant 1 : index
    %get3A_1306 = memref.load %arg9[%get3A_1304, %get3A_1305] : memref<32x2xf32, #tpu.memory_space<smem>>
    %mul3A_1307 = arith.constant 0.707106769 : f32
    %mul3A_1308 = arith.mulf %get3A_1306, %mul3A_1307 : f32
    %mul3A_1309 = vector.broadcast %mul3A_1308 : f32 to vector<512x200xf32>
    %mul3A_1310 = arith.mulf %mul3A_1295, %mul3A_1309 : vector<512x200xf32>
    %add3A_1311 = arith.addf %add3A_1263, %mul3A_1310 : vector<512x200xf32>
    %get3A_1312 = arith.constant 0 : index
    %get3A_1313 = arith.constant 27 : index
    %get3A_1314 = memref.load %arg7[%get3A_1312, %get3A_1313] : memref<3x32xf32, #tpu.memory_space<smem>>
    %mul3A_1315 = arith.constant 0.707106769 : f32
    %mul3A_1316 = arith.mulf %get3A_1314, %mul3A_1315 : f32
    %mul3A_1317 = vector.broadcast %mul3A_1316 : f32 to vector<512x200xf32>
    %mul3A_1318 = arith.mulf %get3A_4, %mul3A_1317 : vector<512x200xf32>
    %get3A_1319 = arith.constant 1 : index
    %get3A_1320 = arith.constant 27 : index
    %get3A_1321 = memref.load %arg7[%get3A_1319, %get3A_1320] : memref<3x32xf32, #tpu.memory_space<smem>>
    %mul3A_1322 = vector.broadcast %get3A_1321 : f32 to vector<512x200xf32>
    %mul3A_1323 = arith.mulf %mul3A_9, %mul3A_1322 : vector<512x200xf32>
    %add3A_1324 = arith.addf %mul3A_1318, %mul3A_1323 : vector<512x200xf32>
    %get3A_1325 = arith.constant 2 : index
    %get3A_1326 = arith.constant 27 : index
    %get3A_1327 = memref.load %arg7[%get3A_1325, %get3A_1326] : memref<3x32xf32, #tpu.memory_space<smem>>
    %mul3A_1328 = arith.constant 0.707106769 : f32
    %mul3A_1329 = arith.mulf %get3A_1327, %mul3A_1328 : f32
    %mul3A_1330 = vector.broadcast %mul3A_1329 : f32 to vector<512x200xf32>
    %mul3A_1331 = arith.mulf %get3A_12, %mul3A_1330 : vector<512x200xf32>
    %add3A_1332 = arith.addf %add3A_1324, %mul3A_1331 : vector<512x200xf32>
    %get3A_1333 = arith.constant 27 : index
    %get3A_1334 = memref.load %arg8[%get3A_1333] : memref<32xf32, #tpu.memory_space<smem>>
    %mul3A_1335 = arith.constant 0.707106769 : f32
    %mul3A_1336 = arith.mulf %get3A_1334, %mul3A_1335 : f32
    %add3A_1337 = vector.broadcast %mul3A_1336 : f32 to vector<512x200xf32>
    %add3A_1338 = arith.addf %add3A_1332, %add3A_1337 : vector<512x200xf32>
    %erf3A_1339 = math.erf %add3A_1338 : vector<512x200xf32>
    %add3A_1340 = arith.constant 1.000000e+00 : f32
    %add3A_1341 = vector.broadcast %add3A_1340 : f32 to vector<512x200xf32>
    %add3A_1342 = arith.addf %add3A_1341, %erf3A_1339 : vector<512x200xf32>
    %mul3A_1343 = arith.mulf %add3A_1338, %add3A_1342 : vector<512x200xf32>
    %get3A_1344 = arith.constant 27 : index
    %get3A_1345 = arith.constant 0 : index
    %get3A_1346 = memref.load %arg9[%get3A_1344, %get3A_1345] : memref<32x2xf32, #tpu.memory_space<smem>>
    %mul3A_1347 = arith.constant 0.707106769 : f32
    %mul3A_1348 = arith.mulf %get3A_1346, %mul3A_1347 : f32
    %mul3A_1349 = vector.broadcast %mul3A_1348 : f32 to vector<512x200xf32>
    %mul3A_1350 = arith.mulf %mul3A_1343, %mul3A_1349 : vector<512x200xf32>
    %add3A_1351 = arith.addf %add3A_1303, %mul3A_1350 : vector<512x200xf32>
    %get3A_1352 = arith.constant 27 : index
    %get3A_1353 = arith.constant 1 : index
    %get3A_1354 = memref.load %arg9[%get3A_1352, %get3A_1353] : memref<32x2xf32, #tpu.memory_space<smem>>
    %mul3A_1355 = arith.constant 0.707106769 : f32
    %mul3A_1356 = arith.mulf %get3A_1354, %mul3A_1355 : f32
    %mul3A_1357 = vector.broadcast %mul3A_1356 : f32 to vector<512x200xf32>
    %mul3A_1358 = arith.mulf %mul3A_1343, %mul3A_1357 : vector<512x200xf32>
    %add3A_1359 = arith.addf %add3A_1311, %mul3A_1358 : vector<512x200xf32>
    %get3A_1360 = arith.constant 0 : index
    %get3A_1361 = arith.constant 28 : index
    %get3A_1362 = memref.load %arg7[%get3A_1360, %get3A_1361] : memref<3x32xf32, #tpu.memory_space<smem>>
    %mul3A_1363 = arith.constant 0.707106769 : f32
    %mul3A_1364 = arith.mulf %get3A_1362, %mul3A_1363 : f32
    %mul3A_1365 = vector.broadcast %mul3A_1364 : f32 to vector<512x200xf32>
    %mul3A_1366 = arith.mulf %get3A_4, %mul3A_1365 : vector<512x200xf32>
    %get3A_1367 = arith.constant 1 : index
    %get3A_1368 = arith.constant 28 : index
    %get3A_1369 = memref.load %arg7[%get3A_1367, %get3A_1368] : memref<3x32xf32, #tpu.memory_space<smem>>
    %mul3A_1370 = vector.broadcast %get3A_1369 : f32 to vector<512x200xf32>
    %mul3A_1371 = arith.mulf %mul3A_9, %mul3A_1370 : vector<512x200xf32>
    %add3A_1372 = arith.addf %mul3A_1366, %mul3A_1371 : vector<512x200xf32>
    %get3A_1373 = arith.constant 2 : index
    %get3A_1374 = arith.constant 28 : index
    %get3A_1375 = memref.load %arg7[%get3A_1373, %get3A_1374] : memref<3x32xf32, #tpu.memory_space<smem>>
    %mul3A_1376 = arith.constant 0.707106769 : f32
    %mul3A_1377 = arith.mulf %get3A_1375, %mul3A_1376 : f32
    %mul3A_1378 = vector.broadcast %mul3A_1377 : f32 to vector<512x200xf32>
    %mul3A_1379 = arith.mulf %get3A_12, %mul3A_1378 : vector<512x200xf32>
    %add3A_1380 = arith.addf %add3A_1372, %mul3A_1379 : vector<512x200xf32>
    %get3A_1381 = arith.constant 28 : index
    %get3A_1382 = memref.load %arg8[%get3A_1381] : memref<32xf32, #tpu.memory_space<smem>>
    %mul3A_1383 = arith.constant 0.707106769 : f32
    %mul3A_1384 = arith.mulf %get3A_1382, %mul3A_1383 : f32
    %add3A_1385 = vector.broadcast %mul3A_1384 : f32 to vector<512x200xf32>
    %add3A_1386 = arith.addf %add3A_1380, %add3A_1385 : vector<512x200xf32>
    %erf3A_1387 = math.erf %add3A_1386 : vector<512x200xf32>
    %add3A_1388 = arith.constant 1.000000e+00 : f32
    %add3A_1389 = vector.broadcast %add3A_1388 : f32 to vector<512x200xf32>
    %add3A_1390 = arith.addf %add3A_1389, %erf3A_1387 : vector<512x200xf32>
    %mul3A_1391 = arith.mulf %add3A_1386, %add3A_1390 : vector<512x200xf32>
    %get3A_1392 = arith.constant 28 : index
    %get3A_1393 = arith.constant 0 : index
    %get3A_1394 = memref.load %arg9[%get3A_1392, %get3A_1393] : memref<32x2xf32, #tpu.memory_space<smem>>
    %mul3A_1395 = arith.constant 0.707106769 : f32
    %mul3A_1396 = arith.mulf %get3A_1394, %mul3A_1395 : f32
    %mul3A_1397 = vector.broadcast %mul3A_1396 : f32 to vector<512x200xf32>
    %mul3A_1398 = arith.mulf %mul3A_1391, %mul3A_1397 : vector<512x200xf32>
    %add3A_1399 = arith.addf %add3A_1351, %mul3A_1398 : vector<512x200xf32>
    %get3A_1400 = arith.constant 28 : index
    %get3A_1401 = arith.constant 1 : index
    %get3A_1402 = memref.load %arg9[%get3A_1400, %get3A_1401] : memref<32x2xf32, #tpu.memory_space<smem>>
    %mul3A_1403 = arith.constant 0.707106769 : f32
    %mul3A_1404 = arith.mulf %get3A_1402, %mul3A_1403 : f32
    %mul3A_1405 = vector.broadcast %mul3A_1404 : f32 to vector<512x200xf32>
    %mul3A_1406 = arith.mulf %mul3A_1391, %mul3A_1405 : vector<512x200xf32>
    %add3A_1407 = arith.addf %add3A_1359, %mul3A_1406 : vector<512x200xf32>
    %get3A_1408 = arith.constant 0 : index
    %get3A_1409 = arith.constant 29 : index
    %get3A_1410 = memref.load %arg7[%get3A_1408, %get3A_1409] : memref<3x32xf32, #tpu.memory_space<smem>>
    %mul3A_1411 = arith.constant 0.707106769 : f32
    %mul3A_1412 = arith.mulf %get3A_1410, %mul3A_1411 : f32
    %mul3A_1413 = vector.broadcast %mul3A_1412 : f32 to vector<512x200xf32>
    %mul3A_1414 = arith.mulf %get3A_4, %mul3A_1413 : vector<512x200xf32>
    %get3A_1415 = arith.constant 1 : index
    %get3A_1416 = arith.constant 29 : index
    %get3A_1417 = memref.load %arg7[%get3A_1415, %get3A_1416] : memref<3x32xf32, #tpu.memory_space<smem>>
    %mul3A_1418 = vector.broadcast %get3A_1417 : f32 to vector<512x200xf32>
    %mul3A_1419 = arith.mulf %mul3A_9, %mul3A_1418 : vector<512x200xf32>
    %add3A_1420 = arith.addf %mul3A_1414, %mul3A_1419 : vector<512x200xf32>
    %get3A_1421 = arith.constant 2 : index
    %get3A_1422 = arith.constant 29 : index
    %get3A_1423 = memref.load %arg7[%get3A_1421, %get3A_1422] : memref<3x32xf32, #tpu.memory_space<smem>>
    %mul3A_1424 = arith.constant 0.707106769 : f32
    %mul3A_1425 = arith.mulf %get3A_1423, %mul3A_1424 : f32
    %mul3A_1426 = vector.broadcast %mul3A_1425 : f32 to vector<512x200xf32>
    %mul3A_1427 = arith.mulf %get3A_12, %mul3A_1426 : vector<512x200xf32>
    %add3A_1428 = arith.addf %add3A_1420, %mul3A_1427 : vector<512x200xf32>
    %get3A_1429 = arith.constant 29 : index
    %get3A_1430 = memref.load %arg8[%get3A_1429] : memref<32xf32, #tpu.memory_space<smem>>
    %mul3A_1431 = arith.constant 0.707106769 : f32
    %mul3A_1432 = arith.mulf %get3A_1430, %mul3A_1431 : f32
    %add3A_1433 = vector.broadcast %mul3A_1432 : f32 to vector<512x200xf32>
    %add3A_1434 = arith.addf %add3A_1428, %add3A_1433 : vector<512x200xf32>
    %erf3A_1435 = math.erf %add3A_1434 : vector<512x200xf32>
    %add3A_1436 = arith.constant 1.000000e+00 : f32
    %add3A_1437 = vector.broadcast %add3A_1436 : f32 to vector<512x200xf32>
    %add3A_1438 = arith.addf %add3A_1437, %erf3A_1435 : vector<512x200xf32>
    %mul3A_1439 = arith.mulf %add3A_1434, %add3A_1438 : vector<512x200xf32>
    %get3A_1440 = arith.constant 29 : index
    %get3A_1441 = arith.constant 0 : index
    %get3A_1442 = memref.load %arg9[%get3A_1440, %get3A_1441] : memref<32x2xf32, #tpu.memory_space<smem>>
    %mul3A_1443 = arith.constant 0.707106769 : f32
    %mul3A_1444 = arith.mulf %get3A_1442, %mul3A_1443 : f32
    %mul3A_1445 = vector.broadcast %mul3A_1444 : f32 to vector<512x200xf32>
    %mul3A_1446 = arith.mulf %mul3A_1439, %mul3A_1445 : vector<512x200xf32>
    %add3A_1447 = arith.addf %add3A_1399, %mul3A_1446 : vector<512x200xf32>
    %get3A_1448 = arith.constant 29 : index
    %get3A_1449 = arith.constant 1 : index
    %get3A_1450 = memref.load %arg9[%get3A_1448, %get3A_1449] : memref<32x2xf32, #tpu.memory_space<smem>>
    %mul3A_1451 = arith.constant 0.707106769 : f32
    %mul3A_1452 = arith.mulf %get3A_1450, %mul3A_1451 : f32
    %mul3A_1453 = vector.broadcast %mul3A_1452 : f32 to vector<512x200xf32>
    %mul3A_1454 = arith.mulf %mul3A_1439, %mul3A_1453 : vector<512x200xf32>
    %add3A_1455 = arith.addf %add3A_1407, %mul3A_1454 : vector<512x200xf32>
    %get3A_1456 = arith.constant 0 : index
    %get3A_1457 = arith.constant 30 : index
    %get3A_1458 = memref.load %arg7[%get3A_1456, %get3A_1457] : memref<3x32xf32, #tpu.memory_space<smem>>
    %mul3A_1459 = arith.constant 0.707106769 : f32
    %mul3A_1460 = arith.mulf %get3A_1458, %mul3A_1459 : f32
    %mul3A_1461 = vector.broadcast %mul3A_1460 : f32 to vector<512x200xf32>
    %mul3A_1462 = arith.mulf %get3A_4, %mul3A_1461 : vector<512x200xf32>
    %get3A_1463 = arith.constant 1 : index
    %get3A_1464 = arith.constant 30 : index
    %get3A_1465 = memref.load %arg7[%get3A_1463, %get3A_1464] : memref<3x32xf32, #tpu.memory_space<smem>>
    %mul3A_1466 = vector.broadcast %get3A_1465 : f32 to vector<512x200xf32>
    %mul3A_1467 = arith.mulf %mul3A_9, %mul3A_1466 : vector<512x200xf32>
    %add3A_1468 = arith.addf %mul3A_1462, %mul3A_1467 : vector<512x200xf32>
    %get3A_1469 = arith.constant 2 : index
    %get3A_1470 = arith.constant 30 : index
    %get3A_1471 = memref.load %arg7[%get3A_1469, %get3A_1470] : memref<3x32xf32, #tpu.memory_space<smem>>
    %mul3A_1472 = arith.constant 0.707106769 : f32
    %mul3A_1473 = arith.mulf %get3A_1471, %mul3A_1472 : f32
    %mul3A_1474 = vector.broadcast %mul3A_1473 : f32 to vector<512x200xf32>
    %mul3A_1475 = arith.mulf %get3A_12, %mul3A_1474 : vector<512x200xf32>
    %add3A_1476 = arith.addf %add3A_1468, %mul3A_1475 : vector<512x200xf32>
    %get3A_1477 = arith.constant 30 : index
    %get3A_1478 = memref.load %arg8[%get3A_1477] : memref<32xf32, #tpu.memory_space<smem>>
    %mul3A_1479 = arith.constant 0.707106769 : f32
    %mul3A_1480 = arith.mulf %get3A_1478, %mul3A_1479 : f32
    %add3A_1481 = vector.broadcast %mul3A_1480 : f32 to vector<512x200xf32>
    %add3A_1482 = arith.addf %add3A_1476, %add3A_1481 : vector<512x200xf32>
    %erf3A_1483 = math.erf %add3A_1482 : vector<512x200xf32>
    %add3A_1484 = arith.constant 1.000000e+00 : f32
    %add3A_1485 = vector.broadcast %add3A_1484 : f32 to vector<512x200xf32>
    %add3A_1486 = arith.addf %add3A_1485, %erf3A_1483 : vector<512x200xf32>
    %mul3A_1487 = arith.mulf %add3A_1482, %add3A_1486 : vector<512x200xf32>
    %get3A_1488 = arith.constant 30 : index
    %get3A_1489 = arith.constant 0 : index
    %get3A_1490 = memref.load %arg9[%get3A_1488, %get3A_1489] : memref<32x2xf32, #tpu.memory_space<smem>>
    %mul3A_1491 = arith.constant 0.707106769 : f32
    %mul3A_1492 = arith.mulf %get3A_1490, %mul3A_1491 : f32
    %mul3A_1493 = vector.broadcast %mul3A_1492 : f32 to vector<512x200xf32>
    %mul3A_1494 = arith.mulf %mul3A_1487, %mul3A_1493 : vector<512x200xf32>
    %add3A_1495 = arith.addf %add3A_1447, %mul3A_1494 : vector<512x200xf32>
    %get3A_1496 = arith.constant 30 : index
    %get3A_1497 = arith.constant 1 : index
    %get3A_1498 = memref.load %arg9[%get3A_1496, %get3A_1497] : memref<32x2xf32, #tpu.memory_space<smem>>
    %mul3A_1499 = arith.constant 0.707106769 : f32
    %mul3A_1500 = arith.mulf %get3A_1498, %mul3A_1499 : f32
    %mul3A_1501 = vector.broadcast %mul3A_1500 : f32 to vector<512x200xf32>
    %mul3A_1502 = arith.mulf %mul3A_1487, %mul3A_1501 : vector<512x200xf32>
    %add3A_1503 = arith.addf %add3A_1455, %mul3A_1502 : vector<512x200xf32>
    %get3A_1504 = arith.constant 0 : index
    %get3A_1505 = arith.constant 31 : index
    %get3A_1506 = memref.load %arg7[%get3A_1504, %get3A_1505] : memref<3x32xf32, #tpu.memory_space<smem>>
    %mul3A_1507 = arith.constant 0.707106769 : f32
    %mul3A_1508 = arith.mulf %get3A_1506, %mul3A_1507 : f32
    %mul3A_1509 = vector.broadcast %mul3A_1508 : f32 to vector<512x200xf32>
    %mul3A_1510 = arith.mulf %get3A_4, %mul3A_1509 : vector<512x200xf32>
    %get3A_1511 = arith.constant 1 : index
    %get3A_1512 = arith.constant 31 : index
    %get3A_1513 = memref.load %arg7[%get3A_1511, %get3A_1512] : memref<3x32xf32, #tpu.memory_space<smem>>
    %mul3A_1514 = vector.broadcast %get3A_1513 : f32 to vector<512x200xf32>
    %mul3A_1515 = arith.mulf %mul3A_9, %mul3A_1514 : vector<512x200xf32>
    %add3A_1516 = arith.addf %mul3A_1510, %mul3A_1515 : vector<512x200xf32>
    %get3A_1517 = arith.constant 2 : index
    %get3A_1518 = arith.constant 31 : index
    %get3A_1519 = memref.load %arg7[%get3A_1517, %get3A_1518] : memref<3x32xf32, #tpu.memory_space<smem>>
    %mul3A_1520 = arith.constant 0.707106769 : f32
    %mul3A_1521 = arith.mulf %get3A_1519, %mul3A_1520 : f32
    %mul3A_1522 = vector.broadcast %mul3A_1521 : f32 to vector<512x200xf32>
    %mul3A_1523 = arith.mulf %get3A_12, %mul3A_1522 : vector<512x200xf32>
    %add3A_1524 = arith.addf %add3A_1516, %mul3A_1523 : vector<512x200xf32>
    %get3A_1525 = arith.constant 31 : index
    %get3A_1526 = memref.load %arg8[%get3A_1525] : memref<32xf32, #tpu.memory_space<smem>>
    %mul3A_1527 = arith.constant 0.707106769 : f32
    %mul3A_1528 = arith.mulf %get3A_1526, %mul3A_1527 : f32
    %add3A_1529 = vector.broadcast %mul3A_1528 : f32 to vector<512x200xf32>
    %add3A_1530 = arith.addf %add3A_1524, %add3A_1529 : vector<512x200xf32>
    %erf3A_1531 = math.erf %add3A_1530 : vector<512x200xf32>
    %add3A_1532 = arith.constant 1.000000e+00 : f32
    %add3A_1533 = vector.broadcast %add3A_1532 : f32 to vector<512x200xf32>
    %add3A_1534 = arith.addf %add3A_1533, %erf3A_1531 : vector<512x200xf32>
    %mul3A_1535 = arith.mulf %add3A_1530, %add3A_1534 : vector<512x200xf32>
    %get3A_1536 = arith.constant 31 : index
    %get3A_1537 = arith.constant 0 : index
    %get3A_1538 = memref.load %arg9[%get3A_1536, %get3A_1537] : memref<32x2xf32, #tpu.memory_space<smem>>
    %mul3A_1539 = arith.constant 0.707106769 : f32
    %mul3A_1540 = arith.mulf %get3A_1538, %mul3A_1539 : f32
    %mul3A_1541 = vector.broadcast %mul3A_1540 : f32 to vector<512x200xf32>
    %mul3A_1542 = arith.mulf %mul3A_1535, %mul3A_1541 : vector<512x200xf32>
    %add3A_1543 = arith.addf %add3A_1495, %mul3A_1542 : vector<512x200xf32>
    %get3A_1544 = arith.constant 31 : index
    %get3A_1545 = arith.constant 1 : index
    %get3A_1546 = memref.load %arg9[%get3A_1544, %get3A_1545] : memref<32x2xf32, #tpu.memory_space<smem>>
    %mul3A_1547 = arith.constant 0.707106769 : f32
    %mul3A_1548 = arith.mulf %get3A_1546, %mul3A_1547 : f32
    %mul3A_1549 = vector.broadcast %mul3A_1548 : f32 to vector<512x200xf32>
    %mul3A_1550 = arith.mulf %mul3A_1535, %mul3A_1549 : vector<512x200xf32>
    %add3A_1551 = arith.addf %add3A_1503, %mul3A_1550 : vector<512x200xf32>
    %broadcast_in_dim3A_1552 = arith.constant 0.000000e+00 : f32
    %broadcast_in_dim3A_1553 = vector.broadcast %broadcast_in_dim3A_1552 : f32 to vector<512x200xf32>
    %broadcast_in_dim3A_1554 = arith.constant 0.000000e+00 : f32
    %broadcast_in_dim3A_1555 = vector.broadcast %broadcast_in_dim3A_1554 : f32 to vector<512x200xf32>
    %eq3A = arith.constant 0 : i32
    %eq3A_1556 = vector.broadcast %eq3A : i32 to vector<512x200xi32>
    %eq3A_1557 = arith.cmpi eq, %get3A_1, %eq3A_1556 : vector<512x200xi32>
    %get3A_1558 = arith.constant 0 : index
    %get3A_1559 = memref.load %arg5[%get3A_1558] : memref<6xf32, #tpu.memory_space<smem>>
    %broadcast_in_dim3A_1560 = vector.broadcast %get3A_1559 : f32 to vector<512x200xf32>
    %select_n3A = arith.select %eq3A_1557, %broadcast_in_dim3A_1560, %broadcast_in_dim3A_1553 : vector<512x200xi1>, vector<512x200xf32>
    %get3A_1561 = arith.constant 0 : index
    %get3A_1562 = memref.load %arg6[%get3A_1561] : memref<6xf32, #tpu.memory_space<smem>>
    %broadcast_in_dim3A_1563 = vector.broadcast %get3A_1562 : f32 to vector<512x200xf32>
    %select_n3A_1564 = arith.select %eq3A_1557, %broadcast_in_dim3A_1563, %broadcast_in_dim3A_1555 : vector<512x200xi1>, vector<512x200xf32>
    %eq3A_1565 = arith.constant 1 : i32
    %eq3A_1566 = vector.broadcast %eq3A_1565 : i32 to vector<512x200xi32>
    %eq3A_1567 = arith.cmpi eq, %get3A_1, %eq3A_1566 : vector<512x200xi32>
    %get3A_1568 = arith.constant 1 : index
    %get3A_1569 = memref.load %arg5[%get3A_1568] : memref<6xf32, #tpu.memory_space<smem>>
    %broadcast_in_dim3A_1570 = vector.broadcast %get3A_1569 : f32 to vector<512x200xf32>
    %select_n3A_1571 = arith.select %eq3A_1567, %broadcast_in_dim3A_1570, %select_n3A : vector<512x200xi1>, vector<512x200xf32>
    %get3A_1572 = arith.constant 1 : index
    %get3A_1573 = memref.load %arg6[%get3A_1572] : memref<6xf32, #tpu.memory_space<smem>>
    %broadcast_in_dim3A_1574 = vector.broadcast %get3A_1573 : f32 to vector<512x200xf32>
    %select_n3A_1575 = arith.select %eq3A_1567, %broadcast_in_dim3A_1574, %select_n3A_1564 : vector<512x200xi1>, vector<512x200xf32>
    %eq3A_1576 = arith.constant 2 : i32
    %eq3A_1577 = vector.broadcast %eq3A_1576 : i32 to vector<512x200xi32>
    %eq3A_1578 = arith.cmpi eq, %get3A_1, %eq3A_1577 : vector<512x200xi32>
    %get3A_1579 = arith.constant 2 : index
    %get3A_1580 = memref.load %arg5[%get3A_1579] : memref<6xf32, #tpu.memory_space<smem>>
    %broadcast_in_dim3A_1581 = vector.broadcast %get3A_1580 : f32 to vector<512x200xf32>
    %select_n3A_1582 = arith.select %eq3A_1578, %broadcast_in_dim3A_1581, %select_n3A_1571 : vector<512x200xi1>, vector<512x200xf32>
    %get3A_1583 = arith.constant 2 : index
    %get3A_1584 = memref.load %arg6[%get3A_1583] : memref<6xf32, #tpu.memory_space<smem>>
    %broadcast_in_dim3A_1585 = vector.broadcast %get3A_1584 : f32 to vector<512x200xf32>
    %select_n3A_1586 = arith.select %eq3A_1578, %broadcast_in_dim3A_1585, %select_n3A_1575 : vector<512x200xi1>, vector<512x200xf32>
    %eq3A_1587 = arith.constant 3 : i32
    %eq3A_1588 = vector.broadcast %eq3A_1587 : i32 to vector<512x200xi32>
    %eq3A_1589 = arith.cmpi eq, %get3A_1, %eq3A_1588 : vector<512x200xi32>
    %get3A_1590 = arith.constant 3 : index
    %get3A_1591 = memref.load %arg5[%get3A_1590] : memref<6xf32, #tpu.memory_space<smem>>
    %broadcast_in_dim3A_1592 = vector.broadcast %get3A_1591 : f32 to vector<512x200xf32>
    %select_n3A_1593 = arith.select %eq3A_1589, %broadcast_in_dim3A_1592, %select_n3A_1582 : vector<512x200xi1>, vector<512x200xf32>
    %get3A_1594 = arith.constant 3 : index
    %get3A_1595 = memref.load %arg6[%get3A_1594] : memref<6xf32, #tpu.memory_space<smem>>
    %broadcast_in_dim3A_1596 = vector.broadcast %get3A_1595 : f32 to vector<512x200xf32>
    %select_n3A_1597 = arith.select %eq3A_1589, %broadcast_in_dim3A_1596, %select_n3A_1586 : vector<512x200xi1>, vector<512x200xf32>
    %eq3A_1598 = arith.constant 4 : i32
    %eq3A_1599 = vector.broadcast %eq3A_1598 : i32 to vector<512x200xi32>
    %eq3A_1600 = arith.cmpi eq, %get3A_1, %eq3A_1599 : vector<512x200xi32>
    %get3A_1601 = arith.constant 4 : index
    %get3A_1602 = memref.load %arg5[%get3A_1601] : memref<6xf32, #tpu.memory_space<smem>>
    %broadcast_in_dim3A_1603 = vector.broadcast %get3A_1602 : f32 to vector<512x200xf32>
    %select_n3A_1604 = arith.select %eq3A_1600, %broadcast_in_dim3A_1603, %select_n3A_1593 : vector<512x200xi1>, vector<512x200xf32>
    %get3A_1605 = arith.constant 4 : index
    %get3A_1606 = memref.load %arg6[%get3A_1605] : memref<6xf32, #tpu.memory_space<smem>>
    %broadcast_in_dim3A_1607 = vector.broadcast %get3A_1606 : f32 to vector<512x200xf32>
    %select_n3A_1608 = arith.select %eq3A_1600, %broadcast_in_dim3A_1607, %select_n3A_1597 : vector<512x200xi1>, vector<512x200xf32>
    %eq3A_1609 = arith.constant 5 : i32
    %eq3A_1610 = vector.broadcast %eq3A_1609 : i32 to vector<512x200xi32>
    %eq3A_1611 = arith.cmpi eq, %get3A_1, %eq3A_1610 : vector<512x200xi32>
    %get3A_1612 = arith.constant 5 : index
    %get3A_1613 = memref.load %arg5[%get3A_1612] : memref<6xf32, #tpu.memory_space<smem>>
    %broadcast_in_dim3A_1614 = vector.broadcast %get3A_1613 : f32 to vector<512x200xf32>
    %select_n3A_1615 = arith.select %eq3A_1611, %broadcast_in_dim3A_1614, %select_n3A_1604 : vector<512x200xi1>, vector<512x200xf32>
    %get3A_1616 = arith.constant 5 : index
    %get3A_1617 = memref.load %arg6[%get3A_1616] : memref<6xf32, #tpu.memory_space<smem>>
    %broadcast_in_dim3A_1618 = vector.broadcast %get3A_1617 : f32 to vector<512x200xf32>
    %select_n3A_1619 = arith.select %eq3A_1611, %broadcast_in_dim3A_1618, %select_n3A_1608 : vector<512x200xi1>, vector<512x200xf32>
    %add3A_1620 = arith.addf %select_n3A_1615, %add3A_1543 : vector<512x200xf32>
    %max3A = arith.constant 0.000000e+00 : f32
    %max3A_1621 = vector.broadcast %max3A : f32 to vector<512x200xf32>
    %max3A_1622 = arith.maximumf %add3A_1620, %max3A_1621 : vector<512x200xf32>
    %swap3A = arith.constant 0 : index
    %swap3A_1623 = arith.constant 0 : index
    %swap3A_1624 = vector.load %arg11[%swap3A, %swap3A_1623] : memref<512x200xf32, #tpu.memory_space<vmem>>, vector<512x200xf32>
    tpu.vector_store %arg11[%swap3A, %swap3A_1623], %max3A_1622 {strides = array<i32>} : memref<512x200xf32, #tpu.memory_space<vmem>>, vector<512x200xf32>,
    %add3A_1625 = arith.addf %select_n3A_1619, %add3A_1551 : vector<512x200xf32>
    %max3A_1626 = arith.constant 0.000000e+00 : f32
    %max3A_1627 = vector.broadcast %max3A_1626 : f32 to vector<512x200xf32>
    %max3A_1628 = arith.maximumf %add3A_1625, %max3A_1627 : vector<512x200xf32>
    %swap3A_1629 = arith.constant 0 : index
    %swap3A_1630 = arith.constant 0 : index
    %swap3A_1631 = vector.load %arg12[%swap3A_1629, %swap3A_1630] : memref<512x200xf32, #tpu.memory_space<vmem>>, vector<512x200xf32>
    tpu.vector_store %arg12[%swap3A_1629, %swap3A_1630], %max3A_1628 {strides = array<i32>} : memref<512x200xf32, #tpu.memory_space<vmem>>, vector<512x200xf32>,
    return
  }
  func.func @transform_0(%arg0: i32) -> (i32, i32) {
    %c0_i32 = arith.constant 0 : i32
    %c0_i32_0 = arith.constant 0 : i32
    return %arg0, %c0_i32 : i32, i32
  }
  func.func @transform_1(%arg0: i32) -> (i32, i32) {
    %c0_i32 = arith.constant 0 : i32
    %c0_i32_0 = arith.constant 0 : i32
    return %arg0, %c0_i32 : i32, i32
  }
  func.func @transform_2(%arg0: i32) -> (i32, i32) {
    %c0_i32 = arith.constant 0 : i32
    %c0_i32_0 = arith.constant 0 : i32
    return %arg0, %c0_i32 : i32, i32
  }
  func.func @transform_3(%arg0: i32) -> (i32, i32) {
    %c0_i32 = arith.constant 0 : i32
    %c0_i32_0 = arith.constant 0 : i32
    return %arg0, %c0_i32 : i32, i32
  }
  func.func @transform_4(%arg0: i32) -> i32 {
    %c0_i32 = arith.constant 0 : i32
    %c0_i32_0 = arith.constant 0 : i32
    return %c0_i32 : i32
  }
  func.func @transform_5(%arg0: i32) -> i32 {
    %c0_i32 = arith.constant 0 : i32
    %c0_i32_0 = arith.constant 0 : i32
    return %c0_i32 : i32
  }
  func.func @transform_6(%arg0: i32) -> (i32, i32) {
    %c0_i32 = arith.constant 0 : i32
    %c0_i32_0 = arith.constant 0 : i32
    %c0_i32_1 = arith.constant 0 : i32
    return %c0_i32, %c0_i32_0 : i32, i32
  }
  func.func @transform_7(%arg0: i32) -> i32 {
    %c0_i32 = arith.constant 0 : i32
    %c0_i32_0 = arith.constant 0 : i32
    return %c0_i32 : i32
  }
  func.func @transform_8(%arg0: i32) -> (i32, i32) {
    %c0_i32 = arith.constant 0 : i32
    %c0_i32_0 = arith.constant 0 : i32
    %c0_i32_1 = arith.constant 0 : i32
    return %c0_i32, %c0_i32_0 : i32, i32
  }
  func.func @transform_9(%arg0: i32) -> i32 {
    %c0_i32 = arith.constant 0 : i32
    %c0_i32_0 = arith.constant 0 : i32
    return %c0_i32 : i32
  }
  func.func @transform_10(%arg0: i32) -> (i32, i32) {
    %c0_i32 = arith.constant 0 : i32
    %c0_i32_0 = arith.constant 0 : i32
    return %arg0, %c0_i32 : i32, i32
  }
  func.func @transform_11(%arg0: i32) -> (i32, i32) {
    %c0_i32 = arith.constant 0 : i32
    %c0_i32_0 = arith.constant 0 : i32
    return %arg0, %c0_i32 : i32, i32
  }
}

</mosaic_0001>

<sc_bundles>
// kernel: kernel.4.cloned.1.call-start
scs
__scs_entry_jumppad:
0x0: {  	(pc) =	sbr.rel $0x88, $3  }
0x1: {  	(tag) =	ssettag $0x0;
	lr =	simm.s32 $0x1  }
0x2: {  	[smem:$0x3F96] =	sst lr;
	_ =	strace $0xD0000000  }
0x3: {  	_ = 	snop  }
0x4: {  	_ = 	snop  }
0x5: {  	_ = 	snop  }
0x6: {  	_ = 	snop  }
0x7: {  	_ = 	snop  }
__scs_overlays_trampoline_lowered:
0x8: {  	[smem:$0x3FA5] =	sst s0  }
0x9: {  	[smem:$0x3FA6] =	sst s1  }
0xa: {  	[smem:$0x3FA7] =	sst s2  }
0xb: {  	[smem:$0x3FA8] =	sst s3  }
0xc: {  	[smem:$0x3FA9] =	sst s4  }
0xd: {  	[smem:$0x3FAA] =	sst s5  }
0xe: {  	[smem:$0x3FAB] =	sst s6  }
0xf: {  	[smem:$0x3FAC] =	sst s7  }
0x10: {  	[smem:$0x3FAD] =	sst s8  }
0x11: {  	[smem:$0x3FAE] =	sst s9;
	s0 =	simm.s32 @!p0 $0x0  }
0x12: {  	s1 =	sld [smem:$0x3F94];
	s0 =	simm.s32 @p0 $0x1  }
0x13: {  	[smem:$0x3FAF] =	sst s0;
	s0 =	simm.s32 @!p1 $0x0  }
0x14: {  	s2 =	sld [smem:$0x3F93];
	s0 =	simm.s32 @p1 $0x1  }
0x15: {  	[smem:$0x3FB0] =	sst s0;
	s0 =	simm.s32 @!p2 $0x0  }
0x16: {  	s3 =	sld [smem:$0x3FDB];
	s0 =	simm.s32 @p2 $0x1  }
0x17: {  	s4 =	simm.s32 $0x1BF5;
	[smem:$0x3FB2] =	sst s0  }
0x18: {  	s0 =	sld [smem:$0x3F95];
	_ =	swait.ge [sflag:s4], $0x0  }
0x19: {  	s7 =	sld [smem:$0x3F96]  }
0x1a: {  	s8 =	sadd.s32 $0xFFFFE003, lr  }
0x1b: {  	s9 =	sadd.s32 $0xFFFFFEF7, lr;
	s5 =	simm.s32 $0xFFFFFFFF;
	p2 =	slt.u32 s8, $0xFFFFF086  }
0x1c: {  	p1 =	slt.u32 s9, $0xF7A;
	s5 =	simm.s32 @!p2 $0x0  }
0x1d: {  	s5 =	simm.s32 @p1 $0x1;
	p0 =	seq.s32 s7, s2  }
0x1e: {  	s7 =	smul.u32 @!p0 $0xF7A, s2;
	p2 =	seq.s32 @!p0 s5, $0x0  }
0x1f: {  	s9 =	smul.u32 $0xF7A, s1;
	s8 =	simm.s32 @!p0 $0x1BF5;
	p2 =	por !p2, p0  }
0x20: {  	[sflag:s8] =	ssyncset.s32 @!p0 $0xFFFFF086;
	s6 =	sadd.s32 @!p0 s3, s7;
	s7 =	simm.s32 @!p0 $0x108  }
0x21: {  	s3 =	sadd.s32 s3, s9;
	s6 =	sadd.s32 @!p0 $0x88, s6;
	s7 =	simm.s32 @p2 $0x1082  }
0x22: {  	[simem:s7], [sflag:s8] =	dma.local @!p0 [hbm:s6], $0xF7A  }
0x23: {  	s9 =	sor.u32 $0xD0000000, s2;
	s6 =	simm.s32 $0x108;
	_ =	swait.ge @!p0 [sflag:s8], $0x0  }
0x24: {  	s3 =	sadd.s32 $0x88, s3;
	s6 =	simm.s32 @!p1 $0x1082;
	[sflag:s4] =	ssyncset.s32 $0xFFFFF086  }
0x25: {  	[simem:s6], [sflag:s4] =	dma.local [hbm:s3], $0xF7A  }
0x26: {  	[smem:$0x3F96] =	sst s1;
	(tag) =	ssettag s2;
	_ =	strace s9  }
0x27: {  	s1 =	sld [smem:$0x3FA6]  }
0x28: {  	s2 =	sld [smem:$0x3FA7]  }
0x29: {  	s4 =	sld [smem:$0x3FA9]  }
0x2a: {  	p0 =	seq.s32 s5, $0x0;
	s5 =	sld [smem:$0x3FAA]  }
0x2b: {  	s6 =	sld [smem:$0x3FAB]  }
0x2c: {  	s7 =	sld [smem:$0x3FAC]  }
0x2d: {  	s3 =	simm.s32 $0x108;
	s8 =	sld [smem:$0x3FAD]  }
0x2e: {  	s3 =	simm.s32 @!p0 $0x1082;
	s9 =	sld [smem:$0x3FAE]  }
0x2f: {  	lr =	sadd.s32 s0, s3;
	s0 =	sld [smem:$0x3FA5]  }
0x30: {  	s3 =	sld [smem:$0x3FA8]  }
0x31: {  	[smem:$0x3FB1] =	sst s10  }
0x32: {  	s10 =	sld [smem:$0x3FAF];
	_ =	sdelay $0x3  }
0x33: {  	p0 =	seq.s32 s10, $0x1;
	s10 =	sld [smem:$0x3FB1];
	_ =	sdelay $0x3  }
0x34: {  	[smem:$0x3FB1] =	sst s10  }
0x35: {  	s10 =	sld [smem:$0x3FB0];
	_ =	sdelay $0x3  }
0x36: {  	p1 =	seq.s32 s10, $0x1;
	s10 =	sld [smem:$0x3FB1];
	_ =	sdelay $0x3  }
0x37: {  	[smem:$0x3FB1] =	sst s10  }
0x38: {  	s10 =	sld [smem:$0x3FB2]  }
0x39: {  	_ = 	snop;
	(pc) =	sbr.ind lr, $3  }
0x3a: {  	_ = 	snop  }
0x3b: {  	_ = 	snop  }
0x3c: {  	p2 =	seq.s32 s10, $0x1;
	s10 =	sld [smem:$0x3FB1]  }
0x3d: {  	_ =	shalt  }
0x3e: {  	_ =	shalt  }
0x3f: {  	_ =	shalt  }
0x40: {  	_ =	shalt  }
0x41: {  	_ =	shalt  }
0x42: {  	_ =	shalt  }
0x43: {  	_ =	shalt  }
0x44: {  	_ =	shalt  }
0x45: {  	_ =	shalt  }
0x46: {  	_ =	shalt  }
0x47: {  	_ =	shalt  }
0x48: {  	_ =	shalt  }
0x49: {  	_ =	shalt  }
0x4a: {  	_ =	shalt  }
0x4b: {  	_ =	shalt  }
0x4c: {  	_ =	shalt  }
0x4d: {  	_ =	shalt  }
0x4e: {  	_ =	shalt  }
0x4f: {  	_ =	shalt  }
0x50: {  	_ =	shalt  }
0x51: {  	_ =	shalt  }
0x52: {  	_ =	shalt  }
0x53: {  	_ =	shalt  }
0x54: {  	_ =	shalt  }
0x55: {  	_ =	shalt  }
0x56: {  	_ =	shalt  }
0x57: {  	_ =	shalt  }
0x58: {  	_ =	shalt  }
0x59: {  	_ =	shalt  }
0x5a: {  	_ =	shalt  }
0x5b: {  	_ =	shalt  }
0x5c: {  	_ =	shalt  }
0x5d: {  	_ =	shalt  }
0x5e: {  	_ =	shalt  }
0x5f: {  	_ =	shalt  }
0x60: {  	_ =	shalt  }
0x61: {  	_ =	shalt  }
0x62: {  	_ =	shalt  }
0x63: {  	_ =	shalt  }
0x64: {  	_ =	shalt  }
0x65: {  	_ =	shalt  }
0x66: {  	_ =	shalt  }
0x67: {  	_ =	shalt  }
0x68: {  	_ =	shalt  }
0x69: {  	_ =	shalt  }
0x6a: {  	_ =	shalt  }
0x6b: {  	_ =	shalt  }
0x6c: {  	_ =	shalt  }
0x6d: {  	_ =	shalt  }
0x6e: {  	_ =	shalt  }
0x6f: {  	_ =	shalt  }
0x70: {  	_ =	shalt  }
0x71: {  	_ =	shalt  }
0x72: {  	_ =	shalt  }
0x73: {  	_ =	shalt  }
0x74: {  	_ =	shalt  }
0x75: {  	_ =	shalt  }
0x76: {  	_ =	shalt  }
0x77: {  	_ =	shalt  }
0x78: {  	_ =	shalt  }
0x79: {  	_ =	shalt  }
0x7a: {  	_ =	shalt  }
0x7b: {  	_ =	shalt  }
0x7c: {  	_ =	shalt  }
0x7d: {  	_ =	shalt  }
0x7e: {  	_ =	shalt  }
0x7f: {  	_ =	shalt  }
0x80: {  	_ =	shalt  }
0x81: {  	_ =	shalt  }
0x82: {  	_ =	shalt  }
0x83: {  	_ =	shalt  }
0x84: {  	_ =	shalt  }
0x85: {  	_ =	shalt  }
0x86: {  	_ =	shalt  }
0x87: {  	_ =	shalt  }
.Lfunc_end0:
.L_simem_size_0:
called_computation_lowered:
.L_overlay_start_0:
0x88: {  	s2 =	sld [smem:$0x3FD9]  }
0x89: {  	s3 =	sld [smem:$0x3FFE];
	_ =	sdelay $0x1  }
0x8a: {  	s1 =	srdreg.scid  }
0x8b: {  	s0 =	sand.u32 $0x1, s1  }
0x8c: {  	s14 =	sshll.u32 s0, $0xA;
	s2 =	sadd.s32 s3, s2  }
0x8d: {  	s2 =	sadd.s32 s2, s14  }
0x8e: {  	[smem:$0x3FBD] =	sst s2  }
0x8f: {  	_ = 	snop  }
0x90: {  	s2 =	sld [smem:$0x3FD0];
	_ =	sdelay $0x2  }
0x91: {  	s4 =	simm.s32 $0xA;
	s5 =	simm.s32 $0x10;
	s15 =	sld [smem:$0x3FC5]  }
0x92: {  	[smem:s5], [sflag:s4] =	dma.local [hbm:s2], $0x1  }
0x93: {  	_ =	swait.eq [sflag:s4], $0x1  }
0x94: {  	[sflag:s4] =	ssyncset.done $0x0  }
0x95: {  	[sflag:s4] =	ssyncadd.s32 $0xFFFFFFFF  }
0x96: {  	s16 =	sld [smem:$0x10];
	(tm) =	ssettm $0x1  }
0x97: {  	s17 =	sld [smem:$0x3FFB];
	_ =	sdelay $0x3  }
0x98: {  	_ =	strace s17  }
0x99: {  	s4 =	sld [smem:$0x3FFC];
	_ =	sdelay $0x3  }
0x9a: {  	_ =	strace s4  }
0x9b: {  	s4 =	sld [smem:$0x3FFD];
	_ =	sdelay $0x3  }
0x9c: {  	_ =	strace s4  }
0x9d: {  	_ =	strace $0x8FFFFFFF  }
0x9e: {  	s18 =	sld [smem:$0x3FDB];
	_ =	sdelay $0x1  }
0x9f: {  	s19 =	simm.s32 $_scs_section_size  }
0xa0: {  	s6 =	simm.s32 $_size__tile_overlayer_lowered;
	s7 =	simm.s32 $_tile_overlayer_lowered  }
0xa1: {  	s22 =	simm.s32 $0x1BFF;
	s21 =	sshll.u32 s7, $0x1;
	s4 =	sadd.s32 s19, s18  }
0xa2: {  	s8 =	simm.s32 $0x0;
	s20 =	sshll.u32 s6, $0x1;
	s6 =	sadd.s32 s21, s4  }
0xa3: {  	[timem:s8], [sflag:s22] =	dma.local [hbm:s6], s20  }
0xa4: {  	_ =	swait.ge [sflag:s22], s20  }
0xa5: {  	s5 =	ssub.s32 $0x0, s20;
	[sflag:s22] =	ssyncset.done $0x0  }
0xa6: {  	[sflag:s22] =	ssyncadd.s32 s5;
	_ =	sdelay $0x1  }
0xa7: {  	s23 =	simm.s32 $0x1B8B  }
0xa8: {  	_ =	swait.ge [sflag:s23], $0x1  }
0xa9: {  	[sflag:s23] =	ssyncset.done $0x0  }
0xaa: {  	s25 =	simm.s32 $0x1B8E;
	s24 =	sld [smem:$0x3FFE];
	[sflag:s23] =	ssyncadd.s32 $0xFFFFFFFF  }
0xab: {  	s26 =	simm.s32 $execute0_lowered;
	[smem:$0x3FD2] =	sst s25  }
0xac: {  	s6 =	sshll.u32 s26, $0x1;
	_ =	strace $0x80000046;
	[dreg:$0x1] =	wrdreg $0xFFFFFFFF  }
0xad: {  	s28 =	simm.s32 $_size_execute0_lowered;
	s4 =	sadd.s32 s4, s6;
	[dreg:$0x0] =	wrdreg $0x0  }
0xae: {  	s6 =	sshll.u32 s28, $0x1;
	[dreg:$0x2] =	wrdreg s4  }
0xaf: {  	[dreg:$0x3] =	wrdreg s6  }
0xb0: {  	[dreg:$0x4] =	wrdreg $0xC0  }
0xb1: {  	_ =	task [dreg:s8], $0x5FFFF  }
0xb2: {  	[dreg:$0x1] =	wrdreg $0xFFFFFFFF  }
0xb3: {  	[dreg:$0x0] =	wrdreg $0x60  }
0xb4: {  	[dreg:$0x2] =	wrdreg s15  }
0xb5: {  	[dreg:$0x3] =	wrdreg s24  }
0xb6: {  	[dreg:$0x4] =	wrdreg s16  }
0xb7: {  	[dreg:$0x5] =	wrdreg $0x0  }
0xb8: {  	[dreg:$0x6] =	wrdreg $0x9  }
0xb9: {  	_ =	task.clear_ibuf [dreg:s8], $0x7FFFF;
	_ =	strace $0x90000046  }
0xba: {  	s29 =	simm.s32 $0x9;
	_ =	strace $0x80000048  }
0xbb: {  	_ =	swait.ge [sflag:s29], $0x1  }
0xbc: {  	[sflag:s29] =	ssyncadd.s32 $0xFFFFFFFF  }
0xbd: {  	_ =	strace $0x90000048  }
0xbe: {  	_ =	sfence  }
0xbf: {  	s30 =	sld [smem:$0x0];
	_ =	sdelay $0x2  }
0xc0: {  	s31 =	sshll.u32 s1, $0xD;
	s1 =	sshrl.u32 s1, $0x2  }
0xc1: {  	s3 =	sand.u32 $0x4000, s31;
	s1 =	sadd.s32 s1, s30  }
0xc2: {  	s0 =	sor.u32 s3, s0;
	s1 =	sshll.u32 s1, $0x11  }
0xc3: {  	s0 =	sor.u32 s1, s0  }
0xc4: {  	s0 =	sadd.s32 $0x8F2B, s0  }
0xc5: {  	[sflag:s0] =	ssyncadd.remote.s32 $0x1  }
0xc6: {  	_ =	sfence.sel $0xFFFF  }
0xc7: {  	[dreg:$0x0] =	wrdreg $0xFFFFFFFF;
	(pc) =	sbr.abs _section_cstart, $3  }
0xc8: {  	[dreg:$0x1] =	wrdreg $0xFFFFFFFF  }
0xc9: {  	_ =	task.clear_ibuf [dreg:s8], $0x2FFFF;
	_ =	strace $0x9FFFFFFF  }
0xca: {  	(tm) =	ssettm $0x7FFFFFFF  }
0xcb: {  	_ =	shalt  }
tec
execute0_lowered:
.L_overlay_start_1:
0x0: {  	(tag) =	ssettag $0x1  }
0x1: {  	s0 =	rddreg [dreg:$0x0]  }
0x2: {  	s4 =	rddreg [dreg:$0x1]  }
0x3: {  	s6 =	rddreg [dreg:$0x2]  }
0x4: {  	s1 =	srdreg.scid;
	s2 =	rddreg [dreg:$0x3]  }
0x5: {  	s3 =	simm.s32 $0x0;
	s8 =	sand.u32 $0x1, s1;
	s1 =	rddreg [dreg:$0x4]  }
0x6: {  	s23 =	simm.s32 $0x130;
	[smem:$0x7FF] =	sst s3  }
0x7: {  	s24 =	simm.s32 $0x1B0;
	_ =	strace $0x80000047;
	[dreg:$0x5] =	wrdreg s23  }
0x8: {  	s7 =	stileid.u32;
	s25 =	simm.s32 $0x230;
	[dreg:$0x6] =	wrdreg s24  }
0x9: {  	s26 =	simm.s32 $0x2B0;
	s28 =	simm.s32 $0x330;
	[dreg:$0x7] =	wrdreg s25  }
0xa: {  	s29 =	simm.s32 $0x3B0;
	s30 =	simm.s32 $0x430;
	[dreg:$0x8] =	wrdreg s26  }
0xb: {  	s31 =	simm.s32 $0x4B0;
	s12 =	simm.s32 $0x530;
	[dreg:$0x9] =	wrdreg s28  }
0xc: {  	s13 =	simm.s32 $0x5B0;
	s14 =	simm.s32 $0x630;
	[dreg:$0xa] =	wrdreg s29  }
0xd: {  	s15 =	simm.s32 $0x6B0;
	s16 =	simm.s32 $0x730;
	[dreg:$0xb] =	wrdreg s30  }
0xe: {  	s17 =	simm.s32 $0x7B0;
	s5 =	smul.u32 $0x6400, s7;
	[dreg:$0xc] =	wrdreg s31  }
0xf: {  	s22 =	smul.u32 $0x320000, s7;
	p0 =	sne.s32 s7, $0x0;
	[dreg:$0xd] =	wrdreg s12  }
0x10: {  	s9 =	ssub.s32 $0x2, s8;
	s11 =	smul.u32 $0x3200, s8;
	[dreg:$0xe] =	wrdreg s13  }
0x11: {  	s8 =	smul.u32 $0x190000, s8;
	s7 =	sshrl.u32 @!p0 s2, $0x3;
	[dreg:$0xf] =	wrdreg s14  }
0x12: {  	s12 =	simm.s32 $0x1;
	s13 =	simm.s32 $0x8830;
	[dreg:$0x10] =	wrdreg s15  }
0x13: {  	s14 =	simm.s32 $0xC830;
	s15 =	simm.s32 $0x2;
	[dreg:$0x11] =	wrdreg s16  }
0x14: {  	s16 =	simm.s32 $0x4830;
	[dreg:$0x12] =	wrdreg s17;
	s17 =	simm.s32 $0x0  }
0x15: {  	s10 =	sshrl.u32 s9, $0x1;
	s5 =	sadd.s32 s5, s4;
	s6 =	sadd.s32 s22, s6  }
0x16: {  	s21 =	ssub.s32 s9, s10;
	s5 =	sadd.s32 s11, s5;
	s6 =	sadd.s32 s8, s6  }
0x17: {  	s8 =	simm.s32 $0x30;
	s9 =	simm.s32 $0x3;
	s10 =	simm.s32 $0x80  }
0x18: {  	s11 =	simm.s32 $0x830;
	s4 =	smax.u32 s21, $0x1;
	s5 =	sadd.s32 $0x82800, s5  }
.LBB2_1:
0x19: {  	s18 =	simm.s32 @!p0 $0x1C03  }
0x1a: {  	[spmem:s7], [sflag:s18] =	dma.local @!p0 [hbm:s0], $0x60  }
0x1b: {  	s18 =	simm.s32 @!p0 $0x3  }
0x1c: {  	_ =	swait.ge @!p0 [sflag:s18], $0x60  }
0x1d: {  	[sflag:s18] =	ssyncset.done @!p0 $0x0  }
0x1e: {  	[sflag:s18] =	ssyncadd.s32 @!p0 $0xFFFFFFA0  }
0x1f: {  	[bflag:$0x0] =	sbarrier.arrive $0xFFFF  }
0x20: {  	[tilespmem:s8], [sflag:$0x3] =	stream.linear.gather [hbm4b:s5+s3], $0x800, $0x38;
	[tilespmem:$0x10830] =	vst v63  }
0x21: {  	_ =	swait.ge [sflag:s9], $0x800  }
0x22: {  	p1 =	por $0x1, $0x1;
	[sflag:s9] =	ssyncset.done $0x0  }
0x23: {  	s18 =	simm.s32 @!p1 $0x2;
	[sflag:s9] =	ssyncadd.s32 $0xFFFFF800  }
0x24: {  	_ =	swait.ge @!p1 [sflag:s18], $0x4000  }
0x25: {  	[sflag:s18] =	ssyncset.done @!p1 $0x0  }
0x26: {  	[sflag:s18] =	ssyncadd.s32 @!p1 $0xFFFFC000  }
0x27: {  	[tilespmem:s11], [sflag:$0x1] =	stream.indirect.gather [spmem:s2], $0x80, s8, s10, $0xb8;
	[tilespmem:$0x10830] =	vst v63  }
0x28: {  	_ =	swait.ge [sflag:s12], $0x4000  }
0x29: {  	[sflag:s12] =	ssyncset.done $0x0  }
0x2a: {  	s19 =	sadd.s32 $0x0, s6;
	s20 =	simm.s32 @p1 $0x1;
	[sflag:s12] =	ssyncadd.s32 $0xFFFFC000  }
0x2b: {  	[hbm4b:s19+s3] =	stream.linear.scatter [tilespmem:s11], [sflag:$0x2], $0x4000, $0x38;
	[tilespmem:$0x10830] =	vst v63  }
0x2c: {  	s21 =	simm.s32 @p1 $0x80;
	s22 =	simm.s32 @p1 $0xB0;
	s23 =	simm.s32 @p1 $0x4830  }
0x2d: {  	[tilespmem:s23], [sflag:$0x1] =	stream.indirect.gather @p1 [spmem:s2], $0x80, s22, s21, $0xb8;
	[tilespmem:$0x10830] =	vst v63  }
0x2e: {  	_ =	swait.ge @p1 [sflag:s20], $0x4000  }
0x2f: {  	s21 =	sadd.s32 @p1 $0x0, s6;
	[sflag:s20] =	ssyncset.done @p1 $0x0  }
0x30: {  	s21 =	sadd.s32 @p1 $0x800, s21;
	[sflag:s20] =	ssyncadd.s32 @p1 $0xFFFFC000;
	s20 =	simm.s32 @p1 $0x0  }
0x31: {  	[hbm4b:s21+s20] =	stream.linear.scatter @p1 [tilespmem:s23], [sflag:$0x2], $0x4000, $0x38;
	[tilespmem:$0x10830] =	vst v63  }
0x32: {  	_ =	swait.ge @!p1 [sflag:s18], $0x4000  }
0x33: {  	s22 =	simm.s32 @!p1 $0x80;
	s20 =	simm.s32 @!p1 $0x4830;
	[sflag:s18] =	ssyncset.done @!p1 $0x0  }
0x34: {  	s21 =	simm.s32 @!p1 $0x1;
	s23 =	simm.s32 @!p1 $0xB0;
	[sflag:s18] =	ssyncadd.s32 @!p1 $0xFFFFC000  }
0x35: {  	[tilespmem:s20], [sflag:$0x1] =	stream.indirect.gather @!p1 [spmem:s2], $0x80, s23, s22, $0xb8;
	[tilespmem:$0x10830] =	vst v63  }
0x36: {  	_ =	swait.ge @!p1 [sflag:s21], $0x4000  }
0x37: {  	s22 =	sadd.s32 @!p1 $0x0, s6;
	[sflag:s21] =	ssyncset.done @!p1 $0x0  }
0x38: {  	s22 =	sadd.s32 @!p1 $0x800, s22;
	[sflag:s21] =	ssyncadd.s32 @!p1 $0xFFFFC000;
	s21 =	simm.s32 @!p1 $0x0  }
0x39: {  	[hbm4b:s22+s21] =	stream.linear.scatter @!p1 [tilespmem:s20], [sflag:$0x2], $0x4000, $0x38;
	[tilespmem:$0x10830] =	vst v63  }
0x3a: {  	_ =	swait.ge @!p1 [sflag:s18], $0x4000  }
0x3b: {  	[sflag:s18] =	ssyncset.done @!p1 $0x0  }
0x3c: {  	s26 =	rddreg [dreg:$0x5];
	[sflag:s18] =	ssyncadd.s32 @!p1 $0xFFFFC000  }
0x3d: {  	[tilespmem:s13], [sflag:$0x1] =	stream.indirect.gather [spmem:s2], $0x80, s26, s10, $0xb8;
	[tilespmem:$0x10830] =	vst v63  }
0x3e: {  	_ =	swait.ge [sflag:s12], $0x4000  }
0x3f: {  	[sflag:s12] =	ssyncset.done $0x0  }
0x40: {  	s28 =	sadd.s32 $0x1000, s19;
	[sflag:s12] =	ssyncadd.s32 $0xFFFFC000  }
0x41: {  	[hbm4b:s28+s3] =	stream.linear.scatter [tilespmem:s13], [sflag:$0x2], $0x4000, $0x38;
	[tilespmem:$0x10830] =	vst v63  }
0x42: {  	_ =	swait.ge @!p1 [sflag:s18], $0x4000  }
0x43: {  	[sflag:s18] =	ssyncset.done @!p1 $0x0  }
0x44: {  	s29 =	rddreg [dreg:$0x6];
	[sflag:s18] =	ssyncadd.s32 @!p1 $0xFFFFC000  }
0x45: {  	[tilespmem:s14], [sflag:$0x1] =	stream.indirect.gather [spmem:s2], $0x80, s29, s10, $0xb8;
	[tilespmem:$0x10830] =	vst v63  }
0x46: {  	_ =	swait.ge [sflag:s12], $0x4000  }
0x47: {  	[sflag:s12] =	ssyncset.done $0x0  }
0x48: {  	s30 =	sadd.s32 $0x1800, s19;
	[sflag:s12] =	ssyncadd.s32 $0xFFFFC000  }
0x49: {  	[hbm4b:s30+s3] =	stream.linear.scatter [tilespmem:s14], [sflag:$0x2], $0x4000, $0x38;
	[tilespmem:$0x10830] =	vst v63  }
0x4a: {  	_ =	swait.ge [sflag:s15], $0x4000  }
0x4b: {  	[sflag:s15] =	ssyncset.done $0x0  }
0x4c: {  	s31 =	rddreg [dreg:$0x7];
	[sflag:s15] =	ssyncadd.s32 $0xFFFFC000  }
0x4d: {  	[tilespmem:s11], [sflag:$0x1] =	stream.indirect.gather [spmem:s2], $0x80, s31, s10, $0xb8;
	[tilespmem:$0x10830] =	vst v63  }
0x4e: {  	_ =	swait.ge [sflag:s12], $0x4000  }
0x4f: {  	[sflag:s12] =	ssyncset.done $0x0  }
0x50: {  	s20 =	sadd.s32 $0x2000, s19;
	[sflag:s12] =	ssyncadd.s32 $0xFFFFC000  }
0x51: {  	[hbm4b:s20+s3] =	stream.linear.scatter [tilespmem:s11], [sflag:$0x2], $0x4000, $0x38;
	[tilespmem:$0x10830] =	vst v63  }
0x52: {  	_ =	swait.ge [sflag:s15], $0x4000  }
0x53: {  	[sflag:s15] =	ssyncset.done $0x0  }
0x54: {  	s21 =	rddreg [dreg:$0x8];
	[sflag:s15] =	ssyncadd.s32 $0xFFFFC000  }
0x55: {  	[tilespmem:s16], [sflag:$0x1] =	stream.indirect.gather [spmem:s2], $0x80, s21, s10, $0xb8;
	[tilespmem:$0x10830] =	vst v63  }
0x56: {  	_ =	swait.ge [sflag:s12], $0x4000  }
0x57: {  	[sflag:s12] =	ssyncset.done $0x0  }
0x58: {  	s22 =	sadd.s32 $0x2800, s19;
	[sflag:s12] =	ssyncadd.s32 $0xFFFFC000  }
0x59: {  	[hbm4b:s22+s3] =	stream.linear.scatter [tilespmem:s16], [sflag:$0x2], $0x4000, $0x38;
	[tilespmem:$0x10830] =	vst v63  }
0x5a: {  	_ =	swait.ge [sflag:s15], $0x4000  }
0x5b: {  	[sflag:s15] =	ssyncset.done $0x0  }
0x5c: {  	s23 =	rddreg [dreg:$0x9];
	[sflag:s15] =	ssyncadd.s32 $0xFFFFC000  }
0x5d: {  	[tilespmem:s13], [sflag:$0x1] =	stream.indirect.gather [spmem:s2], $0x80, s23, s10, $0xb8;
	[tilespmem:$0x10830] =	vst v63  }
0x5e: {  	_ =	swait.ge [sflag:s12], $0x4000  }
0x5f: {  	[sflag:s12] =	ssyncset.done $0x0  }
0x60: {  	s24 =	sadd.s32 $0x3000, s19;
	[sflag:s12] =	ssyncadd.s32 $0xFFFFC000  }
0x61: {  	[hbm4b:s24+s3] =	stream.linear.scatter [tilespmem:s13], [sflag:$0x2], $0x4000, $0x38;
	[tilespmem:$0x10830] =	vst v63  }
0x62: {  	_ =	swait.ge [sflag:s15], $0x4000  }
0x63: {  	[sflag:s15] =	ssyncset.done $0x0  }
0x64: {  	s25 =	rddreg [dreg:$0xa];
	[sflag:s15] =	ssyncadd.s32 $0xFFFFC000  }
0x65: {  	[tilespmem:s14], [sflag:$0x1] =	stream.indirect.gather [spmem:s2], $0x80, s25, s10, $0xb8;
	[tilespmem:$0x10830] =	vst v63  }
0x66: {  	_ =	swait.ge [sflag:s12], $0x4000  }
0x67: {  	[sflag:s12] =	ssyncset.done $0x0  }
0x68: {  	s26 =	sadd.s32 $0x3800, s19;
	[sflag:s12] =	ssyncadd.s32 $0xFFFFC000  }
0x69: {  	[hbm4b:s26+s3] =	stream.linear.scatter [tilespmem:s14], [sflag:$0x2], $0x4000, $0x38;
	[tilespmem:$0x10830] =	vst v63  }
0x6a: {  	_ =	swait.ge [sflag:s15], $0x4000  }
0x6b: {  	[sflag:s15] =	ssyncset.done $0x0  }
0x6c: {  	s28 =	rddreg [dreg:$0xb];
	[sflag:s15] =	ssyncadd.s32 $0xFFFFC000  }
0x6d: {  	[tilespmem:s11], [sflag:$0x1] =	stream.indirect.gather [spmem:s2], $0x80, s28, s10, $0xb8;
	[tilespmem:$0x10830] =	vst v63  }
0x6e: {  	_ =	swait.ge [sflag:s12], $0x4000  }
0x6f: {  	[sflag:s12] =	ssyncset.done $0x0  }
0x70: {  	s29 =	sadd.s32 $0x4000, s19;
	[sflag:s12] =	ssyncadd.s32 $0xFFFFC000  }
0x71: {  	[hbm4b:s29+s3] =	stream.linear.scatter [tilespmem:s11], [sflag:$0x2], $0x4000, $0x38;
	[tilespmem:$0x10830] =	vst v63  }
0x72: {  	_ =	swait.ge [sflag:s15], $0x4000  }
0x73: {  	[sflag:s15] =	ssyncset.done $0x0  }
0x74: {  	s30 =	rddreg [dreg:$0xc];
	[sflag:s15] =	ssyncadd.s32 $0xFFFFC000  }
0x75: {  	[tilespmem:s16], [sflag:$0x1] =	stream.indirect.gather [spmem:s2], $0x80, s30, s10, $0xb8;
	[tilespmem:$0x10830] =	vst v63  }
0x76: {  	_ =	swait.ge [sflag:s12], $0x4000  }
0x77: {  	[sflag:s12] =	ssyncset.done $0x0  }
0x78: {  	s31 =	sadd.s32 $0x4800, s19;
	[sflag:s12] =	ssyncadd.s32 $0xFFFFC000  }
0x79: {  	[hbm4b:s31+s3] =	stream.linear.scatter [tilespmem:s16], [sflag:$0x2], $0x4000, $0x38;
	[tilespmem:$0x10830] =	vst v63  }
0x7a: {  	_ =	swait.ge [sflag:s15], $0x4000  }
0x7b: {  	[sflag:s15] =	ssyncset.done $0x0  }
0x7c: {  	s20 =	rddreg [dreg:$0xd];
	[sflag:s15] =	ssyncadd.s32 $0xFFFFC000  }
0x7d: {  	[tilespmem:s13], [sflag:$0x1] =	stream.indirect.gather [spmem:s2], $0x80, s20, s10, $0xb8;
	[tilespmem:$0x10830] =	vst v63  }
0x7e: {  	_ =	swait.ge [sflag:s12], $0x4000  }
0x7f: {  	[sflag:s12] =	ssyncset.done $0x0  }
0x80: {  	s21 =	sadd.s32 $0x5000, s19;
	[sflag:s12] =	ssyncadd.s32 $0xFFFFC000  }
0x81: {  	[hbm4b:s21+s3] =	stream.linear.scatter [tilespmem:s13], [sflag:$0x2], $0x4000, $0x38;
	[tilespmem:$0x10830] =	vst v63  }
0x82: {  	_ =	swait.ge [sflag:s15], $0x4000  }
0x83: {  	[sflag:s15] =	ssyncset.done $0x0  }
0x84: {  	s22 =	rddreg [dreg:$0xe];
	[sflag:s15] =	ssyncadd.s32 $0xFFFFC000  }
0x85: {  	[tilespmem:s14], [sflag:$0x1] =	stream.indirect.gather [spmem:s2], $0x80, s22, s10, $0xb8;
	[tilespmem:$0x10830] =	vst v63  }
0x86: {  	_ =	swait.ge [sflag:s12], $0x4000  }
0x87: {  	[sflag:s12] =	ssyncset.done $0x0  }
0x88: {  	s23 =	sadd.s32 $0x5800, s19;
	[sflag:s12] =	ssyncadd.s32 $0xFFFFC000  }
0x89: {  	[hbm4b:s23+s3] =	stream.linear.scatter [tilespmem:s14], [sflag:$0x2], $0x4000, $0x38;
	[tilespmem:$0x10830] =	vst v63  }
0x8a: {  	_ =	swait.ge [sflag:s15], $0x4000  }
0x8b: {  	[sflag:s15] =	ssyncset.done $0x0  }
0x8c: {  	s24 =	rddreg [dreg:$0xf];
	[sflag:s15] =	ssyncadd.s32 $0xFFFFC000  }
0x8d: {  	[tilespmem:s11], [sflag:$0x1] =	stream.indirect.gather [spmem:s2], $0x80, s24, s10, $0xb8;
	[tilespmem:$0x10830] =	vst v63  }
0x8e: {  	_ =	swait.ge [sflag:s12], $0x4000  }
0x8f: {  	[sflag:s12] =	ssyncset.done $0x0  }
0x90: {  	s25 =	sadd.s32 $0x6000, s19;
	[sflag:s12] =	ssyncadd.s32 $0xFFFFC000  }
0x91: {  	[hbm4b:s25+s3] =	stream.linear.scatter [tilespmem:s11], [sflag:$0x2], $0x4000, $0x38;
	[tilespmem:$0x10830] =	vst v63  }
0x92: {  	_ =	swait.ge [sflag:s15], $0x4000  }
0x93: {  	[sflag:s15] =	ssyncset.done $0x0  }
0x94: {  	s26 =	rddreg [dreg:$0x10];
	[sflag:s15] =	ssyncadd.s32 $0xFFFFC000  }
0x95: {  	[tilespmem:s16], [sflag:$0x1] =	stream.indirect.gather [spmem:s2], $0x80, s26, s10, $0xb8;
	[tilespmem:$0x10830] =	vst v63  }
0x96: {  	_ =	swait.ge [sflag:s12], $0x4000  }
0x97: {  	[sflag:s12] =	ssyncset.done $0x0  }
0x98: {  	s28 =	sadd.s32 $0x6800, s19;
	[sflag:s12] =	ssyncadd.s32 $0xFFFFC000  }
0x99: {  	[hbm4b:s28+s3] =	stream.linear.scatter [tilespmem:s16], [sflag:$0x2], $0x4000, $0x38;
	[tilespmem:$0x10830] =	vst v63  }
0x9a: {  	_ =	swait.ge [sflag:s15], $0x4000  }
0x9b: {  	[sflag:s15] =	ssyncset.done $0x0  }
0x9c: {  	s29 =	rddreg [dreg:$0x11];
	[sflag:s15] =	ssyncadd.s32 $0xFFFFC000  }
0x9d: {  	[tilespmem:s13], [sflag:$0x1] =	stream.indirect.gather [spmem:s2], $0x80, s29, s10, $0xb8;
	[tilespmem:$0x10830] =	vst v63  }
0x9e: {  	_ =	swait.ge [sflag:s12], $0x4000  }
0x9f: {  	[sflag:s12] =	ssyncset.done $0x0  }
0xa0: {  	s30 =	sadd.s32 $0x7000, s19;
	[sflag:s12] =	ssyncadd.s32 $0xFFFFC000  }
0xa1: {  	[hbm4b:s30+s3] =	stream.linear.scatter [tilespmem:s13], [sflag:$0x2], $0x4000, $0x38;
	[tilespmem:$0x10830] =	vst v63  }
0xa2: {  	_ =	swait.ge [sflag:s15], $0x4000  }
0xa3: {  	[sflag:s15] =	ssyncset.done $0x0  }
0xa4: {  	s31 =	rddreg [dreg:$0x12];
	[sflag:s15] =	ssyncadd.s32 $0xFFFFC000  }
0xa5: {  	[tilespmem:s14], [sflag:$0x1] =	stream.indirect.gather [spmem:s2], $0x80, s31, s10, $0xb8;
	[tilespmem:$0x10830] =	vst v63  }
0xa6: {  	_ =	swait.ge [sflag:s12], $0x4000  }
0xa7: {  	s18 =	simm.s32 $0x8000;
	[sflag:s12] =	ssyncset.done $0x0  }
0xa8: {  	s20 =	sadd.s32 $0x7800, s19;
	s19 =	sadd.s32 $0x100, s5;
	[sflag:s12] =	ssyncadd.s32 $0xFFFFC000  }
.LBB2_2:
0xa9: {  	[hbm4b:s20+s3] =	stream.linear.scatter [tilespmem:s14], [sflag:$0x2], $0x4000, $0x38;
	[tilespmem:$0x10830] =	vst v63  }
0xaa: {  	_ = 	snop  }
0xab: {  	[tilespmem:s8], [sflag:$0x3] =	stream.linear.gather [hbm4b:s19+s3], $0x800, $0x38;
	[tilespmem:$0x10830] =	vst v63  }
0xac: {  	s20 =	smov.u32 s18;
	_ =	swait.ge [sflag:s9], $0x800  }
0xad: {  	p2 =	seq.s32 s20, $0x0;
	[sflag:s9] =	ssyncset.done $0x0  }
0xae: {  	s21 =	simm.s32 @!p2 $0x2;
	[sflag:s9] =	ssyncadd.s32 $0xFFFFF800  }
0xaf: {  	_ =	swait.ge @!p2 [sflag:s21], $0x4000  }
0xb0: {  	[sflag:s21] =	ssyncset.done @!p2 $0x0  }
0xb1: {  	[sflag:s21] =	ssyncadd.s32 @!p2 $0xFFFFC000  }
0xb2: {  	[tilespmem:s11], [sflag:$0x1] =	stream.indirect.gather [spmem:s2], $0x80, s8, s10, $0xb8;
	[tilespmem:$0x10830] =	vst v63  }
0xb3: {  	_ =	swait.ge [sflag:s12], $0x4000  }
0xb4: {  	s22 =	sadd.s32 @p2 s20, s6;
	s23 =	sadd.s32 @!p2 s20, s6;
	[sflag:s12] =	ssyncset.done $0x0  }
0xb5: {  	s20 =	sadd.s32 s20, s6;
	s24 =	simm.s32 @p2 $0x1;
	[sflag:s12] =	ssyncadd.s32 $0xFFFFC000  }
0xb6: {  	[hbm4b:s20+s3] =	stream.linear.scatter [tilespmem:s11], [sflag:$0x2], $0x4000, $0x38;
	[tilespmem:$0x10830] =	vst v63  }
0xb7: {  	s25 =	simm.s32 @p2 $0x80;
	s26 =	simm.s32 @p2 $0xB0;
	s28 =	simm.s32 @p2 $0x4830  }
0xb8: {  	[tilespmem:s28], [sflag:$0x1] =	stream.indirect.gather @p2 [spmem:s2], $0x80, s26, s25, $0xb8;
	[tilespmem:$0x10830] =	vst v63  }
0xb9: {  	_ =	swait.ge @p2 [sflag:s24], $0x4000  }
0xba: {  	[sflag:s24] =	ssyncset.done @p2 $0x0  }
0xbb: {  	s22 =	sadd.s32 @p2 $0x800, s22;
	[sflag:s24] =	ssyncadd.s32 @p2 $0xFFFFC000;
	s24 =	simm.s32 @p2 $0x0  }
0xbc: {  	[hbm4b:s22+s24] =	stream.linear.scatter @p2 [tilespmem:s28], [sflag:$0x2], $0x4000, $0x38;
	[tilespmem:$0x10830] =	vst v63  }
0xbd: {  	_ =	swait.ge @!p2 [sflag:s21], $0x4000  }
0xbe: {  	s25 =	simm.s32 @!p2 $0x80;
	s26 =	simm.s32 @!p2 $0xB0;
	[sflag:s21] =	ssyncset.done @!p2 $0x0  }
0xbf: {  	s22 =	simm.s32 @!p2 $0x4830;
	s24 =	simm.s32 @!p2 $0x1;
	[sflag:s21] =	ssyncadd.s32 @!p2 $0xFFFFC000  }
0xc0: {  	[tilespmem:s22], [sflag:$0x1] =	stream.indirect.gather @!p2 [spmem:s2], $0x80, s26, s25, $0xb8;
	[tilespmem:$0x10830] =	vst v63  }
0xc1: {  	_ =	swait.ge @!p2 [sflag:s24], $0x4000  }
0xc2: {  	[sflag:s24] =	ssyncset.done @!p2 $0x0  }
0xc3: {  	s23 =	sadd.s32 @!p2 $0x800, s23;
	[sflag:s24] =	ssyncadd.s32 @!p2 $0xFFFFC000;
	s24 =	simm.s32 @!p2 $0x0  }
0xc4: {  	[hbm4b:s23+s24] =	stream.linear.scatter @!p2 [tilespmem:s22], [sflag:$0x2], $0x4000, $0x38;
	[tilespmem:$0x10830] =	vst v63  }
0xc5: {  	_ =	swait.ge @!p2 [sflag:s21], $0x4000  }
0xc6: {  	[sflag:s21] =	ssyncset.done @!p2 $0x0  }
0xc7: {  	s31 =	rddreg [dreg:$0x5];
	[sflag:s21] =	ssyncadd.s32 @!p2 $0xFFFFC000  }
0xc8: {  	[tilespmem:s13], [sflag:$0x1] =	stream.indirect.gather [spmem:s2], $0x80, s31, s10, $0xb8;
	[tilespmem:$0x10830] =	vst v63  }
0xc9: {  	_ =	swait.ge [sflag:s12], $0x4000  }
0xca: {  	[sflag:s12] =	ssyncset.done $0x0  }
0xcb: {  	s23 =	sadd.s32 $0x1000, s20;
	[sflag:s12] =	ssyncadd.s32 $0xFFFFC000  }
0xcc: {  	[hbm4b:s23+s3] =	stream.linear.scatter [tilespmem:s13], [sflag:$0x2], $0x4000, $0x38;
	[tilespmem:$0x10830] =	vst v63  }
0xcd: {  	_ =	swait.ge @!p2 [sflag:s21], $0x4000  }
0xce: {  	[sflag:s21] =	ssyncset.done @!p2 $0x0  }
0xcf: {  	s24 =	rddreg [dreg:$0x6];
	[sflag:s21] =	ssyncadd.s32 @!p2 $0xFFFFC000  }
0xd0: {  	[tilespmem:s14], [sflag:$0x1] =	stream.indirect.gather [spmem:s2], $0x80, s24, s10, $0xb8;
	[tilespmem:$0x10830] =	vst v63  }
0xd1: {  	_ =	swait.ge [sflag:s12], $0x4000  }
0xd2: {  	[sflag:s12] =	ssyncset.done $0x0  }
0xd3: {  	s25 =	sadd.s32 $0x1800, s20;
	[sflag:s12] =	ssyncadd.s32 $0xFFFFC000  }
0xd4: {  	[hbm4b:s25+s3] =	stream.linear.scatter [tilespmem:s14], [sflag:$0x2], $0x4000, $0x38;
	[tilespmem:$0x10830] =	vst v63  }
0xd5: {  	_ =	swait.ge [sflag:s15], $0x4000  }
0xd6: {  	[sflag:s15] =	ssyncset.done $0x0  }
0xd7: {  	s26 =	rddreg [dreg:$0x7];
	[sflag:s15] =	ssyncadd.s32 $0xFFFFC000  }
0xd8: {  	[tilespmem:s11], [sflag:$0x1] =	stream.indirect.gather [spmem:s2], $0x80, s26, s10, $0xb8;
	[tilespmem:$0x10830] =	vst v63  }
0xd9: {  	_ =	swait.ge [sflag:s12], $0x4000  }
0xda: {  	[sflag:s12] =	ssyncset.done $0x0  }
0xdb: {  	s28 =	sadd.s32 $0x2000, s20;
	[sflag:s12] =	ssyncadd.s32 $0xFFFFC000  }
0xdc: {  	[hbm4b:s28+s3] =	stream.linear.scatter [tilespmem:s11], [sflag:$0x2], $0x4000, $0x38;
	[tilespmem:$0x10830] =	vst v63  }
0xdd: {  	_ =	swait.ge [sflag:s15], $0x4000  }
0xde: {  	[sflag:s15] =	ssyncset.done $0x0  }
0xdf: {  	s29 =	rddreg [dreg:$0x8];
	[sflag:s15] =	ssyncadd.s32 $0xFFFFC000  }
0xe0: {  	[tilespmem:s16], [sflag:$0x1] =	stream.indirect.gather [spmem:s2], $0x80, s29, s10, $0xb8;
	[tilespmem:$0x10830] =	vst v63  }
0xe1: {  	_ =	swait.ge [sflag:s12], $0x4000  }
0xe2: {  	[sflag:s12] =	ssyncset.done $0x0  }
0xe3: {  	s30 =	sadd.s32 $0x2800, s20;
	[sflag:s12] =	ssyncadd.s32 $0xFFFFC000  }
0xe4: {  	[hbm4b:s30+s3] =	stream.linear.scatter [tilespmem:s16], [sflag:$0x2], $0x4000, $0x38;
	[tilespmem:$0x10830] =	vst v63  }
0xe5: {  	_ =	swait.ge [sflag:s15], $0x4000  }
0xe6: {  	[sflag:s15] =	ssyncset.done $0x0  }
0xe7: {  	s31 =	rddreg [dreg:$0x9];
	[sflag:s15] =	ssyncadd.s32 $0xFFFFC000  }
0xe8: {  	[tilespmem:s13], [sflag:$0x1] =	stream.indirect.gather [spmem:s2], $0x80, s31, s10, $0xb8;
	[tilespmem:$0x10830] =	vst v63  }
0xe9: {  	_ =	swait.ge [sflag:s12], $0x4000  }
0xea: {  	[sflag:s12] =	ssyncset.done $0x0  }
0xeb: {  	s22 =	sadd.s32 $0x3000, s20;
	[sflag:s12] =	ssyncadd.s32 $0xFFFFC000  }
0xec: {  	[hbm4b:s22+s3] =	stream.linear.scatter [tilespmem:s13], [sflag:$0x2], $0x4000, $0x38;
	[tilespmem:$0x10830] =	vst v63  }
0xed: {  	_ =	swait.ge [sflag:s15], $0x4000  }
0xee: {  	[sflag:s15] =	ssyncset.done $0x0  }
0xef: {  	s23 =	rddreg [dreg:$0xa];
	[sflag:s15] =	ssyncadd.s32 $0xFFFFC000  }
0xf0: {  	[tilespmem:s14], [sflag:$0x1] =	stream.indirect.gather [spmem:s2], $0x80, s23, s10, $0xb8;
	[tilespmem:$0x10830] =	vst v63  }
0xf1: {  	_ =	swait.ge [sflag:s12], $0x4000  }
0xf2: {  	[sflag:s12] =	ssyncset.done $0x0  }
0xf3: {  	s24 =	sadd.s32 $0x3800, s20;
	[sflag:s12] =	ssyncadd.s32 $0xFFFFC000  }
0xf4: {  	[hbm4b:s24+s3] =	stream.linear.scatter [tilespmem:s14], [sflag:$0x2], $0x4000, $0x38;
	[tilespmem:$0x10830] =	vst v63  }
0xf5: {  	_ =	swait.ge [sflag:s15], $0x4000  }
0xf6: {  	[sflag:s15] =	ssyncset.done $0x0  }
0xf7: {  	s25 =	rddreg [dreg:$0xb];
	[sflag:s15] =	ssyncadd.s32 $0xFFFFC000  }
0xf8: {  	[tilespmem:s11], [sflag:$0x1] =	stream.indirect.gather [spmem:s2], $0x80, s25, s10, $0xb8;
	[tilespmem:$0x10830] =	vst v63  }
0xf9: {  	_ =	swait.ge [sflag:s12], $0x4000  }
0xfa: {  	[sflag:s12] =	ssyncset.done $0x0  }
0xfb: {  	s26 =	sadd.s32 $0x4000, s20;
	[sflag:s12] =	ssyncadd.s32 $0xFFFFC000  }
0xfc: {  	[hbm4b:s26+s3] =	stream.linear.scatter [tilespmem:s11], [sflag:$0x2], $0x4000, $0x38;
	[tilespmem:$0x10830] =	vst v63  }
0xfd: {  	_ =	swait.ge [sflag:s15], $0x4000  }
0xfe: {  	[sflag:s15] =	ssyncset.done $0x0  }
0xff: {  	s28 =	rddreg [dreg:$0xc];
	[sflag:s15] =	ssyncadd.s32 $0xFFFFC000  }
0x100: {  	[tilespmem:s16], [sflag:$0x1] =	stream.indirect.gather [spmem:s2], $0x80, s28, s10, $0xb8;
	[tilespmem:$0x10830] =	vst v63  }
0x101: {  	_ =	swait.ge [sflag:s12], $0x4000  }
0x102: {  	[sflag:s12] =	ssyncset.done $0x0  }
0x103: {  	s29 =	sadd.s32 $0x4800, s20;
	[sflag:s12] =	ssyncadd.s32 $0xFFFFC000  }
0x104: {  	[hbm4b:s29+s3] =	stream.linear.scatter [tilespmem:s16], [sflag:$0x2], $0x4000, $0x38;
	[tilespmem:$0x10830] =	vst v63  }
0x105: {  	_ =	swait.ge [sflag:s15], $0x4000  }
0x106: {  	[sflag:s15] =	ssyncset.done $0x0  }
0x107: {  	s30 =	rddreg [dreg:$0xd];
	[sflag:s15] =	ssyncadd.s32 $0xFFFFC000  }
0x108: {  	[tilespmem:s13], [sflag:$0x1] =	stream.indirect.gather [spmem:s2], $0x80, s30, s10, $0xb8;
	[tilespmem:$0x10830] =	vst v63  }
0x109: {  	_ =	swait.ge [sflag:s12], $0x4000  }
0x10a: {  	[sflag:s12] =	ssyncset.done $0x0  }
0x10b: {  	s31 =	sadd.s32 $0x5000, s20;
	[sflag:s12] =	ssyncadd.s32 $0xFFFFC000  }
0x10c: {  	[hbm4b:s31+s3] =	stream.linear.scatter [tilespmem:s13], [sflag:$0x2], $0x4000, $0x38;
	[tilespmem:$0x10830] =	vst v63  }
0x10d: {  	_ =	swait.ge [sflag:s15], $0x4000  }
0x10e: {  	[sflag:s15] =	ssyncset.done $0x0  }
0x10f: {  	s22 =	rddreg [dreg:$0xe];
	[sflag:s15] =	ssyncadd.s32 $0xFFFFC000  }
0x110: {  	[tilespmem:s14], [sflag:$0x1] =	stream.indirect.gather [spmem:s2], $0x80, s22, s10, $0xb8;
	[tilespmem:$0x10830] =	vst v63  }
0x111: {  	_ =	swait.ge [sflag:s12], $0x4000  }
0x112: {  	[sflag:s12] =	ssyncset.done $0x0  }
0x113: {  	s23 =	sadd.s32 $0x5800, s20;
	[sflag:s12] =	ssyncadd.s32 $0xFFFFC000  }
0x114: {  	[hbm4b:s23+s3] =	stream.linear.scatter [tilespmem:s14], [sflag:$0x2], $0x4000, $0x38;
	[tilespmem:$0x10830] =	vst v63  }
0x115: {  	_ =	swait.ge [sflag:s15], $0x4000  }
0x116: {  	[sflag:s15] =	ssyncset.done $0x0  }
0x117: {  	s24 =	rddreg [dreg:$0xf];
	[sflag:s15] =	ssyncadd.s32 $0xFFFFC000  }
0x118: {  	[tilespmem:s11], [sflag:$0x1] =	stream.indirect.gather [spmem:s2], $0x80, s24, s10, $0xb8;
	[tilespmem:$0x10830] =	vst v63  }
0x119: {  	_ =	swait.ge [sflag:s12], $0x4000  }
0x11a: {  	[sflag:s12] =	ssyncset.done $0x0  }
0x11b: {  	s25 =	sadd.s32 $0x6000, s20;
	[sflag:s12] =	ssyncadd.s32 $0xFFFFC000  }
0x11c: {  	[hbm4b:s25+s3] =	stream.linear.scatter [tilespmem:s11], [sflag:$0x2], $0x4000, $0x38;
	[tilespmem:$0x10830] =	vst v63  }
0x11d: {  	_ =	swait.ge [sflag:s15], $0x4000  }
0x11e: {  	[sflag:s15] =	ssyncset.done $0x0  }
0x11f: {  	s26 =	rddreg [dreg:$0x10];
	[sflag:s15] =	ssyncadd.s32 $0xFFFFC000  }
0x120: {  	[tilespmem:s16], [sflag:$0x1] =	stream.indirect.gather [spmem:s2], $0x80, s26, s10, $0xb8;
	[tilespmem:$0x10830] =	vst v63  }
0x121: {  	_ =	swait.ge [sflag:s12], $0x4000  }
0x122: {  	[sflag:s12] =	ssyncset.done $0x0  }
0x123: {  	s28 =	sadd.s32 $0x6800, s20;
	[sflag:s12] =	ssyncadd.s32 $0xFFFFC000  }
0x124: {  	[hbm4b:s28+s3] =	stream.linear.scatter [tilespmem:s16], [sflag:$0x2], $0x4000, $0x38;
	[tilespmem:$0x10830] =	vst v63  }
0x125: {  	_ =	swait.ge [sflag:s15], $0x4000  }
0x126: {  	[sflag:s15] =	ssyncset.done $0x0  }
0x127: {  	s29 =	rddreg [dreg:$0x11];
	[sflag:s15] =	ssyncadd.s32 $0xFFFFC000  }
0x128: {  	[tilespmem:s13], [sflag:$0x1] =	stream.indirect.gather [spmem:s2], $0x80, s29, s10, $0xb8;
	[tilespmem:$0x10830] =	vst v63  }
0x129: {  	_ =	swait.ge [sflag:s12], $0x4000  }
0x12a: {  	[sflag:s12] =	ssyncset.done $0x0  }
0x12b: {  	s30 =	sadd.s32 $0x7000, s20;
	[sflag:s12] =	ssyncadd.s32 $0xFFFFC000  }
0x12c: {  	[hbm4b:s30+s3] =	stream.linear.scatter [tilespmem:s13], [sflag:$0x2], $0x4000, $0x38;
	[tilespmem:$0x10830] =	vst v63  }
0x12d: {  	s18 =	sadd.s32 $0x8000, s18;
	_ =	swait.ge [sflag:s15], $0x4000  }
0x12e: {  	p1 =	sne.s32 s18, $0x190000;
	[sflag:s15] =	ssyncset.done $0x0  }
.Ltmp0:
0x12f: {  	s31 =	rddreg [dreg:$0x12];
	[sflag:s15] =	ssyncadd.s32 $0xFFFFC000;
	(pc) =	sbr.rel @p1 .LBB2_2-.Ltmp0, $4  }
0x130: {  	[tilespmem:s14], [sflag:$0x1] =	stream.indirect.gather [spmem:s2], $0x80, s31, s10, $0xb8;
	[tilespmem:$0x10830] =	vst v63  }
0x131: {  	_ =	swait.ge [sflag:s12], $0x4000  }
0x132: {  	[sflag:s12] =	ssyncset.done $0x0  }
0x133: {  	s19 =	sadd.s32 $0x100, s19;
	s20 =	sadd.s32 $0x7800, s20;
	[sflag:s12] =	ssyncadd.s32 $0xFFFFC000  }
0x134: {  	[hbm4b:s20+s3] =	stream.linear.scatter [tilespmem:s14], [sflag:$0x2], $0x4000, $0x38;
	[tilespmem:$0x10830] =	vst v63  }
0x135: {  	_ =	swait.ge [sflag:s15], $0x4000  }
0x136: {  	[sflag:s15] =	ssyncset.done $0x0  }
0x137: {  	[sflag:s15] =	ssyncadd.s32 $0xFFFFC000  }
0x138: {  	_ =	swait.ge [sflag:s15], $0x4000  }
0x139: {  	[sflag:s15] =	ssyncset.done $0x0  }
0x13a: {  	s17 =	sadd.s32 $0x1, s17;
	[sflag:s15] =	ssyncadd.s32 $0xFFFFC000  }
0x13b: {  	p1 =	sne.s32 s17, s4;
	_ =	swait.ge [sflag:s15], $0x4000  }
.Ltmp1:
0x13c: {  	[sflag:s15] =	ssyncset.done $0x0;
	(pc) =	sbr.rel @p1 .LBB2_1-.Ltmp1, $4  }
0x13d: {  	[sflag:s15] =	ssyncadd.s32 $0xFFFFC000  }
0x13e: {  	_ =	swait.ge [sflag:s15], $0x4000  }
0x13f: {  	[sflag:s15] =	ssyncset.done $0x0  }
0x140: {  	[sflag:s15] =	ssyncadd.s32 $0xFFFFC000  }
0x141: {  	_ =	sfence.sel $0x180000  }
0x142: {  	[bflag:$0x0] =	sbarrier.arrive $0xFFFF  }
0x143: {  	_ =	strace $0x90000047  }
0x144: {  	s0 =	sadd.s32 @!p0 $0x100000, s1;
	[bflag:$0x2] =	sbarrier.arrive $0xFFFF  }
0x145: {  	[sflag:s0] =	ssyncadd.tile.s32 @!p0 $0x1;
	_ =	shalt  }
.Lfunc_end2:
_tile_overlayer_lowered:
.L_overlay_start_2:
0x146: {  	(tag) =	ssettag $0x2  }
0x147: {  	s0 =	rddreg [dreg:$0x0];
	s2 =	stileid.u32  }
0x148: {  	s1 =	rddreg [dreg:$0x1];
	p0 =	sne.s32 s2, $0x0  }
0x149: {  	s3 =	rddreg [dreg:$0x2];
	[bflag:$0x3] =	sbarrier.arrive $0xFFFF;
	s2 =	simm.s32 @!p0 $0x1C03  }
0x14a: {  	[timem:s3], [sflag:s2] =	dma.local @!p0 [hbm:s0], s1  }
0x14b: {  	s0 =	simm.s32 @!p0 $0x3  }
0x14c: {  	_ =	swait.ge @!p0 [sflag:s0], s1  }
0x14d: {  	s1 =	ssub.s32 @!p0 $0x0, s1;
	[sflag:s0] =	ssyncset.done @!p0 $0x0  }
0x14e: {  	[sflag:s0] =	ssyncadd.s32 @!p0 s1  }
0x14f: {  	[bflag:$0x3] =	sbarrier.arrive $0xFFFF  }
0x150: {  	_ =	shalt  }

</sc_bundles>
